<compile_context>
chip_gen: v7x
topology: tpu7x:2x2x1
jax: 0.10.2.dev20260603
libtpu: 0.0.44.dev20260713+nightly
codegen_flags: <defaults>
</compile_context>

<pallas_src>
import functools

import jax
import jax.numpy as jnp
from jax import lax
from jax.experimental import pallas as pl
from jax.experimental.pallas import tpu as pltpu
from jax.experimental.pallas import tpu_sc as plsc

_NC = 2
_NS = 16
_LW = 16
_CH = 128



def _sc_scatter(hs, src, dst):
  n, h = hs.shape
  e = src.shape[0]
  nw = _NC * _NS
  epw = e // nw
  nfull = epw // _CH
  tail = epw - nfull * _CH
  rpt8 = (-(-n // _NS) + 7) // 8 * 8
  last = n - (_NS - 1) * rpt8
  mesh = plsc.VectorSubcoreMesh(core_axis_name="c", subcore_axis_name="s")

  scratch = []
  for _ in range(3):
    scratch += [
        pltpu.VMEM((_CH,), jnp.int32),
        pltpu.VMEM((_CH,), jnp.int32),
        pltpu.VMEM((_CH, h), jnp.float32),
        pltpu.SemaphoreType.DMA,
        pltpu.SemaphoreType.DMA,
    ]
  scratch += [pltpu.VMEM_SHARED((n, h), jnp.float32)]
  if tail:
    scratch += [pltpu.VMEM((tail,), jnp.int32),
                pltpu.VMEM((tail,), jnp.int32)]

  nloop = nfull // 3
  rem = nfull - 3 * nloop

  @functools.partial(
      pl.kernel,
      out_type=jax.ShapeDtypeStruct((_NC * n, h), jnp.float32),
      mesh=mesh,
      scratch_types=scratch,
  )
  def k(hs_hbm, src_hbm, dst_hbm, out_hbm,
        ia_s, ia_d, rows_a, sem_a, sem_ia,
        ib_s, ib_d, rows_b, sem_b, sem_ib,
        ic_s, ic_d, rows_c, sem_c, sem_ic,
        acc, *tl):
    c = lax.axis_index("c")
    s = lax.axis_index("s")
    base = (c * _NS + s) * epw
    sides = ((ia_s, ia_d, rows_a, sem_a, sem_ia),
             (ib_s, ib_d, rows_b, sem_b, sem_ib),
             (ic_s, ic_d, rows_c, sem_c, sem_ic))

    def stage(src_ref, dst_ref, src0, dst0, nrow):
      pltpu.sync_copy(src_ref.at[pl.ds(src0, nrow)],
                      dst_ref.at[pl.ds(dst0, nrow)])

    def load_idx(off, bs, bd):
      pltpu.sync_copy(src_hbm.at[pl.ds(off, _CH)], bs)
      pltpu.sync_copy(dst_hbm.at[pl.ds(off, _CH)], bd)

    def load_idx_async(off, bs, bd, sem):
      pltpu.async_copy(src_hbm.at[pl.ds(off, _CH)], bs, sem)
      pltpu.async_copy(dst_hbm.at[pl.ds(off, _CH)], bd, sem)

    def wait_idx(off, bs, bd, sem):
      pltpu.make_async_copy(src_hbm.at[pl.ds(off, _CH)], bs, sem).wait()
      pltpu.make_async_copy(dst_hbm.at[pl.ds(off, _CH)], bd, sem).wait()

    @pl.when(s < _NS - 1)
    def _():
      stage(hs_hbm, acc, s * rpt8, s * rpt8, rpt8)

    @pl.when(s == _NS - 1)
    def _():
      stage(hs_hbm, acc, (_NS - 1) * rpt8, (_NS - 1) * rpt8, last)

    plsc.subcore_barrier()

    if nloop:
      load_idx(base, ia_s, ia_d)
      pltpu.async_copy(hs_hbm.at[ia_s], rows_a, sem_a)
      load_idx(base + _CH, ib_s, ib_d)
      pltpu.async_copy(hs_hbm.at[ib_s], rows_b, sem_b)
      load_idx_async(base + 2 * _CH, ic_s, ic_d, sem_ic)

      def _tri_body(kk, carry):
        k0 = 3 * kk
        a = sides[0]; b = sides[1]; cs = sides[2]
        pltpu.make_async_copy(hs_hbm.at[a[0]], a[2], a[3]).wait()
        pltpu.sync_copy(a[2], acc.at[a[1]], add=True)

        @pl.when(kk < nloop - 1)
        def _():
          load_idx_async(base + (k0 + 3) * _CH, a[0], a[1], a[4])

        wait_idx(base + (k0 + 2) * _CH, cs[0], cs[1], cs[4])
        pltpu.async_copy(hs_hbm.at[cs[0]], cs[2], cs[3])

        pltpu.make_async_copy(hs_hbm.at[b[0]], b[2], b[3]).wait()
        pltpu.sync_copy(b[2], acc.at[b[1]], add=True)

        @pl.when(kk < nloop - 1)
        def _():
          load_idx_async(base + (k0 + 4) * _CH, b[0], b[1], b[4])
          wait_idx(base + (k0 + 3) * _CH, a[0], a[1], a[4])
          pltpu.async_copy(hs_hbm.at[a[0]], a[2], a[3])

        pltpu.make_async_copy(hs_hbm.at[cs[0]], cs[2], cs[3]).wait()
        pltpu.sync_copy(cs[2], acc.at[cs[1]], add=True)

        @pl.when(kk < nloop - 1)
        def _():
          load_idx_async(base + (k0 + 5) * _CH, cs[0], cs[1], cs[4])
          wait_idx(base + (k0 + 4) * _CH, b[0], b[1], b[4])
          pltpu.async_copy(hs_hbm.at[b[0]], b[2], b[3])
        return carry
      lax.fori_loop(0, nloop, _tri_body, 0)

    for r in range(rem):
      off = base + (3 * nloop + r) * _CH
      load_idx(off, ia_s, ia_d)
      pltpu.async_copy(hs_hbm.at[ia_s], rows_a, sem_a).wait()
      pltpu.sync_copy(rows_a, acc.at[ia_d], add=True)

    if tail:
      isrc_t, idst_t = tl
      off = base + nfull * _CH
      pltpu.sync_copy(src_hbm.at[pl.ds(off, tail)], isrc_t)
      pltpu.sync_copy(dst_hbm.at[pl.ds(off, tail)], idst_t)
      pltpu.async_copy(hs_hbm.at[isrc_t], rows_a.at[pl.ds(0, tail)],
                       sem_a).wait()
      pltpu.sync_copy(rows_a.at[pl.ds(0, tail)], acc.at[idst_t], add=True)

    plsc.subcore_barrier()

    @pl.when(s < _NS - 1)
    def _():
      stage(acc, out_hbm, s * rpt8, c * n + s * rpt8, rpt8)

    @pl.when(s == _NS - 1)
    def _():
      stage(acc, out_hbm, (_NS - 1) * rpt8, c * n + (_NS - 1) * rpt8, last)

  return k(hs, src, dst)


def _sc_count(ones_tab, dst):
  n, h = ones_tab.shape
  e = dst.shape[0]
  nw = _NC * _NS
  epw = e // nw
  nfull = epw // _CH
  tail = epw - nfull * _CH
  rpt8 = (-(-n // _NS) + 7) // 8 * 8
  last = n - (_NS - 1) * rpt8
  npair = nfull // 2
  extra = nfull - 2 * npair
  mesh = plsc.VectorSubcoreMesh(core_axis_name="c", subcore_axis_name="s")

  scratch = [
      pltpu.VMEM((_CH,), jnp.int32),
      pltpu.VMEM((_CH,), jnp.int32),
      pltpu.VMEM((_CH, h), jnp.float32),
      pltpu.VMEM_SHARED((n, h), jnp.float32),
      pltpu.SemaphoreType.DMA,
      pltpu.SemaphoreType.DMA,
  ]
  if tail:
    scratch += [pltpu.VMEM((tail,), jnp.int32)]

  @functools.partial(
      pl.kernel,
      out_type=jax.ShapeDtypeStruct((_NC * n, h), jnp.float32),
      mesh=mesh,
      scratch_types=scratch,
  )
  def k(ones_hbm, dst_hbm, out_hbm, ia, ib, ones_v, acc, sem_a, sem_b, *tl):
    c = lax.axis_index("c")
    s = lax.axis_index("s")
    base = (c * _NS + s) * epw

    def stage(src_ref, dst_ref, src0, dst0, nrow):
      pltpu.sync_copy(src_ref.at[pl.ds(src0, nrow)],
                      dst_ref.at[pl.ds(dst0, nrow)])

    @pl.when(s < _NS - 1)
    def _():
      stage(ones_hbm, acc, s * rpt8, s * rpt8, rpt8)

    @pl.when(s == _NS - 1)
    def _():
      stage(ones_hbm, acc, (_NS - 1) * rpt8, (_NS - 1) * rpt8, last)

    pltpu.sync_copy(ones_hbm.at[pl.ds(0, _CH)], ones_v)
    plsc.subcore_barrier()

    if npair:
      pltpu.async_copy(dst_hbm.at[pl.ds(base, _CH)], ia, sem_a)

      def pair(kk, carry):
        k0 = 2 * kk
        pltpu.async_copy(dst_hbm.at[pl.ds(base + (k0 + 1) * _CH, _CH)], ib,
                         sem_b)
        pltpu.make_async_copy(dst_hbm.at[pl.ds(base, _CH)], ia, sem_a).wait()
        pltpu.sync_copy(ones_v, acc.at[ia], add=True)

        @pl.when(kk < npair - 1)
        def _():
          pltpu.async_copy(dst_hbm.at[pl.ds(base + (k0 + 2) * _CH, _CH)], ia,
                           sem_a)

        pltpu.make_async_copy(dst_hbm.at[pl.ds(base, _CH)], ib, sem_b).wait()
        pltpu.sync_copy(ones_v, acc.at[ib], add=True)
        return carry
      lax.fori_loop(0, npair, pair, 0)

    if extra:
      pltpu.sync_copy(dst_hbm.at[pl.ds(base + 2 * npair * _CH, _CH)], ia)
      pltpu.sync_copy(ones_v, acc.at[ia], add=True)

    if tail:
      idx_t, = tl
      pltpu.sync_copy(dst_hbm.at[pl.ds(base + nfull * _CH, tail)], idx_t)
      pltpu.sync_copy(ones_v.at[pl.ds(0, tail)], acc.at[idx_t], add=True)

    plsc.subcore_barrier()

    @pl.when(s < _NS - 1)
    def _():
      stage(acc, out_hbm, s * rpt8, c * n + s * rpt8, rpt8)

    @pl.when(s == _NS - 1)
    def _():
      stage(acc, out_hbm, (_NS - 1) * rpt8, c * n + (_NS - 1) * rpt8, last)

  return k(ones_tab, dst)



_BN = 2000


def _tc_prep(deg2, x, w1):
  n, d = x.shape
  h = w1.shape[1]
  nb = n // _BN

  def body(deg_ref, x_ref, w_ref, hs_ref, dis_ref):
    deg = deg_ref[0] + deg_ref[1] - 1.0
    dis = lax.rsqrt(deg)
    dis_ref[...] = dis[:, :_LW]
    hm = jnp.dot(x_ref[...], w_ref[...], preferred_element_type=jnp.float32)
    hs_ref[...] = hm * dis

  return pl.pallas_call(
      body,
      grid=(nb,),
      in_specs=[
          pl.BlockSpec((2, _BN, h), lambda i: (0, i, 0)),
          pl.BlockSpec((_BN, d), lambda i: (i, 0)),
          pl.BlockSpec((d, h), lambda i: (0, 0)),
      ],
      out_specs=[
          pl.BlockSpec((_BN, h), lambda i: (i, 0)),
          pl.BlockSpec((_BN, _LW), lambda i: (i, 0)),
      ],
      out_shape=[
          jax.ShapeDtypeStruct((n, h), jnp.float32),
          jax.ShapeDtypeStruct((n, _LW), jnp.float32),
      ],
  )(deg2, x, w1)


def _tc_layer(s2, hs, dis, b, g, be, wn):
  n, h = hs.shape
  nb = n // _BN

  def body(s2_ref, hs_ref, dis_ref, b_ref, g_ref, be_ref, wn_ref,
           out_ref, ystore, stats):
    i = pl.program_id(0)

    @pl.when(i == 0)
    def _():
      stats[...] = jnp.zeros_like(stats)
      out_ref[...] = jnp.zeros_like(out_ref)

    @pl.when(i < nb)
    def _():
      y = (dis_ref[...][:, 0:1] * (s2_ref[0] + s2_ref[1] - hs_ref[...])
           + b_ref[...])
      ystore[pl.ds(i * _BN, _BN), :] = y
      stats[0:1, :] += jnp.sum(y, axis=0, keepdims=True)
      stats[1:2, :] += jnp.sum(y * y, axis=0, keepdims=True)

    @pl.when(i >= nb)
    def _():
      @pl.when(i == nb)
      def _():
        mean = stats[0:1, :] / n
        var = stats[1:2, :] / n - mean * mean
        stats[2:3, :] = mean
        stats[3:4, :] = lax.rsqrt(var + 1e-5)

      j = i - nb
      y = ystore[pl.ds(j * _BN, _BN), :]
      xp = jnp.maximum((y - stats[2:3, :]) * stats[3:4, :] * g_ref[...]
                       + be_ref[...], 0.0)
      out_ref[...] = dis_ref[...][:, 0:1] * jnp.dot(
          xp, wn_ref[...], preferred_element_type=jnp.float32)

  return pl.pallas_call(
      body,
      grid=(2 * nb,),
      in_specs=[
          pl.BlockSpec((2, _BN, h), lambda i: (0, jnp.minimum(i, nb - 1), 0)),
          pl.BlockSpec((_BN, h), lambda i: (jnp.minimum(i, nb - 1), 0)),
          pl.BlockSpec((_BN, _LW),
                       lambda i: (jnp.where(i < nb, i, i - nb), 0)),
          pl.BlockSpec((1, h), lambda i: (0, 0)),
          pl.BlockSpec((1, h), lambda i: (0, 0)),
          pl.BlockSpec((1, h), lambda i: (0, 0)),
          pl.BlockSpec((h, h), lambda i: (0, 0)),
      ],
      out_specs=pl.BlockSpec((_BN, h), lambda i: (jnp.maximum(i - nb, 0), 0)),
      out_shape=jax.ShapeDtypeStruct((n, h), jnp.float32),
      scratch_shapes=[
          pltpu.VMEM((n, h), jnp.float32),
          pltpu.VMEM((8, h), jnp.float32),
      ],
  )(s2, hs, dis, b, g, be, wn)


def _tc_final(s2, hs, dis, b, g, be, batch2, wc, bc):
  n, h = hs.shape
  nb = n // _BN
  ng = 16
  co = wc.shape[1]

  def body(s2_ref, hs_ref, dis_ref, b_ref, g_ref, be_ref, batch_ref,
           wc_ref, bc_ref, out_ref, ystore, stats, psum, pcnt):
    i = pl.program_id(0)

    @pl.when(i == 0)
    def _():
      stats[...] = jnp.zeros_like(stats)
      psum[...] = jnp.zeros_like(psum)
      pcnt[...] = jnp.zeros_like(pcnt)
      out_ref[...] = jnp.zeros_like(out_ref)

    @pl.when(i < nb)
    def _():
      y = (dis_ref[...][:, 0:1] * (s2_ref[0] + s2_ref[1] - hs_ref[...])
           + b_ref[...])
      ystore[pl.ds(i * _BN, _BN), :] = y
      stats[0:1, :] += jnp.sum(y, axis=0, keepdims=True)
      stats[1:2, :] += jnp.sum(y * y, axis=0, keepdims=True)

    @pl.when(i >= nb)
    def _():
      @pl.when(i == nb)
      def _():
        mean = stats[0:1, :] / n
        var = stats[1:2, :] / n - mean * mean
        stats[2:3, :] = mean
        stats[3:4, :] = lax.rsqrt(var + 1e-5)

      j = i - nb
      y = ystore[pl.ds(j * _BN, _BN), :]
      xp = jnp.maximum((y - stats[2:3, :]) * stats[3:4, :] * g_ref[...]
                       + be_ref[...], 0.0)
      oh = (batch_ref[...] == lax.broadcasted_iota(jnp.int32, (1, ng), 1)
            ).astype(jnp.float32)
      psum[...] += lax.dot_general(oh, xp, (((0,), (0,)), ((), ())),
                                   preferred_element_type=jnp.float32)
      ones = jnp.ones((_BN, 1), jnp.float32)
      pcnt[...] += lax.dot_general(oh, ones, (((0,), (0,)), ((), ())),
                                   preferred_element_type=jnp.float32)

      @pl.when(i == 2 * nb - 1)
      def _():
        p = psum[...] / jnp.maximum(pcnt[...], 1.0)
        out_ref[...] = jnp.dot(p, wc_ref[...],
                               preferred_element_type=jnp.float32) + bc_ref[...]

  return pl.pallas_call(
      body,
      grid=(2 * nb,),
      in_specs=[
          pl.BlockSpec((2, _BN, h), lambda i: (0, jnp.minimum(i, nb - 1), 0)),
          pl.BlockSpec((_BN, h), lambda i: (jnp.minimum(i, nb - 1), 0)),
          pl.BlockSpec((_BN, _LW),
                       lambda i: (jnp.where(i < nb, i, i - nb), 0)),
          pl.BlockSpec((1, h), lambda i: (0, 0)),
          pl.BlockSpec((1, h), lambda i: (0, 0)),
          pl.BlockSpec((1, h), lambda i: (0, 0)),
          pl.BlockSpec((_BN, 1), lambda i: (jnp.maximum(i - nb, 0), 0)),
          pl.BlockSpec((h, co), lambda i: (0, 0)),
          pl.BlockSpec((1, co), lambda i: (0, 0)),
      ],
      out_specs=pl.BlockSpec((ng, co), lambda i: (0, 0)),
      out_shape=jax.ShapeDtypeStruct((ng, co), jnp.float32),
      scratch_shapes=[
          pltpu.VMEM((n, h), jnp.float32),
          pltpu.VMEM((8, h), jnp.float32),
          pltpu.VMEM((ng, h), jnp.float32),
          pltpu.VMEM((ng, h), jnp.float32),
      ],
  )(s2, hs, dis, b, g, be, batch2, wc, bc)



def kernel(x, edge_index, batch, W1, b1, g1, be1, W2, b2, g2, be2,
           W3, b3, g3, be3, Wc, bc):
  n, d = x.shape
  h = W1.shape[1]
  src_i = edge_index[0]
  dst_i = edge_index[1]

  ones_tab = jnp.ones((n, h), jnp.float32)
  degp = _sc_count(ones_tab, dst_i).reshape(_NC, n, h)
  hs1, dis = _tc_prep(degp, x, W1)

  s1 = _sc_scatter(hs1, src_i, dst_i).reshape(_NC, n, h)
  hs2 = _tc_layer(s1, hs1, dis, b1.reshape(1, h), g1.reshape(1, h),
                  be1.reshape(1, h), W2)

  s2m = _sc_scatter(hs2, src_i, dst_i).reshape(_NC, n, h)
  hs3 = _tc_layer(s2m, hs2, dis, b2.reshape(1, h), g2.reshape(1, h),
                  be2.reshape(1, h), W3)

  s3m = _sc_scatter(hs3, src_i, dst_i).reshape(_NC, n, h)
  logits = _tc_final(s3m, hs3, dis, b3.reshape(1, h), g3.reshape(1, h),
                     be3.reshape(1, h), batch.reshape(n, 1), Wc,
                     bc.reshape(1, Wc.shape[1]))
  return logits

# --- scband reference (transcript-rebuilt; emitter-appended) ---
"""Pipeline reference for scband-baseline-gnn-45586782880378 (READ-ONLY COPY).

The authoritative reference and input builder live on the scoring server;
editing this copy changes nothing except your own understanding.
"""

import jax, jax.numpy as jnp
import numpy as np

N = 10000
E = 320000
D = 128
H = 128
C = 10
G = 16

def gcn_conv(x, edge_index, W, b):
    n = x.shape[0]
    loop = jnp.arange(n, dtype=edge_index.dtype)
    src = jnp.concatenate([edge_index[0], loop])
    dst = jnp.concatenate([edge_index[1], loop])
    deg = jnp.zeros((n,), dtype=x.dtype).at[dst].add(1.0)
    dis = jnp.where(deg > 0, 1.0 / jnp.sqrt(deg), 0.0)
    norm = dis[src] * dis[dst]
    h = x @ W
    msg = h[src] * norm[:, None]
    out = jnp.zeros((n, h.shape[1]), dtype=x.dtype).at[dst].add(msg)
    return out + b

def batch_norm(h, gamma, beta, eps=1e-5):
    mean = jnp.mean(h, axis=0)
    var = jnp.mean((h - mean) ** 2, axis=0)
    return (h - mean) / jnp.sqrt(var + eps) * gamma + beta

def global_mean_pool(x, batch, num_graphs):
    sums = jax.ops.segment_sum(x, batch, num_segments=num_graphs)
    cnt = jax.ops.segment_sum(jnp.ones((x.shape[0],), dtype=x.dtype), batch, num_segments=num_graphs)
    return sums / jnp.clip(cnt, 1.0)[:, None]

def setup_inputs(seed: int = 0):
    key = jax.random.key(seed)
    ks = jax.random.split(key, 12)
    x = jax.random.normal(ks[0], (N, D), dtype=jnp.float32)
    edge_index = jax.random.randint(ks[1], (2, E), 0, N, dtype=jnp.int32)
    batch = jnp.sort(jax.random.randint(ks[2], (N,), 0, G, dtype=jnp.int32))
    s1 = 1.0 / np.sqrt(D)
    s2 = 1.0 / np.sqrt(H)
    W1 = jax.random.normal(ks[3], (D, H), dtype=jnp.float32) * s1
    W2 = jax.random.normal(ks[4], (H, H), dtype=jnp.float32) * s2
    W3 = jax.random.normal(ks[5], (H, H), dtype=jnp.float32) * s2
    Wc = jax.random.normal(ks[6], (H, C), dtype=jnp.float32) * s2
    zH = jnp.zeros((H,), dtype=jnp.float32)
    oH = jnp.ones((H,), dtype=jnp.float32)
    return {
        'x': x, 'edge_index': edge_index, 'batch': batch,
        'W1': W1, 'b1': zH, 'g1': oH, 'be1': zH,
        'W2': W2, 'b2': zH, 'g2': oH, 'be2': zH,
        'W3': W3, 'b3': zH, 'g3': oH, 'be3': zH,
        'Wc': Wc, 'bc': jnp.zeros((C,), dtype=jnp.float32),
    }

def reference(x, edge_index, batch, W1, b1, g1, be1, W2, b2, g2, be2, W3, b3, g3, be3, Wc, bc):
    h = jax.nn.relu(batch_norm(gcn_conv(x, edge_index, W1, b1), g1, be1))
    h = jax.nn.relu(batch_norm(gcn_conv(h, edge_index, W2, b2), g2, be2))
    h = jax.nn.relu(batch_norm(gcn_conv(h, edge_index, W3, b3), g3, be3))
    p = global_mean_pool(h, batch, G)
    logits = p @ Wc + bc
    return logits

if __name__ == "__main__":
    import jax
    _d = setup_inputs()
    print(jax.jit(kernel)(*tuple(_d.values())))

</pallas_src>

<mosaic_0001>
#map = affine_map<(d0, d1) -> (0, 0)>
#map1 = affine_map<(d0, d1) -> (0)>
module attributes {stable_mosaic.version = 14 : i64} {
  func.func @k(%arg0: i32, %arg1: i32, %arg2: memref<10000x128xf32, #tpu.memory_space<hbm>>, %arg3: memref<320000xi32, #tpu.memory_space<hbm>>, %arg4: memref<20000x128xf32, #tpu.memory_space<hbm>>, %arg5: memref<128xi32, #tpu.memory_space<vmem>>, %arg6: memref<128xi32, #tpu.memory_space<vmem>>, %arg7: memref<128x128xf32, #tpu.memory_space<vmem>>, %arg8: memref<10000x128xf32, #tpu.memory_space<vmem_shared>>, %arg9: memref<!tpu.dma_semaphore, #tpu.memory_space<semaphore_mem>>, %arg10: memref<!tpu.dma_semaphore, #tpu.memory_space<semaphore_mem>>, %arg11: memref<16xi32, #tpu.memory_space<vmem>>) attributes {dimension_semantics = [#tpu.dimension_semantics<core_parallel>, #tpu.dimension_semantics<subcore_parallel>], iteration_bounds = array<i64: 2, 16>, scalar_prefetch = 0 : i64, scratch_operands = 7 : i64, tpu.core_type = #tpu.core_type<sc_vector_subcore>, window_params = [{transform_indices = #map}, {transform_indices = #map1}, {transform_indices = #map}]} {
    %mul3A = arith.constant 16 : i32
    %mul3A_0 = arith.muli %arg0, %mul3A : i32
    %add3A = arith.addi %mul3A_0, %arg1 : i32
    %mul3A_1 = arith.constant 10000 : i32
    %mul3A_2 = arith.muli %add3A, %mul3A_1 : i32
    %lt3A = arith.constant 15 : i32
    %lt3A_3 = arith.cmpi slt, %arg1, %lt3A : i32
    %convert_element_type3A = arith.extui %lt3A_3 : i1 to i32
    %cond3A = arith.constant 0 : i32
    %cond3A_4 = arith.cmpi ne, %convert_element_type3A, %cond3A : i32
    scf.if %cond3A_4 {
      %mul3A_28 = arith.constant 632 : i32
      %mul3A_29 = arith.muli %arg1, %mul3A_28 : i32
      %mul3A_30 = arith.constant 632 : i32
      %mul3A_31 = arith.muli %arg1, %mul3A_30 : i32
      "tpu.region"() ({
        %run_scoped3A = tpu.sem_alloc : memref<!tpu.dma_semaphore, #tpu.memory_space<semaphore_mem>>
        %dma_start3A_32 = arith.constant 0 : i32
        %dma_start3A_33 = tpu.memref_slice %arg8[%mul3A_31, %dma_start3A_32] : memref<10000x128xf32, #tpu.memory_space<vmem_shared>> -> memref<632x128xf32, #tpu.memory_space<vmem_shared>>
        %dma_start3A_34 = arith.constant 0 : i32
        %dma_start3A_35 = tpu.memref_slice %arg2[%mul3A_29, %dma_start3A_34] : memref<10000x128xf32, #tpu.memory_space<hbm>> -> memref<632x128xf32, #tpu.memory_space<hbm>>
        tpu.enqueue_dma source(%dma_start3A_35 : memref<632x128xf32, #tpu.memory_space<hbm>>) target(%dma_start3A_33 : memref<632x128xf32, #tpu.memory_space<vmem_shared>>) target_semaphore(%run_scoped3A : memref<!tpu.dma_semaphore, #tpu.memory_space<semaphore_mem>>)
        %dma_wait3A = arith.constant 0 : i32
        %dma_wait3A_36 = tpu.memref_slice %arg8[%mul3A_31, %dma_wait3A] : memref<10000x128xf32, #tpu.memory_space<vmem_shared>> -> memref<632x128xf32, #tpu.memory_space<vmem_shared>>
        %dma_wait3A_37 = arith.constant 0 : i32
        %dma_wait3A_38 = tpu.memref_slice %arg2[%mul3A_29, %dma_wait3A_37] : memref<10000x128xf32, #tpu.memory_space<hbm>> -> memref<632x128xf32, #tpu.memory_space<hbm>>
        tpu.wait_dma2 semaphore(%run_scoped3A : memref<!tpu.dma_semaphore, #tpu.memory_space<semaphore_mem>>) src(%dma_wait3A_38 : memref<632x128xf32, #tpu.memory_space<hbm>>) dst(%dma_wait3A_36 : memref<632x128xf32, #tpu.memory_space<vmem_shared>>)
        tpu.yield
      }) : () -> ()
    } else {
    }
    %eq3A = arith.constant 15 : i32
    %eq3A_5 = arith.cmpi eq, %arg1, %eq3A : i32
    %convert_element_type3A_6 = arith.extui %eq3A_5 : i1 to i32
    %cond3A_7 = arith.constant 0 : i32
    %cond3A_8 = arith.cmpi ne, %convert_element_type3A_6, %cond3A_7 : i32
    scf.if %cond3A_8 {
      "tpu.region"() ({
        %run_scoped3A = tpu.sem_alloc : memref<!tpu.dma_semaphore, #tpu.memory_space<semaphore_mem>>
        %dma_start3A_28 = arith.constant 9480 : i32
        %dma_start3A_29 = arith.constant 0 : i32
        %dma_start3A_30 = tpu.memref_slice %arg8[%dma_start3A_28, %dma_start3A_29] : memref<10000x128xf32, #tpu.memory_space<vmem_shared>> -> memref<520x128xf32, #tpu.memory_space<vmem_shared>>
        %dma_start3A_31 = arith.constant 9480 : i32
        %dma_start3A_32 = arith.constant 0 : i32
        %dma_start3A_33 = tpu.memref_slice %arg2[%dma_start3A_31, %dma_start3A_32] : memref<10000x128xf32, #tpu.memory_space<hbm>> -> memref<520x128xf32, #tpu.memory_space<hbm>>
        tpu.enqueue_dma source(%dma_start3A_33 : memref<520x128xf32, #tpu.memory_space<hbm>>) target(%dma_start3A_30 : memref<520x128xf32, #tpu.memory_space<vmem_shared>>) target_semaphore(%run_scoped3A : memref<!tpu.dma_semaphore, #tpu.memory_space<semaphore_mem>>)
        %dma_wait3A = arith.constant 9480 : i32
        %dma_wait3A_34 = arith.constant 0 : i32
        %dma_wait3A_35 = tpu.memref_slice %arg8[%dma_wait3A, %dma_wait3A_34] : memref<10000x128xf32, #tpu.memory_space<vmem_shared>> -> memref<520x128xf32, #tpu.memory_space<vmem_shared>>
        %dma_wait3A_36 = arith.constant 9480 : i32
        %dma_wait3A_37 = arith.constant 0 : i32
        %dma_wait3A_38 = tpu.memref_slice %arg2[%dma_wait3A_36, %dma_wait3A_37] : memref<10000x128xf32, #tpu.memory_space<hbm>> -> memref<520x128xf32, #tpu.memory_space<hbm>>
        tpu.wait_dma2 semaphore(%run_scoped3A : memref<!tpu.dma_semaphore, #tpu.memory_space<semaphore_mem>>) src(%dma_wait3A_38 : memref<520x128xf32, #tpu.memory_space<hbm>>) dst(%dma_wait3A_35 : memref<520x128xf32, #tpu.memory_space<vmem_shared>>)
        tpu.yield
      }) : () -> ()
    } else {
    }
    "tpu.region"() ({
      %run_scoped3A = tpu.sem_alloc : memref<!tpu.dma_semaphore, #tpu.memory_space<semaphore_mem>>
      %dma_start3A_28 = arith.constant 0 : i32
      %dma_start3A_29 = arith.constant 0 : i32
      %dma_start3A_30 = tpu.memref_slice %arg2[%dma_start3A_28, %dma_start3A_29] : memref<10000x128xf32, #tpu.memory_space<hbm>> -> memref<128x128xf32, #tpu.memory_space<hbm>>
      %dma_start3A_31 = arith.constant 0 : i32
      %dma_start3A_32 = arith.constant 0 : i32
      %dma_start3A_33 = tpu.memref_slice %arg2[%dma_start3A_31, %dma_start3A_32] : memref<10000x128xf32, #tpu.memory_space<hbm>> -> memref<128x128xf32, #tpu.memory_space<hbm>>
      tpu.enqueue_dma source(%dma_start3A_33 : memref<128x128xf32, #tpu.memory_space<hbm>>) target(%arg7 : memref<128x128xf32, #tpu.memory_space<vmem>>) target_semaphore(%run_scoped3A : memref<!tpu.dma_semaphore, #tpu.memory_space<semaphore_mem>>)
      %dma_wait3A = arith.constant 0 : i32
      %dma_wait3A_34 = arith.constant 0 : i32
      %dma_wait3A_35 = tpu.memref_slice %arg2[%dma_wait3A, %dma_wait3A_34] : memref<10000x128xf32, #tpu.memory_space<hbm>> -> memref<128x128xf32, #tpu.memory_space<hbm>>
      %dma_wait3A_36 = arith.constant 0 : i32
      %dma_wait3A_37 = arith.constant 0 : i32
      %dma_wait3A_38 = tpu.memref_slice %arg2[%dma_wait3A_36, %dma_wait3A_37] : memref<10000x128xf32, #tpu.memory_space<hbm>> -> memref<128x128xf32, #tpu.memory_space<hbm>>
      tpu.wait_dma2 semaphore(%run_scoped3A : memref<!tpu.dma_semaphore, #tpu.memory_space<semaphore_mem>>) src(%dma_wait3A_38 : memref<128x128xf32, #tpu.memory_space<hbm>>) dst(%arg7 : memref<128x128xf32, #tpu.memory_space<vmem>>)
      tpu.yield
    }) : () -> ()
    %barrier3A = arith.constant 0 : index
    tpu.barrier barrier_id(%barrier3A)
    %dma_start3A = tpu.memref_slice %arg3[%mul3A_2] : memref<320000xi32, #tpu.memory_space<hbm>> -> memref<128xi32, #tpu.memory_space<hbm>>
    %dma_start3A_9 = tpu.memref_slice %arg3[%mul3A_2] : memref<320000xi32, #tpu.memory_space<hbm>> -> memref<128xi32, #tpu.memory_space<hbm>>
    tpu.enqueue_dma source(%dma_start3A_9 : memref<128xi32, #tpu.memory_space<hbm>>) target(%arg5 : memref<128xi32, #tpu.memory_space<vmem>>) target_semaphore(%arg9 : memref<!tpu.dma_semaphore, #tpu.memory_space<semaphore_mem>>)
    %scan3A = arith.constant 0 : i32
    %scan3A_10 = arith.constant 0 : i32
    %scan3A_11 = arith.constant 39 : i32
    %scan3A_12 = arith.addi %scan3A_10, %scan3A_11 : i32
    %scan3A_13 = arith.constant 1 : i32
    scf.for %scan3A_28 = %scan3A_10 to %scan3A_12 step %scan3A_13  : i32 {
      %mul3A_29 = arith.constant 2 : i32
      %mul3A_30 = arith.muli %mul3A_29, %scan3A_28 : i32
      %add3A_31 = arith.constant 1 : i32
      %add3A_32 = arith.addi %mul3A_30, %add3A_31 : i32
      %mul3A_33 = arith.constant 128 : i32
      %mul3A_34 = arith.muli %add3A_32, %mul3A_33 : i32
      %add3A_35 = arith.addi %mul3A_2, %mul3A_34 : i32
      %dma_start3A_36 = tpu.memref_slice %arg3[%add3A_35] : memref<320000xi32, #tpu.memory_space<hbm>> -> memref<128xi32, #tpu.memory_space<hbm>>
      %dma_start3A_37 = tpu.memref_slice %arg3[%add3A_35] : memref<320000xi32, #tpu.memory_space<hbm>> -> memref<128xi32, #tpu.memory_space<hbm>>
      tpu.enqueue_dma source(%dma_start3A_37 : memref<128xi32, #tpu.memory_space<hbm>>) target(%arg6 : memref<128xi32, #tpu.memory_space<vmem>>) target_semaphore(%arg10 : memref<!tpu.dma_semaphore, #tpu.memory_space<semaphore_mem>>)
      %dma_wait3A = tpu.memref_slice %arg3[%mul3A_2] : memref<320000xi32, #tpu.memory_space<hbm>> -> memref<128xi32, #tpu.memory_space<hbm>>
      %dma_wait3A_38 = tpu.memref_slice %arg3[%mul3A_2] : memref<320000xi32, #tpu.memory_space<hbm>> -> memref<128xi32, #tpu.memory_space<hbm>>
      tpu.wait_dma2 semaphore(%arg9 : memref<!tpu.dma_semaphore, #tpu.memory_space<semaphore_mem>>) src(%dma_wait3A_38 : memref<128xi32, #tpu.memory_space<hbm>>) dst(%arg5 : memref<128xi32, #tpu.memory_space<vmem>>)
      "tpu.region"() ({
        %run_scoped3A = tpu.sem_alloc : memref<!tpu.dma_semaphore, #tpu.memory_space<semaphore_mem>>
        %dma_start3A_46 = arith.constant 0 : i32
        %dma_start3A_47 = arith.constant 0 : i32
        %dma_start3A_48 = tpu.memref_slice %arg8[%dma_start3A_46, %dma_start3A_47] : memref<10000x128xf32, #tpu.memory_space<vmem_shared>> -> memref<10000x128xf32, #tpu.memory_space<vmem_shared>>
        tpu.enqueue_indirect_dma source(%arg7 : memref<128x128xf32, #tpu.memory_space<vmem>>) target(%dma_start3A_48 : memref<10000x128xf32, #tpu.memory_space<vmem_shared>>) offsets(%arg5 : memref<128xi32, #tpu.memory_space<vmem>>) semaphore(%run_scoped3A : memref<!tpu.dma_semaphore, #tpu.memory_space<semaphore_mem>>) {add = true}
        %dma_wait3A_49 = arith.constant 0 : i32
        %dma_wait3A_50 = arith.constant 0 : i32
        %dma_wait3A_51 = tpu.memref_slice %arg8[%dma_wait3A_49, %dma_wait3A_50] : memref<10000x128xf32, #tpu.memory_space<vmem_shared>> -> memref<10000x128xf32, #tpu.memory_space<vmem_shared>>
        tpu.wait_indirect_dma semaphore(%run_scoped3A : memref<!tpu.dma_semaphore, #tpu.memory_space<semaphore_mem>>) src(%arg7 : memref<128x128xf32, #tpu.memory_space<vmem>>) dst(%dma_wait3A_51 : memref<10000x128xf32, #tpu.memory_space<vmem_shared>>)
        tpu.yield
      }) : () -> ()
      %lt3A_39 = arith.constant 38 : i32
      %lt3A_40 = arith.cmpi slt, %scan3A_28, %lt3A_39 : i32
      %convert_element_type3A_41 = arith.extui %lt3A_40 : i1 to i32
      %cond3A_42 = arith.constant 0 : i32
      %cond3A_43 = arith.cmpi ne, %convert_element_type3A_41, %cond3A_42 : i32
      scf.if %cond3A_43 {
        %add3A_46 = arith.constant 2 : i32
        %add3A_47 = arith.addi %mul3A_30, %add3A_46 : i32
        %mul3A_48 = arith.constant 128 : i32
        %mul3A_49 = arith.muli %add3A_47, %mul3A_48 : i32
        %add3A_50 = arith.addi %mul3A_2, %mul3A_49 : i32
        %dma_start3A_51 = tpu.memref_slice %arg3[%add3A_50] : memref<320000xi32, #tpu.memory_space<hbm>> -> memref<128xi32, #tpu.memory_space<hbm>>
        %dma_start3A_52 = tpu.memref_slice %arg3[%add3A_50] : memref<320000xi32, #tpu.memory_space<hbm>> -> memref<128xi32, #tpu.memory_space<hbm>>
        tpu.enqueue_dma source(%dma_start3A_52 : memref<128xi32, #tpu.memory_space<hbm>>) target(%arg5 : memref<128xi32, #tpu.memory_space<vmem>>) target_semaphore(%arg9 : memref<!tpu.dma_semaphore, #tpu.memory_space<semaphore_mem>>)
      } else {
      }
      %dma_wait3A_44 = tpu.memref_slice %arg3[%mul3A_2] : memref<320000xi32, #tpu.memory_space<hbm>> -> memref<128xi32, #tpu.memory_space<hbm>>
      %dma_wait3A_45 = tpu.memref_slice %arg3[%mul3A_2] : memref<320000xi32, #tpu.memory_space<hbm>> -> memref<128xi32, #tpu.memory_space<hbm>>
      tpu.wait_dma2 semaphore(%arg10 : memref<!tpu.dma_semaphore, #tpu.memory_space<semaphore_mem>>) src(%dma_wait3A_45 : memref<128xi32, #tpu.memory_space<hbm>>) dst(%arg6 : memref<128xi32, #tpu.memory_space<vmem>>)
      "tpu.region"() ({
        %run_scoped3A = tpu.sem_alloc : memref<!tpu.dma_semaphore, #tpu.memory_space<semaphore_mem>>
        %dma_start3A_46 = arith.constant 0 : i32
        %dma_start3A_47 = arith.constant 0 : i32
        %dma_start3A_48 = tpu.memref_slice %arg8[%dma_start3A_46, %dma_start3A_47] : memref<10000x128xf32, #tpu.memory_space<vmem_shared>> -> memref<10000x128xf32, #tpu.memory_space<vmem_shared>>
        tpu.enqueue_indirect_dma source(%arg7 : memref<128x128xf32, #tpu.memory_space<vmem>>) target(%dma_start3A_48 : memref<10000x128xf32, #tpu.memory_space<vmem_shared>>) offsets(%arg6 : memref<128xi32, #tpu.memory_space<vmem>>) semaphore(%run_scoped3A : memref<!tpu.dma_semaphore, #tpu.memory_space<semaphore_mem>>) {add = true}
        %dma_wait3A_49 = arith.constant 0 : i32
        %dma_wait3A_50 = arith.constant 0 : i32
        %dma_wait3A_51 = tpu.memref_slice %arg8[%dma_wait3A_49, %dma_wait3A_50] : memref<10000x128xf32, #tpu.memory_space<vmem_shared>> -> memref<10000x128xf32, #tpu.memory_space<vmem_shared>>
        tpu.wait_indirect_dma semaphore(%run_scoped3A : memref<!tpu.dma_semaphore, #tpu.memory_space<semaphore_mem>>) src(%arg7 : memref<128x128xf32, #tpu.memory_space<vmem>>) dst(%dma_wait3A_51 : memref<10000x128xf32, #tpu.memory_space<vmem_shared>>)
        tpu.yield
      }) : () -> ()
    }
    %scan3A_14 = arith.constant 39 : i32
    %add3A_15 = arith.constant 9984 : i32
    %add3A_16 = arith.addi %mul3A_2, %add3A_15 : i32
    "tpu.region"() ({
      %run_scoped3A = tpu.sem_alloc : memref<!tpu.dma_semaphore, #tpu.memory_space<semaphore_mem>>
      %dma_start3A_28 = tpu.memref_slice %arg3[%add3A_16] : memref<320000xi32, #tpu.memory_space<hbm>> -> memref<16xi32, #tpu.memory_space<hbm>>
      %dma_start3A_29 = tpu.memref_slice %arg3[%add3A_16] : memref<320000xi32, #tpu.memory_space<hbm>> -> memref<16xi32, #tpu.memory_space<hbm>>
      tpu.enqueue_dma source(%dma_start3A_29 : memref<16xi32, #tpu.memory_space<hbm>>) target(%arg11 : memref<16xi32, #tpu.memory_space<vmem>>) target_semaphore(%run_scoped3A : memref<!tpu.dma_semaphore, #tpu.memory_space<semaphore_mem>>)
      %dma_wait3A = tpu.memref_slice %arg3[%add3A_16] : memref<320000xi32, #tpu.memory_space<hbm>> -> memref<16xi32, #tpu.memory_space<hbm>>
      %dma_wait3A_30 = tpu.memref_slice %arg3[%add3A_16] : memref<320000xi32, #tpu.memory_space<hbm>> -> memref<16xi32, #tpu.memory_space<hbm>>
      tpu.wait_dma2 semaphore(%run_scoped3A : memref<!tpu.dma_semaphore, #tpu.memory_space<semaphore_mem>>) src(%dma_wait3A_30 : memref<16xi32, #tpu.memory_space<hbm>>) dst(%arg11 : memref<16xi32, #tpu.memory_space<vmem>>)
      tpu.yield
    }) : () -> ()
    "tpu.region"() ({
      %run_scoped3A = tpu.sem_alloc : memref<!tpu.dma_semaphore, #tpu.memory_space<semaphore_mem>>
      %dma_start3A_28 = arith.constant 0 : i32
      %dma_start3A_29 = arith.constant 0 : i32
      %dma_start3A_30 = tpu.memref_slice %arg7[%dma_start3A_28, %dma_start3A_29] : memref<128x128xf32, #tpu.memory_space<vmem>> -> memref<16x128xf32, #tpu.memory_space<vmem>>
      %dma_start3A_31 = arith.constant 0 : i32
      %dma_start3A_32 = arith.constant 0 : i32
      %dma_start3A_33 = tpu.memref_slice %arg8[%dma_start3A_31, %dma_start3A_32] : memref<10000x128xf32, #tpu.memory_space<vmem_shared>> -> memref<10000x128xf32, #tpu.memory_space<vmem_shared>>
      tpu.enqueue_indirect_dma source(%dma_start3A_30 : memref<16x128xf32, #tpu.memory_space<vmem>>) target(%dma_start3A_33 : memref<10000x128xf32, #tpu.memory_space<vmem_shared>>) offsets(%arg11 : memref<16xi32, #tpu.memory_space<vmem>>) semaphore(%run_scoped3A : memref<!tpu.dma_semaphore, #tpu.memory_space<semaphore_mem>>) {add = true}
      %dma_wait3A = arith.constant 0 : i32
      %dma_wait3A_34 = arith.constant 0 : i32
      %dma_wait3A_35 = tpu.memref_slice %arg7[%dma_wait3A, %dma_wait3A_34] : memref<128x128xf32, #tpu.memory_space<vmem>> -> memref<16x128xf32, #tpu.memory_space<vmem>>
      %dma_wait3A_36 = arith.constant 0 : i32
      %dma_wait3A_37 = arith.constant 0 : i32
      %dma_wait3A_38 = tpu.memref_slice %arg8[%dma_wait3A_36, %dma_wait3A_37] : memref<10000x128xf32, #tpu.memory_space<vmem_shared>> -> memref<10000x128xf32, #tpu.memory_space<vmem_shared>>
      tpu.wait_indirect_dma semaphore(%run_scoped3A : memref<!tpu.dma_semaphore, #tpu.memory_space<semaphore_mem>>) src(%dma_wait3A_35 : memref<16x128xf32, #tpu.memory_space<vmem>>) dst(%dma_wait3A_38 : memref<10000x128xf32, #tpu.memory_space<vmem_shared>>)
      tpu.yield
    }) : () -> ()
    %barrier3A_17 = arith.constant 0 : index
    tpu.barrier barrier_id(%barrier3A_17)
    %lt3A_18 = arith.constant 15 : i32
    %lt3A_19 = arith.cmpi slt, %arg1, %lt3A_18 : i32
    %convert_element_type3A_20 = arith.extui %lt3A_19 : i1 to i32
    %cond3A_21 = arith.constant 0 : i32
    %cond3A_22 = arith.cmpi ne, %convert_element_type3A_20, %cond3A_21 : i32
    scf.if %cond3A_22 {
      %mul3A_28 = arith.constant 632 : i32
      %mul3A_29 = arith.muli %arg1, %mul3A_28 : i32
      %mul3A_30 = arith.constant 10000 : i32
      %mul3A_31 = arith.muli %arg0, %mul3A_30 : i32
      %mul3A_32 = arith.constant 632 : i32
      %mul3A_33 = arith.muli %arg1, %mul3A_32 : i32
      %add3A_34 = arith.addi %mul3A_31, %mul3A_33 : i32
      "tpu.region"() ({
        %run_scoped3A = tpu.sem_alloc : memref<!tpu.dma_semaphore, #tpu.memory_space<semaphore_mem>>
        %dma_start3A_35 = arith.constant 0 : i32
        %dma_start3A_36 = tpu.memref_slice %arg4[%add3A_34, %dma_start3A_35] : memref<20000x128xf32, #tpu.memory_space<hbm>> -> memref<632x128xf32, #tpu.memory_space<hbm>>
        %dma_start3A_37 = arith.constant 0 : i32
        %dma_start3A_38 = tpu.memref_slice %arg8[%mul3A_29, %dma_start3A_37] : memref<10000x128xf32, #tpu.memory_space<vmem_shared>> -> memref<632x128xf32, #tpu.memory_space<vmem_shared>>
        tpu.enqueue_dma source(%dma_start3A_38 : memref<632x128xf32, #tpu.memory_space<vmem_shared>>) target(%dma_start3A_36 : memref<632x128xf32, #tpu.memory_space<hbm>>) target_semaphore(%run_scoped3A : memref<!tpu.dma_semaphore, #tpu.memory_space<semaphore_mem>>)
        %dma_wait3A = arith.constant 0 : i32
        %dma_wait3A_39 = tpu.memref_slice %arg4[%add3A_34, %dma_wait3A] : memref<20000x128xf32, #tpu.memory_space<hbm>> -> memref<632x128xf32, #tpu.memory_space<hbm>>
        %dma_wait3A_40 = arith.constant 0 : i32
        %dma_wait3A_41 = tpu.memref_slice %arg8[%mul3A_29, %dma_wait3A_40] : memref<10000x128xf32, #tpu.memory_space<vmem_shared>> -> memref<632x128xf32, #tpu.memory_space<vmem_shared>>
        tpu.wait_dma2 semaphore(%run_scoped3A : memref<!tpu.dma_semaphore, #tpu.memory_space<semaphore_mem>>) src(%dma_wait3A_41 : memref<632x128xf32, #tpu.memory_space<vmem_shared>>) dst(%dma_wait3A_39 : memref<632x128xf32, #tpu.memory_space<hbm>>)
        tpu.yield
      }) : () -> ()
    } else {
    }
    %eq3A_23 = arith.constant 15 : i32
    %eq3A_24 = arith.cmpi eq, %arg1, %eq3A_23 : i32
    %convert_element_type3A_25 = arith.extui %eq3A_24 : i1 to i32
    %cond3A_26 = arith.constant 0 : i32
    %cond3A_27 = arith.cmpi ne, %convert_element_type3A_25, %cond3A_26 : i32
    scf.if %cond3A_27 {
      %mul3A_28 = arith.constant 10000 : i32
      %mul3A_29 = arith.muli %arg0, %mul3A_28 : i32
      %add3A_30 = arith.constant 9480 : i32
      %add3A_31 = arith.addi %mul3A_29, %add3A_30 : i32
      "tpu.region"() ({
        %run_scoped3A = tpu.sem_alloc : memref<!tpu.dma_semaphore, #tpu.memory_space<semaphore_mem>>
        %dma_start3A_32 = arith.constant 0 : i32
        %dma_start3A_33 = tpu.memref_slice %arg4[%add3A_31, %dma_start3A_32] : memref<20000x128xf32, #tpu.memory_space<hbm>> -> memref<520x128xf32, #tpu.memory_space<hbm>>
        %dma_start3A_34 = arith.constant 9480 : i32
        %dma_start3A_35 = arith.constant 0 : i32
        %dma_start3A_36 = tpu.memref_slice %arg8[%dma_start3A_34, %dma_start3A_35] : memref<10000x128xf32, #tpu.memory_space<vmem_shared>> -> memref<520x128xf32, #tpu.memory_space<vmem_shared>>
        tpu.enqueue_dma source(%dma_start3A_36 : memref<520x128xf32, #tpu.memory_space<vmem_shared>>) target(%dma_start3A_33 : memref<520x128xf32, #tpu.memory_space<hbm>>) target_semaphore(%run_scoped3A : memref<!tpu.dma_semaphore, #tpu.memory_space<semaphore_mem>>)
        %dma_wait3A = arith.constant 0 : i32
        %dma_wait3A_37 = tpu.memref_slice %arg4[%add3A_31, %dma_wait3A] : memref<20000x128xf32, #tpu.memory_space<hbm>> -> memref<520x128xf32, #tpu.memory_space<hbm>>
        %dma_wait3A_38 = arith.constant 9480 : i32
        %dma_wait3A_39 = arith.constant 0 : i32
        %dma_wait3A_40 = tpu.memref_slice %arg8[%dma_wait3A_38, %dma_wait3A_39] : memref<10000x128xf32, #tpu.memory_space<vmem_shared>> -> memref<520x128xf32, #tpu.memory_space<vmem_shared>>
        tpu.wait_dma2 semaphore(%run_scoped3A : memref<!tpu.dma_semaphore, #tpu.memory_space<semaphore_mem>>) src(%dma_wait3A_40 : memref<520x128xf32, #tpu.memory_space<vmem_shared>>) dst(%dma_wait3A_37 : memref<520x128xf32, #tpu.memory_space<hbm>>)
        tpu.yield
      }) : () -> ()
    } else {
    }
    return
  }
}

#map = affine_map<(d0, d1) -> (0, 0)>
#map1 = affine_map<(d0, d1) -> (0)>
module attributes {stable_mosaic.version = 14 : i64} {
  func.func @k(%arg0: i32, %arg1: i32, %arg2: memref<10000x128xf32, #tpu.memory_space<hbm>>, %arg3: memref<320000xi32, #tpu.memory_space<hbm>>, %arg4: memref<320000xi32, #tpu.memory_space<hbm>>, %arg5: memref<20000x128xf32, #tpu.memory_space<hbm>>, %arg6: memref<128xi32, #tpu.memory_space<vmem>>, %arg7: memref<128xi32, #tpu.memory_space<vmem>>, %arg8: memref<128x128xf32, #tpu.memory_space<vmem>>, %arg9: memref<!tpu.dma_semaphore, #tpu.memory_space<semaphore_mem>>, %arg10: memref<!tpu.dma_semaphore, #tpu.memory_space<semaphore_mem>>, %arg11: memref<128xi32, #tpu.memory_space<vmem>>, %arg12: memref<128xi32, #tpu.memory_space<vmem>>, %arg13: memref<128x128xf32, #tpu.memory_space<vmem>>, %arg14: memref<!tpu.dma_semaphore, #tpu.memory_space<semaphore_mem>>, %arg15: memref<!tpu.dma_semaphore, #tpu.memory_space<semaphore_mem>>, %arg16: memref<128xi32, #tpu.memory_space<vmem>>, %arg17: memref<128xi32, #tpu.memory_space<vmem>>, %arg18: memref<128x128xf32, #tpu.memory_space<vmem>>, %arg19: memref<!tpu.dma_semaphore, #tpu.memory_space<semaphore_mem>>, %arg20: memref<!tpu.dma_semaphore, #tpu.memory_space<semaphore_mem>>, %arg21: memref<10000x128xf32, #tpu.memory_space<vmem_shared>>, %arg22: memref<16xi32, #tpu.memory_space<vmem>>, %arg23: memref<16xi32, #tpu.memory_space<vmem>>) attributes {dimension_semantics = [#tpu.dimension_semantics<core_parallel>, #tpu.dimension_semantics<subcore_parallel>], iteration_bounds = array<i64: 2, 16>, scalar_prefetch = 0 : i64, scratch_operands = 18 : i64, tpu.core_type = #tpu.core_type<sc_vector_subcore>, window_params = [{transform_indices = #map}, {transform_indices = #map1}, {transform_indices = #map1}, {transform_indices = #map}]} {
    %mul3A = arith.constant 16 : i32
    %mul3A_0 = arith.muli %arg0, %mul3A : i32
    %add3A = arith.addi %mul3A_0, %arg1 : i32
    %mul3A_1 = arith.constant 10000 : i32
    %mul3A_2 = arith.muli %add3A, %mul3A_1 : i32
    %lt3A = arith.constant 15 : i32
    %lt3A_3 = arith.cmpi slt, %arg1, %lt3A : i32
    %convert_element_type3A = arith.extui %lt3A_3 : i1 to i32
    %cond3A = arith.constant 0 : i32
    %cond3A_4 = arith.cmpi ne, %convert_element_type3A, %cond3A : i32
    scf.if %cond3A_4 {
      %mul3A_51 = arith.constant 632 : i32
      %mul3A_52 = arith.muli %arg1, %mul3A_51 : i32
      %mul3A_53 = arith.constant 632 : i32
      %mul3A_54 = arith.muli %arg1, %mul3A_53 : i32
      "tpu.region"() ({
        %run_scoped3A = tpu.sem_alloc : memref<!tpu.dma_semaphore, #tpu.memory_space<semaphore_mem>>
        %dma_start3A_55 = arith.constant 0 : i32
        %dma_start3A_56 = tpu.memref_slice %arg21[%mul3A_54, %dma_start3A_55] : memref<10000x128xf32, #tpu.memory_space<vmem_shared>> -> memref<632x128xf32, #tpu.memory_space<vmem_shared>>
        %dma_start3A_57 = arith.constant 0 : i32
        %dma_start3A_58 = tpu.memref_slice %arg2[%mul3A_52, %dma_start3A_57] : memref<10000x128xf32, #tpu.memory_space<hbm>> -> memref<632x128xf32, #tpu.memory_space<hbm>>
        tpu.enqueue_dma source(%dma_start3A_58 : memref<632x128xf32, #tpu.memory_space<hbm>>) target(%dma_start3A_56 : memref<632x128xf32, #tpu.memory_space<vmem_shared>>) target_semaphore(%run_scoped3A : memref<!tpu.dma_semaphore, #tpu.memory_space<semaphore_mem>>)
        %dma_wait3A_59 = arith.constant 0 : i32
        %dma_wait3A_60 = tpu.memref_slice %arg21[%mul3A_54, %dma_wait3A_59] : memref<10000x128xf32, #tpu.memory_space<vmem_shared>> -> memref<632x128xf32, #tpu.memory_space<vmem_shared>>
        %dma_wait3A_61 = arith.constant 0 : i32
        %dma_wait3A_62 = tpu.memref_slice %arg2[%mul3A_52, %dma_wait3A_61] : memref<10000x128xf32, #tpu.memory_space<hbm>> -> memref<632x128xf32, #tpu.memory_space<hbm>>
        tpu.wait_dma2 semaphore(%run_scoped3A : memref<!tpu.dma_semaphore, #tpu.memory_space<semaphore_mem>>) src(%dma_wait3A_62 : memref<632x128xf32, #tpu.memory_space<hbm>>) dst(%dma_wait3A_60 : memref<632x128xf32, #tpu.memory_space<vmem_shared>>)
        tpu.yield
      }) : () -> ()
    } else {
    }
    %eq3A = arith.constant 15 : i32
    %eq3A_5 = arith.cmpi eq, %arg1, %eq3A : i32
    %convert_element_type3A_6 = arith.extui %eq3A_5 : i1 to i32
    %cond3A_7 = arith.constant 0 : i32
    %cond3A_8 = arith.cmpi ne, %convert_element_type3A_6, %cond3A_7 : i32
    scf.if %cond3A_8 {
      "tpu.region"() ({
        %run_scoped3A = tpu.sem_alloc : memref<!tpu.dma_semaphore, #tpu.memory_space<semaphore_mem>>
        %dma_start3A_51 = arith.constant 9480 : i32
        %dma_start3A_52 = arith.constant 0 : i32
        %dma_start3A_53 = tpu.memref_slice %arg21[%dma_start3A_51, %dma_start3A_52] : memref<10000x128xf32, #tpu.memory_space<vmem_shared>> -> memref<520x128xf32, #tpu.memory_space<vmem_shared>>
        %dma_start3A_54 = arith.constant 9480 : i32
        %dma_start3A_55 = arith.constant 0 : i32
        %dma_start3A_56 = tpu.memref_slice %arg2[%dma_start3A_54, %dma_start3A_55] : memref<10000x128xf32, #tpu.memory_space<hbm>> -> memref<520x128xf32, #tpu.memory_space<hbm>>
        tpu.enqueue_dma source(%dma_start3A_56 : memref<520x128xf32, #tpu.memory_space<hbm>>) target(%dma_start3A_53 : memref<520x128xf32, #tpu.memory_space<vmem_shared>>) target_semaphore(%run_scoped3A : memref<!tpu.dma_semaphore, #tpu.memory_space<semaphore_mem>>)
        %dma_wait3A_57 = arith.constant 9480 : i32
        %dma_wait3A_58 = arith.constant 0 : i32
        %dma_wait3A_59 = tpu.memref_slice %arg21[%dma_wait3A_57, %dma_wait3A_58] : memref<10000x128xf32, #tpu.memory_space<vmem_shared>> -> memref<520x128xf32, #tpu.memory_space<vmem_shared>>
        %dma_wait3A_60 = arith.constant 9480 : i32
        %dma_wait3A_61 = arith.constant 0 : i32
        %dma_wait3A_62 = tpu.memref_slice %arg2[%dma_wait3A_60, %dma_wait3A_61] : memref<10000x128xf32, #tpu.memory_space<hbm>> -> memref<520x128xf32, #tpu.memory_space<hbm>>
        tpu.wait_dma2 semaphore(%run_scoped3A : memref<!tpu.dma_semaphore, #tpu.memory_space<semaphore_mem>>) src(%dma_wait3A_62 : memref<520x128xf32, #tpu.memory_space<hbm>>) dst(%dma_wait3A_59 : memref<520x128xf32, #tpu.memory_space<vmem_shared>>)
        tpu.yield
      }) : () -> ()
    } else {
    }
    %barrier3A = arith.constant 0 : index
    tpu.barrier barrier_id(%barrier3A)
    "tpu.region"() ({
      %run_scoped3A = tpu.sem_alloc : memref<!tpu.dma_semaphore, #tpu.memory_space<semaphore_mem>>
      %dma_start3A_51 = tpu.memref_slice %arg3[%mul3A_2] : memref<320000xi32, #tpu.memory_space<hbm>> -> memref<128xi32, #tpu.memory_space<hbm>>
      %dma_start3A_52 = tpu.memref_slice %arg3[%mul3A_2] : memref<320000xi32, #tpu.memory_space<hbm>> -> memref<128xi32, #tpu.memory_space<hbm>>
      tpu.enqueue_dma source(%dma_start3A_52 : memref<128xi32, #tpu.memory_space<hbm>>) target(%arg6 : memref<128xi32, #tpu.memory_space<vmem>>) target_semaphore(%run_scoped3A : memref<!tpu.dma_semaphore, #tpu.memory_space<semaphore_mem>>)
      %dma_wait3A_53 = tpu.memref_slice %arg3[%mul3A_2] : memref<320000xi32, #tpu.memory_space<hbm>> -> memref<128xi32, #tpu.memory_space<hbm>>
      %dma_wait3A_54 = tpu.memref_slice %arg3[%mul3A_2] : memref<320000xi32, #tpu.memory_space<hbm>> -> memref<128xi32, #tpu.memory_space<hbm>>
      tpu.wait_dma2 semaphore(%run_scoped3A : memref<!tpu.dma_semaphore, #tpu.memory_space<semaphore_mem>>) src(%dma_wait3A_54 : memref<128xi32, #tpu.memory_space<hbm>>) dst(%arg6 : memref<128xi32, #tpu.memory_space<vmem>>)
      tpu.yield
    }) : () -> ()
    "tpu.region"() ({
      %run_scoped3A = tpu.sem_alloc : memref<!tpu.dma_semaphore, #tpu.memory_space<semaphore_mem>>
      %dma_start3A_51 = tpu.memref_slice %arg4[%mul3A_2] : memref<320000xi32, #tpu.memory_space<hbm>> -> memref<128xi32, #tpu.memory_space<hbm>>
      %dma_start3A_52 = tpu.memref_slice %arg4[%mul3A_2] : memref<320000xi32, #tpu.memory_space<hbm>> -> memref<128xi32, #tpu.memory_space<hbm>>
      tpu.enqueue_dma source(%dma_start3A_52 : memref<128xi32, #tpu.memory_space<hbm>>) target(%arg7 : memref<128xi32, #tpu.memory_space<vmem>>) target_semaphore(%run_scoped3A : memref<!tpu.dma_semaphore, #tpu.memory_space<semaphore_mem>>)
      %dma_wait3A_53 = tpu.memref_slice %arg4[%mul3A_2] : memref<320000xi32, #tpu.memory_space<hbm>> -> memref<128xi32, #tpu.memory_space<hbm>>
      %dma_wait3A_54 = tpu.memref_slice %arg4[%mul3A_2] : memref<320000xi32, #tpu.memory_space<hbm>> -> memref<128xi32, #tpu.memory_space<hbm>>
      tpu.wait_dma2 semaphore(%run_scoped3A : memref<!tpu.dma_semaphore, #tpu.memory_space<semaphore_mem>>) src(%dma_wait3A_54 : memref<128xi32, #tpu.memory_space<hbm>>) dst(%arg7 : memref<128xi32, #tpu.memory_space<vmem>>)
      tpu.yield
    }) : () -> ()
    %dma_start3A = arith.constant 0 : i32
    %dma_start3A_9 = arith.constant 0 : i32
    %dma_start3A_10 = tpu.memref_slice %arg2[%dma_start3A, %dma_start3A_9] : memref<10000x128xf32, #tpu.memory_space<hbm>> -> memref<10000x128xf32, #tpu.memory_space<hbm>>
    tpu.enqueue_indirect_dma source(%dma_start3A_10 : memref<10000x128xf32, #tpu.memory_space<hbm>>) target(%arg8 : memref<128x128xf32, #tpu.memory_space<vmem>>) offsets(%arg6 : memref<128xi32, #tpu.memory_space<vmem>>) semaphore(%arg9 : memref<!tpu.dma_semaphore, #tpu.memory_space<semaphore_mem>>)
    %add3A_11 = arith.constant 128 : i32
    %add3A_12 = arith.addi %mul3A_2, %add3A_11 : i32
    "tpu.region"() ({
      %run_scoped3A = tpu.sem_alloc : memref<!tpu.dma_semaphore, #tpu.memory_space<semaphore_mem>>
      %dma_start3A_51 = tpu.memref_slice %arg3[%add3A_12] : memref<320000xi32, #tpu.memory_space<hbm>> -> memref<128xi32, #tpu.memory_space<hbm>>
      %dma_start3A_52 = tpu.memref_slice %arg3[%add3A_12] : memref<320000xi32, #tpu.memory_space<hbm>> -> memref<128xi32, #tpu.memory_space<hbm>>
      tpu.enqueue_dma source(%dma_start3A_52 : memref<128xi32, #tpu.memory_space<hbm>>) target(%arg11 : memref<128xi32, #tpu.memory_space<vmem>>) target_semaphore(%run_scoped3A : memref<!tpu.dma_semaphore, #tpu.memory_space<semaphore_mem>>)
      %dma_wait3A_53 = tpu.memref_slice %arg3[%add3A_12] : memref<320000xi32, #tpu.memory_space<hbm>> -> memref<128xi32, #tpu.memory_space<hbm>>
      %dma_wait3A_54 = tpu.memref_slice %arg3[%add3A_12] : memref<320000xi32, #tpu.memory_space<hbm>> -> memref<128xi32, #tpu.memory_space<hbm>>
      tpu.wait_dma2 semaphore(%run_scoped3A : memref<!tpu.dma_semaphore, #tpu.memory_space<semaphore_mem>>) src(%dma_wait3A_54 : memref<128xi32, #tpu.memory_space<hbm>>) dst(%arg11 : memref<128xi32, #tpu.memory_space<vmem>>)
      tpu.yield
    }) : () -> ()
    "tpu.region"() ({
      %run_scoped3A = tpu.sem_alloc : memref<!tpu.dma_semaphore, #tpu.memory_space<semaphore_mem>>
      %dma_start3A_51 = tpu.memref_slice %arg4[%add3A_12] : memref<320000xi32, #tpu.memory_space<hbm>> -> memref<128xi32, #tpu.memory_space<hbm>>
      %dma_start3A_52 = tpu.memref_slice %arg4[%add3A_12] : memref<320000xi32, #tpu.memory_space<hbm>> -> memref<128xi32, #tpu.memory_space<hbm>>
      tpu.enqueue_dma source(%dma_start3A_52 : memref<128xi32, #tpu.memory_space<hbm>>) target(%arg12 : memref<128xi32, #tpu.memory_space<vmem>>) target_semaphore(%run_scoped3A : memref<!tpu.dma_semaphore, #tpu.memory_space<semaphore_mem>>)
      %dma_wait3A_53 = tpu.memref_slice %arg4[%add3A_12] : memref<320000xi32, #tpu.memory_space<hbm>> -> memref<128xi32, #tpu.memory_space<hbm>>
      %dma_wait3A_54 = tpu.memref_slice %arg4[%add3A_12] : memref<320000xi32, #tpu.memory_space<hbm>> -> memref<128xi32, #tpu.memory_space<hbm>>
      tpu.wait_dma2 semaphore(%run_scoped3A : memref<!tpu.dma_semaphore, #tpu.memory_space<semaphore_mem>>) src(%dma_wait3A_54 : memref<128xi32, #tpu.memory_space<hbm>>) dst(%arg12 : memref<128xi32, #tpu.memory_space<vmem>>)
      tpu.yield
    }) : () -> ()
    %dma_start3A_13 = arith.constant 0 : i32
    %dma_start3A_14 = arith.constant 0 : i32
    %dma_start3A_15 = tpu.memref_slice %arg2[%dma_start3A_13, %dma_start3A_14] : memref<10000x128xf32, #tpu.memory_space<hbm>> -> memref<10000x128xf32, #tpu.memory_space<hbm>>
    tpu.enqueue_indirect_dma source(%dma_start3A_15 : memref<10000x128xf32, #tpu.memory_space<hbm>>) target(%arg13 : memref<128x128xf32, #tpu.memory_space<vmem>>) offsets(%arg11 : memref<128xi32, #tpu.memory_space<vmem>>) semaphore(%arg14 : memref<!tpu.dma_semaphore, #tpu.memory_space<semaphore_mem>>)
    %add3A_16 = arith.constant 256 : i32
    %add3A_17 = arith.addi %mul3A_2, %add3A_16 : i32
    %dma_start3A_18 = tpu.memref_slice %arg3[%add3A_17] : memref<320000xi32, #tpu.memory_space<hbm>> -> memref<128xi32, #tpu.memory_space<hbm>>
    %dma_start3A_19 = tpu.memref_slice %arg3[%add3A_17] : memref<320000xi32, #tpu.memory_space<hbm>> -> memref<128xi32, #tpu.memory_space<hbm>>
    tpu.enqueue_dma source(%dma_start3A_19 : memref<128xi32, #tpu.memory_space<hbm>>) target(%arg16 : memref<128xi32, #tpu.memory_space<vmem>>) target_semaphore(%arg20 : memref<!tpu.dma_semaphore, #tpu.memory_space<semaphore_mem>>)
    %dma_start3A_20 = tpu.memref_slice %arg4[%add3A_17] : memref<320000xi32, #tpu.memory_space<hbm>> -> memref<128xi32, #tpu.memory_space<hbm>>
    %dma_start3A_21 = tpu.memref_slice %arg4[%add3A_17] : memref<320000xi32, #tpu.memory_space<hbm>> -> memref<128xi32, #tpu.memory_space<hbm>>
    tpu.enqueue_dma source(%dma_start3A_21 : memref<128xi32, #tpu.memory_space<hbm>>) target(%arg17 : memref<128xi32, #tpu.memory_space<vmem>>) target_semaphore(%arg20 : memref<!tpu.dma_semaphore, #tpu.memory_space<semaphore_mem>>)
    %scan3A = arith.constant 0 : i32
    %scan3A_22 = arith.constant 0 : i32
    %scan3A_23 = arith.constant 26 : i32
    %scan3A_24 = arith.addi %scan3A_22, %scan3A_23 : i32
    %scan3A_25 = arith.constant 1 : i32
    scf.for %scan3A_51 = %scan3A_22 to %scan3A_24 step %scan3A_25  : i32 {
      %mul3A_52 = arith.constant 3 : i32
      %mul3A_53 = arith.muli %mul3A_52, %scan3A_51 : i32
      %dma_wait3A_54 = arith.constant 0 : i32
      %dma_wait3A_55 = arith.constant 0 : i32
      %dma_wait3A_56 = tpu.memref_slice %arg2[%dma_wait3A_54, %dma_wait3A_55] : memref<10000x128xf32, #tpu.memory_space<hbm>> -> memref<10000x128xf32, #tpu.memory_space<hbm>>
      tpu.wait_indirect_dma semaphore(%arg9 : memref<!tpu.dma_semaphore, #tpu.memory_space<semaphore_mem>>) src(%dma_wait3A_56 : memref<10000x128xf32, #tpu.memory_space<hbm>>) dst(%arg8 : memref<128x128xf32, #tpu.memory_space<vmem>>)
      "tpu.region"() ({
        %run_scoped3A = tpu.sem_alloc : memref<!tpu.dma_semaphore, #tpu.memory_space<semaphore_mem>>
        %dma_start3A_90 = arith.constant 0 : i32
        %dma_start3A_91 = arith.constant 0 : i32
        %dma_start3A_92 = tpu.memref_slice %arg21[%dma_start3A_90, %dma_start3A_91] : memref<10000x128xf32, #tpu.memory_space<vmem_shared>> -> memref<10000x128xf32, #tpu.memory_space<vmem_shared>>
        tpu.enqueue_indirect_dma source(%arg8 : memref<128x128xf32, #tpu.memory_space<vmem>>) target(%dma_start3A_92 : memref<10000x128xf32, #tpu.memory_space<vmem_shared>>) offsets(%arg7 : memref<128xi32, #tpu.memory_space<vmem>>) semaphore(%run_scoped3A : memref<!tpu.dma_semaphore, #tpu.memory_space<semaphore_mem>>) {add = true}
        %dma_wait3A_93 = arith.constant 0 : i32
        %dma_wait3A_94 = arith.constant 0 : i32
        %dma_wait3A_95 = tpu.memref_slice %arg21[%dma_wait3A_93, %dma_wait3A_94] : memref<10000x128xf32, #tpu.memory_space<vmem_shared>> -> memref<10000x128xf32, #tpu.memory_space<vmem_shared>>
        tpu.wait_indirect_dma semaphore(%run_scoped3A : memref<!tpu.dma_semaphore, #tpu.memory_space<semaphore_mem>>) src(%arg8 : memref<128x128xf32, #tpu.memory_space<vmem>>) dst(%dma_wait3A_95 : memref<10000x128xf32, #tpu.memory_space<vmem_shared>>)
        tpu.yield
      }) : () -> ()
      %lt3A_57 = arith.constant 25 : i32
      %lt3A_58 = arith.cmpi slt, %scan3A_51, %lt3A_57 : i32
      %convert_element_type3A_59 = arith.extui %lt3A_58 : i1 to i32
      %cond3A_60 = arith.constant 0 : i32
      %cond3A_61 = arith.cmpi ne, %convert_element_type3A_59, %cond3A_60 : i32
      scf.if %cond3A_61 {
        %add3A_90 = arith.constant 3 : i32
        %add3A_91 = arith.addi %mul3A_53, %add3A_90 : i32
        %mul3A_92 = arith.constant 128 : i32
        %mul3A_93 = arith.muli %add3A_91, %mul3A_92 : i32
        %add3A_94 = arith.addi %mul3A_2, %mul3A_93 : i32
        %dma_start3A_95 = tpu.memref_slice %arg3[%add3A_94] : memref<320000xi32, #tpu.memory_space<hbm>> -> memref<128xi32, #tpu.memory_space<hbm>>
        %dma_start3A_96 = tpu.memref_slice %arg3[%add3A_94] : memref<320000xi32, #tpu.memory_space<hbm>> -> memref<128xi32, #tpu.memory_space<hbm>>
        tpu.enqueue_dma source(%dma_start3A_96 : memref<128xi32, #tpu.memory_space<hbm>>) target(%arg6 : memref<128xi32, #tpu.memory_space<vmem>>) target_semaphore(%arg10 : memref<!tpu.dma_semaphore, #tpu.memory_space<semaphore_mem>>)
        %dma_start3A_97 = tpu.memref_slice %arg4[%add3A_94] : memref<320000xi32, #tpu.memory_space<hbm>> -> memref<128xi32, #tpu.memory_space<hbm>>
        %dma_start3A_98 = tpu.memref_slice %arg4[%add3A_94] : memref<320000xi32, #tpu.memory_space<hbm>> -> memref<128xi32, #tpu.memory_space<hbm>>
        tpu.enqueue_dma source(%dma_start3A_98 : memref<128xi32, #tpu.memory_space<hbm>>) target(%arg7 : memref<128xi32, #tpu.memory_space<vmem>>) target_semaphore(%arg10 : memref<!tpu.dma_semaphore, #tpu.memory_space<semaphore_mem>>)
      } else {
      }
      %add3A_62 = arith.constant 2 : i32
      %add3A_63 = arith.addi %mul3A_53, %add3A_62 : i32
      %mul3A_64 = arith.constant 128 : i32
      %mul3A_65 = arith.muli %add3A_63, %mul3A_64 : i32
      %add3A_66 = arith.addi %mul3A_2, %mul3A_65 : i32
      %dma_wait3A_67 = tpu.memref_slice %arg3[%add3A_66] : memref<320000xi32, #tpu.memory_space<hbm>> -> memref<128xi32, #tpu.memory_space<hbm>>
      %dma_wait3A_68 = tpu.memref_slice %arg3[%add3A_66] : memref<320000xi32, #tpu.memory_space<hbm>> -> memref<128xi32, #tpu.memory_space<hbm>>
      tpu.wait_dma2 semaphore(%arg20 : memref<!tpu.dma_semaphore, #tpu.memory_space<semaphore_mem>>) src(%dma_wait3A_68 : memref<128xi32, #tpu.memory_space<hbm>>) dst(%arg16 : memref<128xi32, #tpu.memory_space<vmem>>)
      %dma_wait3A_69 = tpu.memref_slice %arg4[%add3A_66] : memref<320000xi32, #tpu.memory_space<hbm>> -> memref<128xi32, #tpu.memory_space<hbm>>
      %dma_wait3A_70 = tpu.memref_slice %arg4[%add3A_66] : memref<320000xi32, #tpu.memory_space<hbm>> -> memref<128xi32, #tpu.memory_space<hbm>>
      tpu.wait_dma2 semaphore(%arg20 : memref<!tpu.dma_semaphore, #tpu.memory_space<semaphore_mem>>) src(%dma_wait3A_70 : memref<128xi32, #tpu.memory_space<hbm>>) dst(%arg17 : memref<128xi32, #tpu.memory_space<vmem>>)
      %dma_start3A_71 = arith.constant 0 : i32
      %dma_start3A_72 = arith.constant 0 : i32
      %dma_start3A_73 = tpu.memref_slice %arg2[%dma_start3A_71, %dma_start3A_72] : memref<10000x128xf32, #tpu.memory_space<hbm>> -> memref<10000x128xf32, #tpu.memory_space<hbm>>
      tpu.enqueue_indirect_dma source(%dma_start3A_73 : memref<10000x128xf32, #tpu.memory_space<hbm>>) target(%arg18 : memref<128x128xf32, #tpu.memory_space<vmem>>) offsets(%arg16 : memref<128xi32, #tpu.memory_space<vmem>>) semaphore(%arg19 : memref<!tpu.dma_semaphore, #tpu.memory_space<semaphore_mem>>)
      %dma_wait3A_74 = arith.constant 0 : i32
      %dma_wait3A_75 = arith.constant 0 : i32
      %dma_wait3A_76 = tpu.memref_slice %arg2[%dma_wait3A_74, %dma_wait3A_75] : memref<10000x128xf32, #tpu.memory_space<hbm>> -> memref<10000x128xf32, #tpu.memory_space<hbm>>
      tpu.wait_indirect_dma semaphore(%arg14 : memref<!tpu.dma_semaphore, #tpu.memory_space<semaphore_mem>>) src(%dma_wait3A_76 : memref<10000x128xf32, #tpu.memory_space<hbm>>) dst(%arg13 : memref<128x128xf32, #tpu.memory_space<vmem>>)
      "tpu.region"() ({
        %run_scoped3A = tpu.sem_alloc : memref<!tpu.dma_semaphore, #tpu.memory_space<semaphore_mem>>
        %dma_start3A_90 = arith.constant 0 : i32
        %dma_start3A_91 = arith.constant 0 : i32
        %dma_start3A_92 = tpu.memref_slice %arg21[%dma_start3A_90, %dma_start3A_91] : memref<10000x128xf32, #tpu.memory_space<vmem_shared>> -> memref<10000x128xf32, #tpu.memory_space<vmem_shared>>
        tpu.enqueue_indirect_dma source(%arg13 : memref<128x128xf32, #tpu.memory_space<vmem>>) target(%dma_start3A_92 : memref<10000x128xf32, #tpu.memory_space<vmem_shared>>) offsets(%arg12 : memref<128xi32, #tpu.memory_space<vmem>>) semaphore(%run_scoped3A : memref<!tpu.dma_semaphore, #tpu.memory_space<semaphore_mem>>) {add = true}
        %dma_wait3A_93 = arith.constant 0 : i32
        %dma_wait3A_94 = arith.constant 0 : i32
        %dma_wait3A_95 = tpu.memref_slice %arg21[%dma_wait3A_93, %dma_wait3A_94] : memref<10000x128xf32, #tpu.memory_space<vmem_shared>> -> memref<10000x128xf32, #tpu.memory_space<vmem_shared>>
        tpu.wait_indirect_dma semaphore(%run_scoped3A : memref<!tpu.dma_semaphore, #tpu.memory_space<semaphore_mem>>) src(%arg13 : memref<128x128xf32, #tpu.memory_space<vmem>>) dst(%dma_wait3A_95 : memref<10000x128xf32, #tpu.memory_space<vmem_shared>>)
        tpu.yield
      }) : () -> ()
      %lt3A_77 = arith.constant 25 : i32
      %lt3A_78 = arith.cmpi slt, %scan3A_51, %lt3A_77 : i32
      %convert_element_type3A_79 = arith.extui %lt3A_78 : i1 to i32
      %cond3A_80 = arith.constant 0 : i32
      %cond3A_81 = arith.cmpi ne, %convert_element_type3A_79, %cond3A_80 : i32
      scf.if %cond3A_81 {
        %add3A_90 = arith.constant 4 : i32
        %add3A_91 = arith.addi %mul3A_53, %add3A_90 : i32
        %mul3A_92 = arith.constant 128 : i32
        %mul3A_93 = arith.muli %add3A_91, %mul3A_92 : i32
        %add3A_94 = arith.addi %mul3A_2, %mul3A_93 : i32
        %dma_start3A_95 = tpu.memref_slice %arg3[%add3A_94] : memref<320000xi32, #tpu.memory_space<hbm>> -> memref<128xi32, #tpu.memory_space<hbm>>
        %dma_start3A_96 = tpu.memref_slice %arg3[%add3A_94] : memref<320000xi32, #tpu.memory_space<hbm>> -> memref<128xi32, #tpu.memory_space<hbm>>
        tpu.enqueue_dma source(%dma_start3A_96 : memref<128xi32, #tpu.memory_space<hbm>>) target(%arg11 : memref<128xi32, #tpu.memory_space<vmem>>) target_semaphore(%arg15 : memref<!tpu.dma_semaphore, #tpu.memory_space<semaphore_mem>>)
        %dma_start3A_97 = tpu.memref_slice %arg4[%add3A_94] : memref<320000xi32, #tpu.memory_space<hbm>> -> memref<128xi32, #tpu.memory_space<hbm>>
        %dma_start3A_98 = tpu.memref_slice %arg4[%add3A_94] : memref<320000xi32, #tpu.memory_space<hbm>> -> memref<128xi32, #tpu.memory_space<hbm>>
        tpu.enqueue_dma source(%dma_start3A_98 : memref<128xi32, #tpu.memory_space<hbm>>) target(%arg12 : memref<128xi32, #tpu.memory_space<vmem>>) target_semaphore(%arg15 : memref<!tpu.dma_semaphore, #tpu.memory_space<semaphore_mem>>)
        %add3A_99 = arith.constant 3 : i32
        %add3A_100 = arith.addi %mul3A_53, %add3A_99 : i32
        %mul3A_101 = arith.constant 128 : i32
        %mul3A_102 = arith.muli %add3A_100, %mul3A_101 : i32
        %add3A_103 = arith.addi %mul3A_2, %mul3A_102 : i32
        %dma_wait3A_104 = tpu.memref_slice %arg3[%add3A_103] : memref<320000xi32, #tpu.memory_space<hbm>> -> memref<128xi32, #tpu.memory_space<hbm>>
        %dma_wait3A_105 = tpu.memref_slice %arg3[%add3A_103] : memref<320000xi32, #tpu.memory_space<hbm>> -> memref<128xi32, #tpu.memory_space<hbm>>
        tpu.wait_dma2 semaphore(%arg10 : memref<!tpu.dma_semaphore, #tpu.memory_space<semaphore_mem>>) src(%dma_wait3A_105 : memref<128xi32, #tpu.memory_space<hbm>>) dst(%arg6 : memref<128xi32, #tpu.memory_space<vmem>>)
        %dma_wait3A_106 = tpu.memref_slice %arg4[%add3A_103] : memref<320000xi32, #tpu.memory_space<hbm>> -> memref<128xi32, #tpu.memory_space<hbm>>
        %dma_wait3A_107 = tpu.memref_slice %arg4[%add3A_103] : memref<320000xi32, #tpu.memory_space<hbm>> -> memref<128xi32, #tpu.memory_space<hbm>>
        tpu.wait_dma2 semaphore(%arg10 : memref<!tpu.dma_semaphore, #tpu.memory_space<semaphore_mem>>) src(%dma_wait3A_107 : memref<128xi32, #tpu.memory_space<hbm>>) dst(%arg7 : memref<128xi32, #tpu.memory_space<vmem>>)
        %dma_start3A_108 = arith.constant 0 : i32
        %dma_start3A_109 = arith.constant 0 : i32
        %dma_start3A_110 = tpu.memref_slice %arg2[%dma_start3A_108, %dma_start3A_109] : memref<10000x128xf32, #tpu.memory_space<hbm>> -> memref<10000x128xf32, #tpu.memory_space<hbm>>
        tpu.enqueue_indirect_dma source(%dma_start3A_110 : memref<10000x128xf32, #tpu.memory_space<hbm>>) target(%arg8 : memref<128x128xf32, #tpu.memory_space<vmem>>) offsets(%arg6 : memref<128xi32, #tpu.memory_space<vmem>>) semaphore(%arg9 : memref<!tpu.dma_semaphore, #tpu.memory_space<semaphore_mem>>)
      } else {
      }
      %dma_wait3A_82 = arith.constant 0 : i32
      %dma_wait3A_83 = arith.constant 0 : i32
      %dma_wait3A_84 = tpu.memref_slice %arg2[%dma_wait3A_82, %dma_wait3A_83] : memref<10000x128xf32, #tpu.memory_space<hbm>> -> memref<10000x128xf32, #tpu.memory_space<hbm>>
      tpu.wait_indirect_dma semaphore(%arg19 : memref<!tpu.dma_semaphore, #tpu.memory_space<semaphore_mem>>) src(%dma_wait3A_84 : memref<10000x128xf32, #tpu.memory_space<hbm>>) dst(%arg18 : memref<128x128xf32, #tpu.memory_space<vmem>>)
      "tpu.region"() ({
        %run_scoped3A = tpu.sem_alloc : memref<!tpu.dma_semaphore, #tpu.memory_space<semaphore_mem>>
        %dma_start3A_90 = arith.constant 0 : i32
        %dma_start3A_91 = arith.constant 0 : i32
        %dma_start3A_92 = tpu.memref_slice %arg21[%dma_start3A_90, %dma_start3A_91] : memref<10000x128xf32, #tpu.memory_space<vmem_shared>> -> memref<10000x128xf32, #tpu.memory_space<vmem_shared>>
        tpu.enqueue_indirect_dma source(%arg18 : memref<128x128xf32, #tpu.memory_space<vmem>>) target(%dma_start3A_92 : memref<10000x128xf32, #tpu.memory_space<vmem_shared>>) offsets(%arg17 : memref<128xi32, #tpu.memory_space<vmem>>) semaphore(%run_scoped3A : memref<!tpu.dma_semaphore, #tpu.memory_space<semaphore_mem>>) {add = true}
        %dma_wait3A_93 = arith.constant 0 : i32
        %dma_wait3A_94 = arith.constant 0 : i32
        %dma_wait3A_95 = tpu.memref_slice %arg21[%dma_wait3A_93, %dma_wait3A_94] : memref<10000x128xf32, #tpu.memory_space<vmem_shared>> -> memref<10000x128xf32, #tpu.memory_space<vmem_shared>>
        tpu.wait_indirect_dma semaphore(%run_scoped3A : memref<!tpu.dma_semaphore, #tpu.memory_space<semaphore_mem>>) src(%arg18 : memref<128x128xf32, #tpu.memory_space<vmem>>) dst(%dma_wait3A_95 : memref<10000x128xf32, #tpu.memory_space<vmem_shared>>)
        tpu.yield
      }) : () -> ()
      %lt3A_85 = arith.constant 25 : i32
      %lt3A_86 = arith.cmpi slt, %scan3A_51, %lt3A_85 : i32
      %convert_element_type3A_87 = arith.extui %lt3A_86 : i1 to i32
      %cond3A_88 = arith.constant 0 : i32
      %cond3A_89 = arith.cmpi ne, %convert_element_type3A_87, %cond3A_88 : i32
      scf.if %cond3A_89 {
        %add3A_90 = arith.constant 5 : i32
        %add3A_91 = arith.addi %mul3A_53, %add3A_90 : i32
        %mul3A_92 = arith.constant 128 : i32
        %mul3A_93 = arith.muli %add3A_91, %mul3A_92 : i32
        %add3A_94 = arith.addi %mul3A_2, %mul3A_93 : i32
        %dma_start3A_95 = tpu.memref_slice %arg3[%add3A_94] : memref<320000xi32, #tpu.memory_space<hbm>> -> memref<128xi32, #tpu.memory_space<hbm>>
        %dma_start3A_96 = tpu.memref_slice %arg3[%add3A_94] : memref<320000xi32, #tpu.memory_space<hbm>> -> memref<128xi32, #tpu.memory_space<hbm>>
        tpu.enqueue_dma source(%dma_start3A_96 : memref<128xi32, #tpu.memory_space<hbm>>) target(%arg16 : memref<128xi32, #tpu.memory_space<vmem>>) target_semaphore(%arg20 : memref<!tpu.dma_semaphore, #tpu.memory_space<semaphore_mem>>)
        %dma_start3A_97 = tpu.memref_slice %arg4[%add3A_94] : memref<320000xi32, #tpu.memory_space<hbm>> -> memref<128xi32, #tpu.memory_space<hbm>>
        %dma_start3A_98 = tpu.memref_slice %arg4[%add3A_94] : memref<320000xi32, #tpu.memory_space<hbm>> -> memref<128xi32, #tpu.memory_space<hbm>>
        tpu.enqueue_dma source(%dma_start3A_98 : memref<128xi32, #tpu.memory_space<hbm>>) target(%arg17 : memref<128xi32, #tpu.memory_space<vmem>>) target_semaphore(%arg20 : memref<!tpu.dma_semaphore, #tpu.memory_space<semaphore_mem>>)
        %add3A_99 = arith.constant 4 : i32
        %add3A_100 = arith.addi %mul3A_53, %add3A_99 : i32
        %mul3A_101 = arith.constant 128 : i32
        %mul3A_102 = arith.muli %add3A_100, %mul3A_101 : i32
        %add3A_103 = arith.addi %mul3A_2, %mul3A_102 : i32
        %dma_wait3A_104 = tpu.memref_slice %arg3[%add3A_103] : memref<320000xi32, #tpu.memory_space<hbm>> -> memref<128xi32, #tpu.memory_space<hbm>>
        %dma_wait3A_105 = tpu.memref_slice %arg3[%add3A_103] : memref<320000xi32, #tpu.memory_space<hbm>> -> memref<128xi32, #tpu.memory_space<hbm>>
        tpu.wait_dma2 semaphore(%arg15 : memref<!tpu.dma_semaphore, #tpu.memory_space<semaphore_mem>>) src(%dma_wait3A_105 : memref<128xi32, #tpu.memory_space<hbm>>) dst(%arg11 : memref<128xi32, #tpu.memory_space<vmem>>)
        %dma_wait3A_106 = tpu.memref_slice %arg4[%add3A_103] : memref<320000xi32, #tpu.memory_space<hbm>> -> memref<128xi32, #tpu.memory_space<hbm>>
        %dma_wait3A_107 = tpu.memref_slice %arg4[%add3A_103] : memref<320000xi32, #tpu.memory_space<hbm>> -> memref<128xi32, #tpu.memory_space<hbm>>
        tpu.wait_dma2 semaphore(%arg15 : memref<!tpu.dma_semaphore, #tpu.memory_space<semaphore_mem>>) src(%dma_wait3A_107 : memref<128xi32, #tpu.memory_space<hbm>>) dst(%arg12 : memref<128xi32, #tpu.memory_space<vmem>>)
        %dma_start3A_108 = arith.constant 0 : i32
        %dma_start3A_109 = arith.constant 0 : i32
        %dma_start3A_110 = tpu.memref_slice %arg2[%dma_start3A_108, %dma_start3A_109] : memref<10000x128xf32, #tpu.memory_space<hbm>> -> memref<10000x128xf32, #tpu.memory_space<hbm>>
        tpu.enqueue_indirect_dma source(%dma_start3A_110 : memref<10000x128xf32, #tpu.memory_space<hbm>>) target(%arg13 : memref<128x128xf32, #tpu.memory_space<vmem>>) offsets(%arg11 : memref<128xi32, #tpu.memory_space<vmem>>) semaphore(%arg14 : memref<!tpu.dma_semaphore, #tpu.memory_space<semaphore_mem>>)
      } else {
      }
    }
    %scan3A_26 = arith.constant 26 : i32
    %add3A_27 = arith.constant 9984 : i32
    %add3A_28 = arith.addi %mul3A_2, %add3A_27 : i32
    "tpu.region"() ({
      %run_scoped3A = tpu.sem_alloc : memref<!tpu.dma_semaphore, #tpu.memory_space<semaphore_mem>>
      %dma_start3A_51 = tpu.memref_slice %arg3[%add3A_28] : memref<320000xi32, #tpu.memory_space<hbm>> -> memref<16xi32, #tpu.memory_space<hbm>>
      %dma_start3A_52 = tpu.memref_slice %arg3[%add3A_28] : memref<320000xi32, #tpu.memory_space<hbm>> -> memref<16xi32, #tpu.memory_space<hbm>>
      tpu.enqueue_dma source(%dma_start3A_52 : memref<16xi32, #tpu.memory_space<hbm>>) target(%arg22 : memref<16xi32, #tpu.memory_space<vmem>>) target_semaphore(%run_scoped3A : memref<!tpu.dma_semaphore, #tpu.memory_space<semaphore_mem>>)
      %dma_wait3A_53 = tpu.memref_slice %arg3[%add3A_28] : memref<320000xi32, #tpu.memory_space<hbm>> -> memref<16xi32, #tpu.memory_space<hbm>>
      %dma_wait3A_54 = tpu.memref_slice %arg3[%add3A_28] : memref<320000xi32, #tpu.memory_space<hbm>> -> memref<16xi32, #tpu.memory_space<hbm>>
      tpu.wait_dma2 semaphore(%run_scoped3A : memref<!tpu.dma_semaphore, #tpu.memory_space<semaphore_mem>>) src(%dma_wait3A_54 : memref<16xi32, #tpu.memory_space<hbm>>) dst(%arg22 : memref<16xi32, #tpu.memory_space<vmem>>)
      tpu.yield
    }) : () -> ()
    "tpu.region"() ({
      %run_scoped3A = tpu.sem_alloc : memref<!tpu.dma_semaphore, #tpu.memory_space<semaphore_mem>>
      %dma_start3A_51 = tpu.memref_slice %arg4[%add3A_28] : memref<320000xi32, #tpu.memory_space<hbm>> -> memref<16xi32, #tpu.memory_space<hbm>>
      %dma_start3A_52 = tpu.memref_slice %arg4[%add3A_28] : memref<320000xi32, #tpu.memory_space<hbm>> -> memref<16xi32, #tpu.memory_space<hbm>>
      tpu.enqueue_dma source(%dma_start3A_52 : memref<16xi32, #tpu.memory_space<hbm>>) target(%arg23 : memref<16xi32, #tpu.memory_space<vmem>>) target_semaphore(%run_scoped3A : memref<!tpu.dma_semaphore, #tpu.memory_space<semaphore_mem>>)
      %dma_wait3A_53 = tpu.memref_slice %arg4[%add3A_28] : memref<320000xi32, #tpu.memory_space<hbm>> -> memref<16xi32, #tpu.memory_space<hbm>>
      %dma_wait3A_54 = tpu.memref_slice %arg4[%add3A_28] : memref<320000xi32, #tpu.memory_space<hbm>> -> memref<16xi32, #tpu.memory_space<hbm>>
      tpu.wait_dma2 semaphore(%run_scoped3A : memref<!tpu.dma_semaphore, #tpu.memory_space<semaphore_mem>>) src(%dma_wait3A_54 : memref<16xi32, #tpu.memory_space<hbm>>) dst(%arg23 : memref<16xi32, #tpu.memory_space<vmem>>)
      tpu.yield
    }) : () -> ()
    %dma_start3A_29 = arith.constant 0 : i32
    %dma_start3A_30 = arith.constant 0 : i32
    %dma_start3A_31 = tpu.memref_slice %arg8[%dma_start3A_29, %dma_start3A_30] : memref<128x128xf32, #tpu.memory_space<vmem>> -> memref<16x128xf32, #tpu.memory_space<vmem>>
    %dma_start3A_32 = arith.constant 0 : i32
    %dma_start3A_33 = arith.constant 0 : i32
    %dma_start3A_34 = tpu.memref_slice %arg2[%dma_start3A_32, %dma_start3A_33] : memref<10000x128xf32, #tpu.memory_space<hbm>> -> memref<10000x128xf32, #tpu.memory_space<hbm>>
    tpu.enqueue_indirect_dma source(%dma_start3A_34 : memref<10000x128xf32, #tpu.memory_space<hbm>>) target(%dma_start3A_31 : memref<16x128xf32, #tpu.memory_space<vmem>>) offsets(%arg22 : memref<16xi32, #tpu.memory_space<vmem>>) semaphore(%arg9 : memref<!tpu.dma_semaphore, #tpu.memory_space<semaphore_mem>>)
    %dma_wait3A = arith.constant 0 : i32
    %dma_wait3A_35 = arith.constant 0 : i32
    %dma_wait3A_36 = tpu.memref_slice %arg8[%dma_wait3A, %dma_wait3A_35] : memref<128x128xf32, #tpu.memory_space<vmem>> -> memref<16x128xf32, #tpu.memory_space<vmem>>
    %dma_wait3A_37 = arith.constant 0 : i32
    %dma_wait3A_38 = arith.constant 0 : i32
    %dma_wait3A_39 = tpu.memref_slice %arg2[%dma_wait3A_37, %dma_wait3A_38] : memref<10000x128xf32, #tpu.memory_space<hbm>> -> memref<10000x128xf32, #tpu.memory_space<hbm>>
    tpu.wait_indirect_dma semaphore(%arg9 : memref<!tpu.dma_semaphore, #tpu.memory_space<semaphore_mem>>) src(%dma_wait3A_39 : memref<10000x128xf32, #tpu.memory_space<hbm>>) dst(%dma_wait3A_36 : memref<16x128xf32, #tpu.memory_space<vmem>>)
    "tpu.region"() ({
      %run_scoped3A = tpu.sem_alloc : memref<!tpu.dma_semaphore, #tpu.memory_space<semaphore_mem>>
      %dma_start3A_51 = arith.constant 0 : i32
      %dma_start3A_52 = arith.constant 0 : i32
      %dma_start3A_53 = tpu.memref_slice %arg8[%dma_start3A_51, %dma_start3A_52] : memref<128x128xf32, #tpu.memory_space<vmem>> -> memref<16x128xf32, #tpu.memory_space<vmem>>
      %dma_start3A_54 = arith.constant 0 : i32
      %dma_start3A_55 = arith.constant 0 : i32
      %dma_start3A_56 = tpu.memref_slice %arg21[%dma_start3A_54, %dma_start3A_55] : memref<10000x128xf32, #tpu.memory_space<vmem_shared>> -> memref<10000x128xf32, #tpu.memory_space<vmem_shared>>
      tpu.enqueue_indirect_dma source(%dma_start3A_53 : memref<16x128xf32, #tpu.memory_space<vmem>>) target(%dma_start3A_56 : memref<10000x128xf32, #tpu.memory_space<vmem_shared>>) offsets(%arg23 : memref<16xi32, #tpu.memory_space<vmem>>) semaphore(%run_scoped3A : memref<!tpu.dma_semaphore, #tpu.memory_space<semaphore_mem>>) {add = true}
      %dma_wait3A_57 = arith.constant 0 : i32
      %dma_wait3A_58 = arith.constant 0 : i32
      %dma_wait3A_59 = tpu.memref_slice %arg8[%dma_wait3A_57, %dma_wait3A_58] : memref<128x128xf32, #tpu.memory_space<vmem>> -> memref<16x128xf32, #tpu.memory_space<vmem>>
      %dma_wait3A_60 = arith.constant 0 : i32
      %dma_wait3A_61 = arith.constant 0 : i32
      %dma_wait3A_62 = tpu.memref_slice %arg21[%dma_wait3A_60, %dma_wait3A_61] : memref<10000x128xf32, #tpu.memory_space<vmem_shared>> -> memref<10000x128xf32, #tpu.memory_space<vmem_shared>>
      tpu.wait_indirect_dma semaphore(%run_scoped3A : memref<!tpu.dma_semaphore, #tpu.memory_space<semaphore_mem>>) src(%dma_wait3A_59 : memref<16x128xf32, #tpu.memory_space<vmem>>) dst(%dma_wait3A_62 : memref<10000x128xf32, #tpu.memory_space<vmem_shared>>)
      tpu.yield
    }) : () -> ()
    %barrier3A_40 = arith.constant 0 : index
    tpu.barrier barrier_id(%barrier3A_40)
    %lt3A_41 = arith.constant 15 : i32
    %lt3A_42 = arith.cmpi slt, %arg1, %lt3A_41 : i32
    %convert_element_type3A_43 = arith.extui %lt3A_42 : i1 to i32
    %cond3A_44 = arith.constant 0 : i32
    %cond3A_45 = arith.cmpi ne, %convert_element_type3A_43, %cond3A_44 : i32
    scf.if %cond3A_45 {
      %mul3A_51 = arith.constant 632 : i32
      %mul3A_52 = arith.muli %arg1, %mul3A_51 : i32
      %mul3A_53 = arith.constant 10000 : i32
      %mul3A_54 = arith.muli %arg0, %mul3A_53 : i32
      %mul3A_55 = arith.constant 632 : i32
      %mul3A_56 = arith.muli %arg1, %mul3A_55 : i32
      %add3A_57 = arith.addi %mul3A_54, %mul3A_56 : i32
      "tpu.region"() ({
        %run_scoped3A = tpu.sem_alloc : memref<!tpu.dma_semaphore, #tpu.memory_space<semaphore_mem>>
        %dma_start3A_58 = arith.constant 0 : i32
        %dma_start3A_59 = tpu.memref_slice %arg5[%add3A_57, %dma_start3A_58] : memref<20000x128xf32, #tpu.memory_space<hbm>> -> memref<632x128xf32, #tpu.memory_space<hbm>>
        %dma_start3A_60 = arith.constant 0 : i32
        %dma_start3A_61 = tpu.memref_slice %arg21[%mul3A_52, %dma_start3A_60] : memref<10000x128xf32, #tpu.memory_space<vmem_shared>> -> memref<632x128xf32, #tpu.memory_space<vmem_shared>>
        tpu.enqueue_dma source(%dma_start3A_61 : memref<632x128xf32, #tpu.memory_space<vmem_shared>>) target(%dma_start3A_59 : memref<632x128xf32, #tpu.memory_space<hbm>>) target_semaphore(%run_scoped3A : memref<!tpu.dma_semaphore, #tpu.memory_space<semaphore_mem>>)
        %dma_wait3A_62 = arith.constant 0 : i32
        %dma_wait3A_63 = tpu.memref_slice %arg5[%add3A_57, %dma_wait3A_62] : memref<20000x128xf32, #tpu.memory_space<hbm>> -> memref<632x128xf32, #tpu.memory_space<hbm>>
        %dma_wait3A_64 = arith.constant 0 : i32
        %dma_wait3A_65 = tpu.memref_slice %arg21[%mul3A_52, %dma_wait3A_64] : memref<10000x128xf32, #tpu.memory_space<vmem_shared>> -> memref<632x128xf32, #tpu.memory_space<vmem_shared>>
        tpu.wait_dma2 semaphore(%run_scoped3A : memref<!tpu.dma_semaphore, #tpu.memory_space<semaphore_mem>>) src(%dma_wait3A_65 : memref<632x128xf32, #tpu.memory_space<vmem_shared>>) dst(%dma_wait3A_63 : memref<632x128xf32, #tpu.memory_space<hbm>>)
        tpu.yield
      }) : () -> ()
    } else {
    }
    %eq3A_46 = arith.constant 15 : i32
    %eq3A_47 = arith.cmpi eq, %arg1, %eq3A_46 : i32
    %convert_element_type3A_48 = arith.extui %eq3A_47 : i1 to i32
    %cond3A_49 = arith.constant 0 : i32
    %cond3A_50 = arith.cmpi ne, %convert_element_type3A_48, %cond3A_49 : i32
    scf.if %cond3A_50 {
      %mul3A_51 = arith.constant 10000 : i32
      %mul3A_52 = arith.muli %arg0, %mul3A_51 : i32
      %add3A_53 = arith.constant 9480 : i32
      %add3A_54 = arith.addi %mul3A_52, %add3A_53 : i32
      "tpu.region"() ({
        %run_scoped3A = tpu.sem_alloc : memref<!tpu.dma_semaphore, #tpu.memory_space<semaphore_mem>>
        %dma_start3A_55 = arith.constant 0 : i32
        %dma_start3A_56 = tpu.memref_slice %arg5[%add3A_54, %dma_start3A_55] : memref<20000x128xf32, #tpu.memory_space<hbm>> -> memref<520x128xf32, #tpu.memory_space<hbm>>
        %dma_start3A_57 = arith.constant 9480 : i32
        %dma_start3A_58 = arith.constant 0 : i32
        %dma_start3A_59 = tpu.memref_slice %arg21[%dma_start3A_57, %dma_start3A_58] : memref<10000x128xf32, #tpu.memory_space<vmem_shared>> -> memref<520x128xf32, #tpu.memory_space<vmem_shared>>
        tpu.enqueue_dma source(%dma_start3A_59 : memref<520x128xf32, #tpu.memory_space<vmem_shared>>) target(%dma_start3A_56 : memref<520x128xf32, #tpu.memory_space<hbm>>) target_semaphore(%run_scoped3A : memref<!tpu.dma_semaphore, #tpu.memory_space<semaphore_mem>>)
        %dma_wait3A_60 = arith.constant 0 : i32
        %dma_wait3A_61 = tpu.memref_slice %arg5[%add3A_54, %dma_wait3A_60] : memref<20000x128xf32, #tpu.memory_space<hbm>> -> memref<520x128xf32, #tpu.memory_space<hbm>>
        %dma_wait3A_62 = arith.constant 9480 : i32
        %dma_wait3A_63 = arith.constant 0 : i32
        %dma_wait3A_64 = tpu.memref_slice %arg21[%dma_wait3A_62, %dma_wait3A_63] : memref<10000x128xf32, #tpu.memory_space<vmem_shared>> -> memref<520x128xf32, #tpu.memory_space<vmem_shared>>
        tpu.wait_dma2 semaphore(%run_scoped3A : memref<!tpu.dma_semaphore, #tpu.memory_space<semaphore_mem>>) src(%dma_wait3A_64 : memref<520x128xf32, #tpu.memory_space<vmem_shared>>) dst(%dma_wait3A_61 : memref<520x128xf32, #tpu.memory_space<hbm>>)
        tpu.yield
      }) : () -> ()
    } else {
    }
    return
  }
}

#map = affine_map<(d0, d1) -> (0, 0)>
#map1 = affine_map<(d0, d1) -> (0)>
module attributes {stable_mosaic.version = 14 : i64} {
  func.func @k(%arg0: i32, %arg1: i32, %arg2: memref<10000x128xf32, #tpu.memory_space<hbm>>, %arg3: memref<320000xi32, #tpu.memory_space<hbm>>, %arg4: memref<320000xi32, #tpu.memory_space<hbm>>, %arg5: memref<20000x128xf32, #tpu.memory_space<hbm>>, %arg6: memref<128xi32, #tpu.memory_space<vmem>>, %arg7: memref<128xi32, #tpu.memory_space<vmem>>, %arg8: memref<128x128xf32, #tpu.memory_space<vmem>>, %arg9: memref<!tpu.dma_semaphore, #tpu.memory_space<semaphore_mem>>, %arg10: memref<!tpu.dma_semaphore, #tpu.memory_space<semaphore_mem>>, %arg11: memref<128xi32, #tpu.memory_space<vmem>>, %arg12: memref<128xi32, #tpu.memory_space<vmem>>, %arg13: memref<128x128xf32, #tpu.memory_space<vmem>>, %arg14: memref<!tpu.dma_semaphore, #tpu.memory_space<semaphore_mem>>, %arg15: memref<!tpu.dma_semaphore, #tpu.memory_space<semaphore_mem>>, %arg16: memref<128xi32, #tpu.memory_space<vmem>>, %arg17: memref<128xi32, #tpu.memory_space<vmem>>, %arg18: memref<128x128xf32, #tpu.memory_space<vmem>>, %arg19: memref<!tpu.dma_semaphore, #tpu.memory_space<semaphore_mem>>, %arg20: memref<!tpu.dma_semaphore, #tpu.memory_space<semaphore_mem>>, %arg21: memref<10000x128xf32, #tpu.memory_space<vmem_shared>>, %arg22: memref<16xi32, #tpu.memory_space<vmem>>, %arg23: memref<16xi32, #tpu.memory_space<vmem>>) attributes {dimension_semantics = [#tpu.dimension_semantics<core_parallel>, #tpu.dimension_semantics<subcore_parallel>], iteration_bounds = array<i64: 2, 16>, scalar_prefetch = 0 : i64, scratch_operands = 18 : i64, tpu.core_type = #tpu.core_type<sc_vector_subcore>, window_params = [{transform_indices = #map}, {transform_indices = #map1}, {transform_indices = #map1}, {transform_indices = #map}]} {
    %mul3A = arith.constant 16 : i32
    %mul3A_0 = arith.muli %arg0, %mul3A : i32
    %add3A = arith.addi %mul3A_0, %arg1 : i32
    %mul3A_1 = arith.constant 10000 : i32
    %mul3A_2 = arith.muli %add3A, %mul3A_1 : i32
    %lt3A = arith.constant 15 : i32
    %lt3A_3 = arith.cmpi slt, %arg1, %lt3A : i32
    %convert_element_type3A = arith.extui %lt3A_3 : i1 to i32
    %cond3A = arith.constant 0 : i32
    %cond3A_4 = arith.cmpi ne, %convert_element_type3A, %cond3A : i32
    scf.if %cond3A_4 {
      %mul3A_51 = arith.constant 632 : i32
      %mul3A_52 = arith.muli %arg1, %mul3A_51 : i32
      %mul3A_53 = arith.constant 632 : i32
      %mul3A_54 = arith.muli %arg1, %mul3A_53 : i32
      "tpu.region"() ({
        %run_scoped3A = tpu.sem_alloc : memref<!tpu.dma_semaphore, #tpu.memory_space<semaphore_mem>>
        %dma_start3A_55 = arith.constant 0 : i32
        %dma_start3A_56 = tpu.memref_slice %arg21[%mul3A_54, %dma_start3A_55] : memref<10000x128xf32, #tpu.memory_space<vmem_shared>> -> memref<632x128xf32, #tpu.memory_space<vmem_shared>>
        %dma_start3A_57 = arith.constant 0 : i32
        %dma_start3A_58 = tpu.memref_slice %arg2[%mul3A_52, %dma_start3A_57] : memref<10000x128xf32, #tpu.memory_space<hbm>> -> memref<632x128xf32, #tpu.memory_space<hbm>>
        tpu.enqueue_dma source(%dma_start3A_58 : memref<632x128xf32, #tpu.memory_space<hbm>>) target(%dma_start3A_56 : memref<632x128xf32, #tpu.memory_space<vmem_shared>>) target_semaphore(%run_scoped3A : memref<!tpu.dma_semaphore, #tpu.memory_space<semaphore_mem>>)
        %dma_wait3A_59 = arith.constant 0 : i32
        %dma_wait3A_60 = tpu.memref_slice %arg21[%mul3A_54, %dma_wait3A_59] : memref<10000x128xf32, #tpu.memory_space<vmem_shared>> -> memref<632x128xf32, #tpu.memory_space<vmem_shared>>
        %dma_wait3A_61 = arith.constant 0 : i32
        %dma_wait3A_62 = tpu.memref_slice %arg2[%mul3A_52, %dma_wait3A_61] : memref<10000x128xf32, #tpu.memory_space<hbm>> -> memref<632x128xf32, #tpu.memory_space<hbm>>
        tpu.wait_dma2 semaphore(%run_scoped3A : memref<!tpu.dma_semaphore, #tpu.memory_space<semaphore_mem>>) src(%dma_wait3A_62 : memref<632x128xf32, #tpu.memory_space<hbm>>) dst(%dma_wait3A_60 : memref<632x128xf32, #tpu.memory_space<vmem_shared>>)
        tpu.yield
      }) : () -> ()
    } else {
    }
    %eq3A = arith.constant 15 : i32
    %eq3A_5 = arith.cmpi eq, %arg1, %eq3A : i32
    %convert_element_type3A_6 = arith.extui %eq3A_5 : i1 to i32
    %cond3A_7 = arith.constant 0 : i32
    %cond3A_8 = arith.cmpi ne, %convert_element_type3A_6, %cond3A_7 : i32
    scf.if %cond3A_8 {
      "tpu.region"() ({
        %run_scoped3A = tpu.sem_alloc : memref<!tpu.dma_semaphore, #tpu.memory_space<semaphore_mem>>
        %dma_start3A_51 = arith.constant 9480 : i32
        %dma_start3A_52 = arith.constant 0 : i32
        %dma_start3A_53 = tpu.memref_slice %arg21[%dma_start3A_51, %dma_start3A_52] : memref<10000x128xf32, #tpu.memory_space<vmem_shared>> -> memref<520x128xf32, #tpu.memory_space<vmem_shared>>
        %dma_start3A_54 = arith.constant 9480 : i32
        %dma_start3A_55 = arith.constant 0 : i32
        %dma_start3A_56 = tpu.memref_slice %arg2[%dma_start3A_54, %dma_start3A_55] : memref<10000x128xf32, #tpu.memory_space<hbm>> -> memref<520x128xf32, #tpu.memory_space<hbm>>
        tpu.enqueue_dma source(%dma_start3A_56 : memref<520x128xf32, #tpu.memory_space<hbm>>) target(%dma_start3A_53 : memref<520x128xf32, #tpu.memory_space<vmem_shared>>) target_semaphore(%run_scoped3A : memref<!tpu.dma_semaphore, #tpu.memory_space<semaphore_mem>>)
        %dma_wait3A_57 = arith.constant 9480 : i32
        %dma_wait3A_58 = arith.constant 0 : i32
        %dma_wait3A_59 = tpu.memref_slice %arg21[%dma_wait3A_57, %dma_wait3A_58] : memref<10000x128xf32, #tpu.memory_space<vmem_shared>> -> memref<520x128xf32, #tpu.memory_space<vmem_shared>>
        %dma_wait3A_60 = arith.constant 9480 : i32
        %dma_wait3A_61 = arith.constant 0 : i32
        %dma_wait3A_62 = tpu.memref_slice %arg2[%dma_wait3A_60, %dma_wait3A_61] : memref<10000x128xf32, #tpu.memory_space<hbm>> -> memref<520x128xf32, #tpu.memory_space<hbm>>
        tpu.wait_dma2 semaphore(%run_scoped3A : memref<!tpu.dma_semaphore, #tpu.memory_space<semaphore_mem>>) src(%dma_wait3A_62 : memref<520x128xf32, #tpu.memory_space<hbm>>) dst(%dma_wait3A_59 : memref<520x128xf32, #tpu.memory_space<vmem_shared>>)
        tpu.yield
      }) : () -> ()
    } else {
    }
    %barrier3A = arith.constant 0 : index
    tpu.barrier barrier_id(%barrier3A)
    "tpu.region"() ({
      %run_scoped3A = tpu.sem_alloc : memref<!tpu.dma_semaphore, #tpu.memory_space<semaphore_mem>>
      %dma_start3A_51 = tpu.memref_slice %arg3[%mul3A_2] : memref<320000xi32, #tpu.memory_space<hbm>> -> memref<128xi32, #tpu.memory_space<hbm>>
      %dma_start3A_52 = tpu.memref_slice %arg3[%mul3A_2] : memref<320000xi32, #tpu.memory_space<hbm>> -> memref<128xi32, #tpu.memory_space<hbm>>
      tpu.enqueue_dma source(%dma_start3A_52 : memref<128xi32, #tpu.memory_space<hbm>>) target(%arg6 : memref<128xi32, #tpu.memory_space<vmem>>) target_semaphore(%run_scoped3A : memref<!tpu.dma_semaphore, #tpu.memory_space<semaphore_mem>>)
      %dma_wait3A_53 = tpu.memref_slice %arg3[%mul3A_2] : memref<320000xi32, #tpu.memory_space<hbm>> -> memref<128xi32, #tpu.memory_space<hbm>>
      %dma_wait3A_54 = tpu.memref_slice %arg3[%mul3A_2] : memref<320000xi32, #tpu.memory_space<hbm>> -> memref<128xi32, #tpu.memory_space<hbm>>
      tpu.wait_dma2 semaphore(%run_scoped3A : memref<!tpu.dma_semaphore, #tpu.memory_space<semaphore_mem>>) src(%dma_wait3A_54 : memref<128xi32, #tpu.memory_space<hbm>>) dst(%arg6 : memref<128xi32, #tpu.memory_space<vmem>>)
      tpu.yield
    }) : () -> ()
    "tpu.region"() ({
      %run_scoped3A = tpu.sem_alloc : memref<!tpu.dma_semaphore, #tpu.memory_space<semaphore_mem>>
      %dma_start3A_51 = tpu.memref_slice %arg4[%mul3A_2] : memref<320000xi32, #tpu.memory_space<hbm>> -> memref<128xi32, #tpu.memory_space<hbm>>
      %dma_start3A_52 = tpu.memref_slice %arg4[%mul3A_2] : memref<320000xi32, #tpu.memory_space<hbm>> -> memref<128xi32, #tpu.memory_space<hbm>>
      tpu.enqueue_dma source(%dma_start3A_52 : memref<128xi32, #tpu.memory_space<hbm>>) target(%arg7 : memref<128xi32, #tpu.memory_space<vmem>>) target_semaphore(%run_scoped3A : memref<!tpu.dma_semaphore, #tpu.memory_space<semaphore_mem>>)
      %dma_wait3A_53 = tpu.memref_slice %arg4[%mul3A_2] : memref<320000xi32, #tpu.memory_space<hbm>> -> memref<128xi32, #tpu.memory_space<hbm>>
      %dma_wait3A_54 = tpu.memref_slice %arg4[%mul3A_2] : memref<320000xi32, #tpu.memory_space<hbm>> -> memref<128xi32, #tpu.memory_space<hbm>>
      tpu.wait_dma2 semaphore(%run_scoped3A : memref<!tpu.dma_semaphore, #tpu.memory_space<semaphore_mem>>) src(%dma_wait3A_54 : memref<128xi32, #tpu.memory_space<hbm>>) dst(%arg7 : memref<128xi32, #tpu.memory_space<vmem>>)
      tpu.yield
    }) : () -> ()
    %dma_start3A = arith.constant 0 : i32
    %dma_start3A_9 = arith.constant 0 : i32
    %dma_start3A_10 = tpu.memref_slice %arg2[%dma_start3A, %dma_start3A_9] : memref<10000x128xf32, #tpu.memory_space<hbm>> -> memref<10000x128xf32, #tpu.memory_space<hbm>>
    tpu.enqueue_indirect_dma source(%dma_start3A_10 : memref<10000x128xf32, #tpu.memory_space<hbm>>) target(%arg8 : memref<128x128xf32, #tpu.memory_space<vmem>>) offsets(%arg6 : memref<128xi32, #tpu.memory_space<vmem>>) semaphore(%arg9 : memref<!tpu.dma_semaphore, #tpu.memory_space<semaphore_mem>>)
    %add3A_11 = arith.constant 128 : i32
    %add3A_12 = arith.addi %mul3A_2, %add3A_11 : i32
    "tpu.region"() ({
      %run_scoped3A = tpu.sem_alloc : memref<!tpu.dma_semaphore, #tpu.memory_space<semaphore_mem>>
      %dma_start3A_51 = tpu.memref_slice %arg3[%add3A_12] : memref<320000xi32, #tpu.memory_space<hbm>> -> memref<128xi32, #tpu.memory_space<hbm>>
      %dma_start3A_52 = tpu.memref_slice %arg3[%add3A_12] : memref<320000xi32, #tpu.memory_space<hbm>> -> memref<128xi32, #tpu.memory_space<hbm>>
      tpu.enqueue_dma source(%dma_start3A_52 : memref<128xi32, #tpu.memory_space<hbm>>) target(%arg11 : memref<128xi32, #tpu.memory_space<vmem>>) target_semaphore(%run_scoped3A : memref<!tpu.dma_semaphore, #tpu.memory_space<semaphore_mem>>)
      %dma_wait3A_53 = tpu.memref_slice %arg3[%add3A_12] : memref<320000xi32, #tpu.memory_space<hbm>> -> memref<128xi32, #tpu.memory_space<hbm>>
      %dma_wait3A_54 = tpu.memref_slice %arg3[%add3A_12] : memref<320000xi32, #tpu.memory_space<hbm>> -> memref<128xi32, #tpu.memory_space<hbm>>
      tpu.wait_dma2 semaphore(%run_scoped3A : memref<!tpu.dma_semaphore, #tpu.memory_space<semaphore_mem>>) src(%dma_wait3A_54 : memref<128xi32, #tpu.memory_space<hbm>>) dst(%arg11 : memref<128xi32, #tpu.memory_space<vmem>>)
      tpu.yield
    }) : () -> ()
    "tpu.region"() ({
      %run_scoped3A = tpu.sem_alloc : memref<!tpu.dma_semaphore, #tpu.memory_space<semaphore_mem>>
      %dma_start3A_51 = tpu.memref_slice %arg4[%add3A_12] : memref<320000xi32, #tpu.memory_space<hbm>> -> memref<128xi32, #tpu.memory_space<hbm>>
      %dma_start3A_52 = tpu.memref_slice %arg4[%add3A_12] : memref<320000xi32, #tpu.memory_space<hbm>> -> memref<128xi32, #tpu.memory_space<hbm>>
      tpu.enqueue_dma source(%dma_start3A_52 : memref<128xi32, #tpu.memory_space<hbm>>) target(%arg12 : memref<128xi32, #tpu.memory_space<vmem>>) target_semaphore(%run_scoped3A : memref<!tpu.dma_semaphore, #tpu.memory_space<semaphore_mem>>)
      %dma_wait3A_53 = tpu.memref_slice %arg4[%add3A_12] : memref<320000xi32, #tpu.memory_space<hbm>> -> memref<128xi32, #tpu.memory_space<hbm>>
      %dma_wait3A_54 = tpu.memref_slice %arg4[%add3A_12] : memref<320000xi32, #tpu.memory_space<hbm>> -> memref<128xi32, #tpu.memory_space<hbm>>
      tpu.wait_dma2 semaphore(%run_scoped3A : memref<!tpu.dma_semaphore, #tpu.memory_space<semaphore_mem>>) src(%dma_wait3A_54 : memref<128xi32, #tpu.memory_space<hbm>>) dst(%arg12 : memref<128xi32, #tpu.memory_space<vmem>>)
      tpu.yield
    }) : () -> ()
    %dma_start3A_13 = arith.constant 0 : i32
    %dma_start3A_14 = arith.constant 0 : i32
    %dma_start3A_15 = tpu.memref_slice %arg2[%dma_start3A_13, %dma_start3A_14] : memref<10000x128xf32, #tpu.memory_space<hbm>> -> memref<10000x128xf32, #tpu.memory_space<hbm>>
    tpu.enqueue_indirect_dma source(%dma_start3A_15 : memref<10000x128xf32, #tpu.memory_space<hbm>>) target(%arg13 : memref<128x128xf32, #tpu.memory_space<vmem>>) offsets(%arg11 : memref<128xi32, #tpu.memory_space<vmem>>) semaphore(%arg14 : memref<!tpu.dma_semaphore, #tpu.memory_space<semaphore_mem>>)
    %add3A_16 = arith.constant 256 : i32
    %add3A_17 = arith.addi %mul3A_2, %add3A_16 : i32
    %dma_start3A_18 = tpu.memref_slice %arg3[%add3A_17] : memref<320000xi32, #tpu.memory_space<hbm>> -> memref<128xi32, #tpu.memory_space<hbm>>
    %dma_start3A_19 = tpu.memref_slice %arg3[%add3A_17] : memref<320000xi32, #tpu.memory_space<hbm>> -> memref<128xi32, #tpu.memory_space<hbm>>
    tpu.enqueue_dma source(%dma_start3A_19 : memref<128xi32, #tpu.memory_space<hbm>>) target(%arg16 : memref<128xi32, #tpu.memory_space<vmem>>) target_semaphore(%arg20 : memref<!tpu.dma_semaphore, #tpu.memory_space<semaphore_mem>>)
    %dma_start3A_20 = tpu.memref_slice %arg4[%add3A_17] : memref<320000xi32, #tpu.memory_space<hbm>> -> memref<128xi32, #tpu.memory_space<hbm>>
    %dma_start3A_21 = tpu.memref_slice %arg4[%add3A_17] : memref<320000xi32, #tpu.memory_space<hbm>> -> memref<128xi32, #tpu.memory_space<hbm>>
    tpu.enqueue_dma source(%dma_start3A_21 : memref<128xi32, #tpu.memory_space<hbm>>) target(%arg17 : memref<128xi32, #tpu.memory_space<vmem>>) target_semaphore(%arg20 : memref<!tpu.dma_semaphore, #tpu.memory_space<semaphore_mem>>)
    %scan3A = arith.constant 0 : i32
    %scan3A_22 = arith.constant 0 : i32
    %scan3A_23 = arith.constant 26 : i32
    %scan3A_24 = arith.addi %scan3A_22, %scan3A_23 : i32
    %scan3A_25 = arith.constant 1 : i32
    scf.for %scan3A_51 = %scan3A_22 to %scan3A_24 step %scan3A_25  : i32 {
      %mul3A_52 = arith.constant 3 : i32
      %mul3A_53 = arith.muli %mul3A_52, %scan3A_51 : i32
      %dma_wait3A_54 = arith.constant 0 : i32
      %dma_wait3A_55 = arith.constant 0 : i32
      %dma_wait3A_56 = tpu.memref_slice %arg2[%dma_wait3A_54, %dma_wait3A_55] : memref<10000x128xf32, #tpu.memory_space<hbm>> -> memref<10000x128xf32, #tpu.memory_space<hbm>>
      tpu.wait_indirect_dma semaphore(%arg9 : memref<!tpu.dma_semaphore, #tpu.memory_space<semaphore_mem>>) src(%dma_wait3A_56 : memref<10000x128xf32, #tpu.memory_space<hbm>>) dst(%arg8 : memref<128x128xf32, #tpu.memory_space<vmem>>)
      "tpu.region"() ({
        %run_scoped3A = tpu.sem_alloc : memref<!tpu.dma_semaphore, #tpu.memory_space<semaphore_mem>>
        %dma_start3A_90 = arith.constant 0 : i32
        %dma_start3A_91 = arith.constant 0 : i32
        %dma_start3A_92 = tpu.memref_slice %arg21[%dma_start3A_90, %dma_start3A_91] : memref<10000x128xf32, #tpu.memory_space<vmem_shared>> -> memref<10000x128xf32, #tpu.memory_space<vmem_shared>>
        tpu.enqueue_indirect_dma source(%arg8 : memref<128x128xf32, #tpu.memory_space<vmem>>) target(%dma_start3A_92 : memref<10000x128xf32, #tpu.memory_space<vmem_shared>>) offsets(%arg7 : memref<128xi32, #tpu.memory_space<vmem>>) semaphore(%run_scoped3A : memref<!tpu.dma_semaphore, #tpu.memory_space<semaphore_mem>>) {add = true}
        %dma_wait3A_93 = arith.constant 0 : i32
        %dma_wait3A_94 = arith.constant 0 : i32
        %dma_wait3A_95 = tpu.memref_slice %arg21[%dma_wait3A_93, %dma_wait3A_94] : memref<10000x128xf32, #tpu.memory_space<vmem_shared>> -> memref<10000x128xf32, #tpu.memory_space<vmem_shared>>
        tpu.wait_indirect_dma semaphore(%run_scoped3A : memref<!tpu.dma_semaphore, #tpu.memory_space<semaphore_mem>>) src(%arg8 : memref<128x128xf32, #tpu.memory_space<vmem>>) dst(%dma_wait3A_95 : memref<10000x128xf32, #tpu.memory_space<vmem_shared>>)
        tpu.yield
      }) : () -> ()
      %lt3A_57 = arith.constant 25 : i32
      %lt3A_58 = arith.cmpi slt, %scan3A_51, %lt3A_57 : i32
      %convert_element_type3A_59 = arith.extui %lt3A_58 : i1 to i32
      %cond3A_60 = arith.constant 0 : i32
      %cond3A_61 = arith.cmpi ne, %convert_element_type3A_59, %cond3A_60 : i32
      scf.if %cond3A_61 {
        %add3A_90 = arith.constant 3 : i32
        %add3A_91 = arith.addi %mul3A_53, %add3A_90 : i32
        %mul3A_92 = arith.constant 128 : i32
        %mul3A_93 = arith.muli %add3A_91, %mul3A_92 : i32
        %add3A_94 = arith.addi %mul3A_2, %mul3A_93 : i32
        %dma_start3A_95 = tpu.memref_slice %arg3[%add3A_94] : memref<320000xi32, #tpu.memory_space<hbm>> -> memref<128xi32, #tpu.memory_space<hbm>>
        %dma_start3A_96 = tpu.memref_slice %arg3[%add3A_94] : memref<320000xi32, #tpu.memory_space<hbm>> -> memref<128xi32, #tpu.memory_space<hbm>>
        tpu.enqueue_dma source(%dma_start3A_96 : memref<128xi32, #tpu.memory_space<hbm>>) target(%arg6 : memref<128xi32, #tpu.memory_space<vmem>>) target_semaphore(%arg10 : memref<!tpu.dma_semaphore, #tpu.memory_space<semaphore_mem>>)
        %dma_start3A_97 = tpu.memref_slice %arg4[%add3A_94] : memref<320000xi32, #tpu.memory_space<hbm>> -> memref<128xi32, #tpu.memory_space<hbm>>
        %dma_start3A_98 = tpu.memref_slice %arg4[%add3A_94] : memref<320000xi32, #tpu.memory_space<hbm>> -> memref<128xi32, #tpu.memory_space<hbm>>
        tpu.enqueue_dma source(%dma_start3A_98 : memref<128xi32, #tpu.memory_space<hbm>>) target(%arg7 : memref<128xi32, #tpu.memory_space<vmem>>) target_semaphore(%arg10 : memref<!tpu.dma_semaphore, #tpu.memory_space<semaphore_mem>>)
      } else {
      }
      %add3A_62 = arith.constant 2 : i32
      %add3A_63 = arith.addi %mul3A_53, %add3A_62 : i32
      %mul3A_64 = arith.constant 128 : i32
      %mul3A_65 = arith.muli %add3A_63, %mul3A_64 : i32
      %add3A_66 = arith.addi %mul3A_2, %mul3A_65 : i32
      %dma_wait3A_67 = tpu.memref_slice %arg3[%add3A_66] : memref<320000xi32, #tpu.memory_space<hbm>> -> memref<128xi32, #tpu.memory_space<hbm>>
      %dma_wait3A_68 = tpu.memref_slice %arg3[%add3A_66] : memref<320000xi32, #tpu.memory_space<hbm>> -> memref<128xi32, #tpu.memory_space<hbm>>
      tpu.wait_dma2 semaphore(%arg20 : memref<!tpu.dma_semaphore, #tpu.memory_space<semaphore_mem>>) src(%dma_wait3A_68 : memref<128xi32, #tpu.memory_space<hbm>>) dst(%arg16 : memref<128xi32, #tpu.memory_space<vmem>>)
      %dma_wait3A_69 = tpu.memref_slice %arg4[%add3A_66] : memref<320000xi32, #tpu.memory_space<hbm>> -> memref<128xi32, #tpu.memory_space<hbm>>
      %dma_wait3A_70 = tpu.memref_slice %arg4[%add3A_66] : memref<320000xi32, #tpu.memory_space<hbm>> -> memref<128xi32, #tpu.memory_space<hbm>>
      tpu.wait_dma2 semaphore(%arg20 : memref<!tpu.dma_semaphore, #tpu.memory_space<semaphore_mem>>) src(%dma_wait3A_70 : memref<128xi32, #tpu.memory_space<hbm>>) dst(%arg17 : memref<128xi32, #tpu.memory_space<vmem>>)
      %dma_start3A_71 = arith.constant 0 : i32
      %dma_start3A_72 = arith.constant 0 : i32
      %dma_start3A_73 = tpu.memref_slice %arg2[%dma_start3A_71, %dma_start3A_72] : memref<10000x128xf32, #tpu.memory_space<hbm>> -> memref<10000x128xf32, #tpu.memory_space<hbm>>
      tpu.enqueue_indirect_dma source(%dma_start3A_73 : memref<10000x128xf32, #tpu.memory_space<hbm>>) target(%arg18 : memref<128x128xf32, #tpu.memory_space<vmem>>) offsets(%arg16 : memref<128xi32, #tpu.memory_space<vmem>>) semaphore(%arg19 : memref<!tpu.dma_semaphore, #tpu.memory_space<semaphore_mem>>)
      %dma_wait3A_74 = arith.constant 0 : i32
      %dma_wait3A_75 = arith.constant 0 : i32
      %dma_wait3A_76 = tpu.memref_slice %arg2[%dma_wait3A_74, %dma_wait3A_75] : memref<10000x128xf32, #tpu.memory_space<hbm>> -> memref<10000x128xf32, #tpu.memory_space<hbm>>
      tpu.wait_indirect_dma semaphore(%arg14 : memref<!tpu.dma_semaphore, #tpu.memory_space<semaphore_mem>>) src(%dma_wait3A_76 : memref<10000x128xf32, #tpu.memory_space<hbm>>) dst(%arg13 : memref<128x128xf32, #tpu.memory_space<vmem>>)
      "tpu.region"() ({
        %run_scoped3A = tpu.sem_alloc : memref<!tpu.dma_semaphore, #tpu.memory_space<semaphore_mem>>
        %dma_start3A_90 = arith.constant 0 : i32
        %dma_start3A_91 = arith.constant 0 : i32
        %dma_start3A_92 = tpu.memref_slice %arg21[%dma_start3A_90, %dma_start3A_91] : memref<10000x128xf32, #tpu.memory_space<vmem_shared>> -> memref<10000x128xf32, #tpu.memory_space<vmem_shared>>
        tpu.enqueue_indirect_dma source(%arg13 : memref<128x128xf32, #tpu.memory_space<vmem>>) target(%dma_start3A_92 : memref<10000x128xf32, #tpu.memory_space<vmem_shared>>) offsets(%arg12 : memref<128xi32, #tpu.memory_space<vmem>>) semaphore(%run_scoped3A : memref<!tpu.dma_semaphore, #tpu.memory_space<semaphore_mem>>) {add = true}
        %dma_wait3A_93 = arith.constant 0 : i32
        %dma_wait3A_94 = arith.constant 0 : i32
        %dma_wait3A_95 = tpu.memref_slice %arg21[%dma_wait3A_93, %dma_wait3A_94] : memref<10000x128xf32, #tpu.memory_space<vmem_shared>> -> memref<10000x128xf32, #tpu.memory_space<vmem_shared>>
        tpu.wait_indirect_dma semaphore(%run_scoped3A : memref<!tpu.dma_semaphore, #tpu.memory_space<semaphore_mem>>) src(%arg13 : memref<128x128xf32, #tpu.memory_space<vmem>>) dst(%dma_wait3A_95 : memref<10000x128xf32, #tpu.memory_space<vmem_shared>>)
        tpu.yield
      }) : () -> ()
      %lt3A_77 = arith.constant 25 : i32
      %lt3A_78 = arith.cmpi slt, %scan3A_51, %lt3A_77 : i32
      %convert_element_type3A_79 = arith.extui %lt3A_78 : i1 to i32
      %cond3A_80 = arith.constant 0 : i32
      %cond3A_81 = arith.cmpi ne, %convert_element_type3A_79, %cond3A_80 : i32
      scf.if %cond3A_81 {
        %add3A_90 = arith.constant 4 : i32
        %add3A_91 = arith.addi %mul3A_53, %add3A_90 : i32
        %mul3A_92 = arith.constant 128 : i32
        %mul3A_93 = arith.muli %add3A_91, %mul3A_92 : i32
        %add3A_94 = arith.addi %mul3A_2, %mul3A_93 : i32
        %dma_start3A_95 = tpu.memref_slice %arg3[%add3A_94] : memref<320000xi32, #tpu.memory_space<hbm>> -> memref<128xi32, #tpu.memory_space<hbm>>
        %dma_start3A_96 = tpu.memref_slice %arg3[%add3A_94] : memref<320000xi32, #tpu.memory_space<hbm>> -> memref<128xi32, #tpu.memory_space<hbm>>
        tpu.enqueue_dma source(%dma_start3A_96 : memref<128xi32, #tpu.memory_space<hbm>>) target(%arg11 : memref<128xi32, #tpu.memory_space<vmem>>) target_semaphore(%arg15 : memref<!tpu.dma_semaphore, #tpu.memory_space<semaphore_mem>>)
        %dma_start3A_97 = tpu.memref_slice %arg4[%add3A_94] : memref<320000xi32, #tpu.memory_space<hbm>> -> memref<128xi32, #tpu.memory_space<hbm>>
        %dma_start3A_98 = tpu.memref_slice %arg4[%add3A_94] : memref<320000xi32, #tpu.memory_space<hbm>> -> memref<128xi32, #tpu.memory_space<hbm>>
        tpu.enqueue_dma source(%dma_start3A_98 : memref<128xi32, #tpu.memory_space<hbm>>) target(%arg12 : memref<128xi32, #tpu.memory_space<vmem>>) target_semaphore(%arg15 : memref<!tpu.dma_semaphore, #tpu.memory_space<semaphore_mem>>)
        %add3A_99 = arith.constant 3 : i32
        %add3A_100 = arith.addi %mul3A_53, %add3A_99 : i32
        %mul3A_101 = arith.constant 128 : i32
        %mul3A_102 = arith.muli %add3A_100, %mul3A_101 : i32
        %add3A_103 = arith.addi %mul3A_2, %mul3A_102 : i32
        %dma_wait3A_104 = tpu.memref_slice %arg3[%add3A_103] : memref<320000xi32, #tpu.memory_space<hbm>> -> memref<128xi32, #tpu.memory_space<hbm>>
        %dma_wait3A_105 = tpu.memref_slice %arg3[%add3A_103] : memref<320000xi32, #tpu.memory_space<hbm>> -> memref<128xi32, #tpu.memory_space<hbm>>
        tpu.wait_dma2 semaphore(%arg10 : memref<!tpu.dma_semaphore, #tpu.memory_space<semaphore_mem>>) src(%dma_wait3A_105 : memref<128xi32, #tpu.memory_space<hbm>>) dst(%arg6 : memref<128xi32, #tpu.memory_space<vmem>>)
        %dma_wait3A_106 = tpu.memref_slice %arg4[%add3A_103] : memref<320000xi32, #tpu.memory_space<hbm>> -> memref<128xi32, #tpu.memory_space<hbm>>
        %dma_wait3A_107 = tpu.memref_slice %arg4[%add3A_103] : memref<320000xi32, #tpu.memory_space<hbm>> -> memref<128xi32, #tpu.memory_space<hbm>>
        tpu.wait_dma2 semaphore(%arg10 : memref<!tpu.dma_semaphore, #tpu.memory_space<semaphore_mem>>) src(%dma_wait3A_107 : memref<128xi32, #tpu.memory_space<hbm>>) dst(%arg7 : memref<128xi32, #tpu.memory_space<vmem>>)
        %dma_start3A_108 = arith.constant 0 : i32
        %dma_start3A_109 = arith.constant 0 : i32
        %dma_start3A_110 = tpu.memref_slice %arg2[%dma_start3A_108, %dma_start3A_109] : memref<10000x128xf32, #tpu.memory_space<hbm>> -> memref<10000x128xf32, #tpu.memory_space<hbm>>
        tpu.enqueue_indirect_dma source(%dma_start3A_110 : memref<10000x128xf32, #tpu.memory_space<hbm>>) target(%arg8 : memref<128x128xf32, #tpu.memory_space<vmem>>) offsets(%arg6 : memref<128xi32, #tpu.memory_space<vmem>>) semaphore(%arg9 : memref<!tpu.dma_semaphore, #tpu.memory_space<semaphore_mem>>)
      } else {
      }
      %dma_wait3A_82 = arith.constant 0 : i32
      %dma_wait3A_83 = arith.constant 0 : i32
      %dma_wait3A_84 = tpu.memref_slice %arg2[%dma_wait3A_82, %dma_wait3A_83] : memref<10000x128xf32, #tpu.memory_space<hbm>> -> memref<10000x128xf32, #tpu.memory_space<hbm>>
      tpu.wait_indirect_dma semaphore(%arg19 : memref<!tpu.dma_semaphore, #tpu.memory_space<semaphore_mem>>) src(%dma_wait3A_84 : memref<10000x128xf32, #tpu.memory_space<hbm>>) dst(%arg18 : memref<128x128xf32, #tpu.memory_space<vmem>>)
      "tpu.region"() ({
        %run_scoped3A = tpu.sem_alloc : memref<!tpu.dma_semaphore, #tpu.memory_space<semaphore_mem>>
        %dma_start3A_90 = arith.constant 0 : i32
        %dma_start3A_91 = arith.constant 0 : i32
        %dma_start3A_92 = tpu.memref_slice %arg21[%dma_start3A_90, %dma_start3A_91] : memref<10000x128xf32, #tpu.memory_space<vmem_shared>> -> memref<10000x128xf32, #tpu.memory_space<vmem_shared>>
        tpu.enqueue_indirect_dma source(%arg18 : memref<128x128xf32, #tpu.memory_space<vmem>>) target(%dma_start3A_92 : memref<10000x128xf32, #tpu.memory_space<vmem_shared>>) offsets(%arg17 : memref<128xi32, #tpu.memory_space<vmem>>) semaphore(%run_scoped3A : memref<!tpu.dma_semaphore, #tpu.memory_space<semaphore_mem>>) {add = true}
        %dma_wait3A_93 = arith.constant 0 : i32
        %dma_wait3A_94 = arith.constant 0 : i32
        %dma_wait3A_95 = tpu.memref_slice %arg21[%dma_wait3A_93, %dma_wait3A_94] : memref<10000x128xf32, #tpu.memory_space<vmem_shared>> -> memref<10000x128xf32, #tpu.memory_space<vmem_shared>>
        tpu.wait_indirect_dma semaphore(%run_scoped3A : memref<!tpu.dma_semaphore, #tpu.memory_space<semaphore_mem>>) src(%arg18 : memref<128x128xf32, #tpu.memory_space<vmem>>) dst(%dma_wait3A_95 : memref<10000x128xf32, #tpu.memory_space<vmem_shared>>)
        tpu.yield
      }) : () -> ()
      %lt3A_85 = arith.constant 25 : i32
      %lt3A_86 = arith.cmpi slt, %scan3A_51, %lt3A_85 : i32
      %convert_element_type3A_87 = arith.extui %lt3A_86 : i1 to i32
      %cond3A_88 = arith.constant 0 : i32
      %cond3A_89 = arith.cmpi ne, %convert_element_type3A_87, %cond3A_88 : i32
      scf.if %cond3A_89 {
        %add3A_90 = arith.constant 5 : i32
        %add3A_91 = arith.addi %mul3A_53, %add3A_90 : i32
        %mul3A_92 = arith.constant 128 : i32
        %mul3A_93 = arith.muli %add3A_91, %mul3A_92 : i32
        %add3A_94 = arith.addi %mul3A_2, %mul3A_93 : i32
        %dma_start3A_95 = tpu.memref_slice %arg3[%add3A_94] : memref<320000xi32, #tpu.memory_space<hbm>> -> memref<128xi32, #tpu.memory_space<hbm>>
        %dma_start3A_96 = tpu.memref_slice %arg3[%add3A_94] : memref<320000xi32, #tpu.memory_space<hbm>> -> memref<128xi32, #tpu.memory_space<hbm>>
        tpu.enqueue_dma source(%dma_start3A_96 : memref<128xi32, #tpu.memory_space<hbm>>) target(%arg16 : memref<128xi32, #tpu.memory_space<vmem>>) target_semaphore(%arg20 : memref<!tpu.dma_semaphore, #tpu.memory_space<semaphore_mem>>)
        %dma_start3A_97 = tpu.memref_slice %arg4[%add3A_94] : memref<320000xi32, #tpu.memory_space<hbm>> -> memref<128xi32, #tpu.memory_space<hbm>>
        %dma_start3A_98 = tpu.memref_slice %arg4[%add3A_94] : memref<320000xi32, #tpu.memory_space<hbm>> -> memref<128xi32, #tpu.memory_space<hbm>>
        tpu.enqueue_dma source(%dma_start3A_98 : memref<128xi32, #tpu.memory_space<hbm>>) target(%arg17 : memref<128xi32, #tpu.memory_space<vmem>>) target_semaphore(%arg20 : memref<!tpu.dma_semaphore, #tpu.memory_space<semaphore_mem>>)
        %add3A_99 = arith.constant 4 : i32
        %add3A_100 = arith.addi %mul3A_53, %add3A_99 : i32
        %mul3A_101 = arith.constant 128 : i32
        %mul3A_102 = arith.muli %add3A_100, %mul3A_101 : i32
        %add3A_103 = arith.addi %mul3A_2, %mul3A_102 : i32
        %dma_wait3A_104 = tpu.memref_slice %arg3[%add3A_103] : memref<320000xi32, #tpu.memory_space<hbm>> -> memref<128xi32, #tpu.memory_space<hbm>>
        %dma_wait3A_105 = tpu.memref_slice %arg3[%add3A_103] : memref<320000xi32, #tpu.memory_space<hbm>> -> memref<128xi32, #tpu.memory_space<hbm>>
        tpu.wait_dma2 semaphore(%arg15 : memref<!tpu.dma_semaphore, #tpu.memory_space<semaphore_mem>>) src(%dma_wait3A_105 : memref<128xi32, #tpu.memory_space<hbm>>) dst(%arg11 : memref<128xi32, #tpu.memory_space<vmem>>)
        %dma_wait3A_106 = tpu.memref_slice %arg4[%add3A_103] : memref<320000xi32, #tpu.memory_space<hbm>> -> memref<128xi32, #tpu.memory_space<hbm>>
        %dma_wait3A_107 = tpu.memref_slice %arg4[%add3A_103] : memref<320000xi32, #tpu.memory_space<hbm>> -> memref<128xi32, #tpu.memory_space<hbm>>
        tpu.wait_dma2 semaphore(%arg15 : memref<!tpu.dma_semaphore, #tpu.memory_space<semaphore_mem>>) src(%dma_wait3A_107 : memref<128xi32, #tpu.memory_space<hbm>>) dst(%arg12 : memref<128xi32, #tpu.memory_space<vmem>>)
        %dma_start3A_108 = arith.constant 0 : i32
        %dma_start3A_109 = arith.constant 0 : i32
        %dma_start3A_110 = tpu.memref_slice %arg2[%dma_start3A_108, %dma_start3A_109] : memref<10000x128xf32, #tpu.memory_space<hbm>> -> memref<10000x128xf32, #tpu.memory_space<hbm>>
        tpu.enqueue_indirect_dma source(%dma_start3A_110 : memref<10000x128xf32, #tpu.memory_space<hbm>>) target(%arg13 : memref<128x128xf32, #tpu.memory_space<vmem>>) offsets(%arg11 : memref<128xi32, #tpu.memory_space<vmem>>) semaphore(%arg14 : memref<!tpu.dma_semaphore, #tpu.memory_space<semaphore_mem>>)
      } else {
      }
    }
    %scan3A_26 = arith.constant 26 : i32
    %add3A_27 = arith.constant 9984 : i32
    %add3A_28 = arith.addi %mul3A_2, %add3A_27 : i32
    "tpu.region"() ({
      %run_scoped3A = tpu.sem_alloc : memref<!tpu.dma_semaphore, #tpu.memory_space<semaphore_mem>>
      %dma_start3A_51 = tpu.memref_slice %arg3[%add3A_28] : memref<320000xi32, #tpu.memory_space<hbm>> -> memref<16xi32, #tpu.memory_space<hbm>>
      %dma_start3A_52 = tpu.memref_slice %arg3[%add3A_28] : memref<320000xi32, #tpu.memory_space<hbm>> -> memref<16xi32, #tpu.memory_space<hbm>>
      tpu.enqueue_dma source(%dma_start3A_52 : memref<16xi32, #tpu.memory_space<hbm>>) target(%arg22 : memref<16xi32, #tpu.memory_space<vmem>>) target_semaphore(%run_scoped3A : memref<!tpu.dma_semaphore, #tpu.memory_space<semaphore_mem>>)
      %dma_wait3A_53 = tpu.memref_slice %arg3[%add3A_28] : memref<320000xi32, #tpu.memory_space<hbm>> -> memref<16xi32, #tpu.memory_space<hbm>>
      %dma_wait3A_54 = tpu.memref_slice %arg3[%add3A_28] : memref<320000xi32, #tpu.memory_space<hbm>> -> memref<16xi32, #tpu.memory_space<hbm>>
      tpu.wait_dma2 semaphore(%run_scoped3A : memref<!tpu.dma_semaphore, #tpu.memory_space<semaphore_mem>>) src(%dma_wait3A_54 : memref<16xi32, #tpu.memory_space<hbm>>) dst(%arg22 : memref<16xi32, #tpu.memory_space<vmem>>)
      tpu.yield
    }) : () -> ()
    "tpu.region"() ({
      %run_scoped3A = tpu.sem_alloc : memref<!tpu.dma_semaphore, #tpu.memory_space<semaphore_mem>>
      %dma_start3A_51 = tpu.memref_slice %arg4[%add3A_28] : memref<320000xi32, #tpu.memory_space<hbm>> -> memref<16xi32, #tpu.memory_space<hbm>>
      %dma_start3A_52 = tpu.memref_slice %arg4[%add3A_28] : memref<320000xi32, #tpu.memory_space<hbm>> -> memref<16xi32, #tpu.memory_space<hbm>>
      tpu.enqueue_dma source(%dma_start3A_52 : memref<16xi32, #tpu.memory_space<hbm>>) target(%arg23 : memref<16xi32, #tpu.memory_space<vmem>>) target_semaphore(%run_scoped3A : memref<!tpu.dma_semaphore, #tpu.memory_space<semaphore_mem>>)
      %dma_wait3A_53 = tpu.memref_slice %arg4[%add3A_28] : memref<320000xi32, #tpu.memory_space<hbm>> -> memref<16xi32, #tpu.memory_space<hbm>>
      %dma_wait3A_54 = tpu.memref_slice %arg4[%add3A_28] : memref<320000xi32, #tpu.memory_space<hbm>> -> memref<16xi32, #tpu.memory_space<hbm>>
      tpu.wait_dma2 semaphore(%run_scoped3A : memref<!tpu.dma_semaphore, #tpu.memory_space<semaphore_mem>>) src(%dma_wait3A_54 : memref<16xi32, #tpu.memory_space<hbm>>) dst(%arg23 : memref<16xi32, #tpu.memory_space<vmem>>)
      tpu.yield
    }) : () -> ()
    %dma_start3A_29 = arith.constant 0 : i32
    %dma_start3A_30 = arith.constant 0 : i32
    %dma_start3A_31 = tpu.memref_slice %arg8[%dma_start3A_29, %dma_start3A_30] : memref<128x128xf32, #tpu.memory_space<vmem>> -> memref<16x128xf32, #tpu.memory_space<vmem>>
    %dma_start3A_32 = arith.constant 0 : i32
    %dma_start3A_33 = arith.constant 0 : i32
    %dma_start3A_34 = tpu.memref_slice %arg2[%dma_start3A_32, %dma_start3A_33] : memref<10000x128xf32, #tpu.memory_space<hbm>> -> memref<10000x128xf32, #tpu.memory_space<hbm>>
    tpu.enqueue_indirect_dma source(%dma_start3A_34 : memref<10000x128xf32, #tpu.memory_space<hbm>>) target(%dma_start3A_31 : memref<16x128xf32, #tpu.memory_space<vmem>>) offsets(%arg22 : memref<16xi32, #tpu.memory_space<vmem>>) semaphore(%arg9 : memref<!tpu.dma_semaphore, #tpu.memory_space<semaphore_mem>>)
    %dma_wait3A = arith.constant 0 : i32
    %dma_wait3A_35 = arith.constant 0 : i32
    %dma_wait3A_36 = tpu.memref_slice %arg8[%dma_wait3A, %dma_wait3A_35] : memref<128x128xf32, #tpu.memory_space<vmem>> -> memref<16x128xf32, #tpu.memory_space<vmem>>
    %dma_wait3A_37 = arith.constant 0 : i32
    %dma_wait3A_38 = arith.constant 0 : i32
    %dma_wait3A_39 = tpu.memref_slice %arg2[%dma_wait3A_37, %dma_wait3A_38] : memref<10000x128xf32, #tpu.memory_space<hbm>> -> memref<10000x128xf32, #tpu.memory_space<hbm>>
    tpu.wait_indirect_dma semaphore(%arg9 : memref<!tpu.dma_semaphore, #tpu.memory_space<semaphore_mem>>) src(%dma_wait3A_39 : memref<10000x128xf32, #tpu.memory_space<hbm>>) dst(%dma_wait3A_36 : memref<16x128xf32, #tpu.memory_space<vmem>>)
    "tpu.region"() ({
      %run_scoped3A = tpu.sem_alloc : memref<!tpu.dma_semaphore, #tpu.memory_space<semaphore_mem>>
      %dma_start3A_51 = arith.constant 0 : i32
      %dma_start3A_52 = arith.constant 0 : i32
      %dma_start3A_53 = tpu.memref_slice %arg8[%dma_start3A_51, %dma_start3A_52] : memref<128x128xf32, #tpu.memory_space<vmem>> -> memref<16x128xf32, #tpu.memory_space<vmem>>
      %dma_start3A_54 = arith.constant 0 : i32
      %dma_start3A_55 = arith.constant 0 : i32
      %dma_start3A_56 = tpu.memref_slice %arg21[%dma_start3A_54, %dma_start3A_55] : memref<10000x128xf32, #tpu.memory_space<vmem_shared>> -> memref<10000x128xf32, #tpu.memory_space<vmem_shared>>
      tpu.enqueue_indirect_dma source(%dma_start3A_53 : memref<16x128xf32, #tpu.memory_space<vmem>>) target(%dma_start3A_56 : memref<10000x128xf32, #tpu.memory_space<vmem_shared>>) offsets(%arg23 : memref<16xi32, #tpu.memory_space<vmem>>) semaphore(%run_scoped3A : memref<!tpu.dma_semaphore, #tpu.memory_space<semaphore_mem>>) {add = true}
      %dma_wait3A_57 = arith.constant 0 : i32
      %dma_wait3A_58 = arith.constant 0 : i32
      %dma_wait3A_59 = tpu.memref_slice %arg8[%dma_wait3A_57, %dma_wait3A_58] : memref<128x128xf32, #tpu.memory_space<vmem>> -> memref<16x128xf32, #tpu.memory_space<vmem>>
      %dma_wait3A_60 = arith.constant 0 : i32
      %dma_wait3A_61 = arith.constant 0 : i32
      %dma_wait3A_62 = tpu.memref_slice %arg21[%dma_wait3A_60, %dma_wait3A_61] : memref<10000x128xf32, #tpu.memory_space<vmem_shared>> -> memref<10000x128xf32, #tpu.memory_space<vmem_shared>>
      tpu.wait_indirect_dma semaphore(%run_scoped3A : memref<!tpu.dma_semaphore, #tpu.memory_space<semaphore_mem>>) src(%dma_wait3A_59 : memref<16x128xf32, #tpu.memory_space<vmem>>) dst(%dma_wait3A_62 : memref<10000x128xf32, #tpu.memory_space<vmem_shared>>)
      tpu.yield
    }) : () -> ()
    %barrier3A_40 = arith.constant 0 : index
    tpu.barrier barrier_id(%barrier3A_40)
    %lt3A_41 = arith.constant 15 : i32
    %lt3A_42 = arith.cmpi slt, %arg1, %lt3A_41 : i32
    %convert_element_type3A_43 = arith.extui %lt3A_42 : i1 to i32
    %cond3A_44 = arith.constant 0 : i32
    %cond3A_45 = arith.cmpi ne, %convert_element_type3A_43, %cond3A_44 : i32
    scf.if %cond3A_45 {
      %mul3A_51 = arith.constant 632 : i32
      %mul3A_52 = arith.muli %arg1, %mul3A_51 : i32
      %mul3A_53 = arith.constant 10000 : i32
      %mul3A_54 = arith.muli %arg0, %mul3A_53 : i32
      %mul3A_55 = arith.constant 632 : i32
      %mul3A_56 = arith.muli %arg1, %mul3A_55 : i32
      %add3A_57 = arith.addi %mul3A_54, %mul3A_56 : i32
      "tpu.region"() ({
        %run_scoped3A = tpu.sem_alloc : memref<!tpu.dma_semaphore, #tpu.memory_space<semaphore_mem>>
        %dma_start3A_58 = arith.constant 0 : i32
        %dma_start3A_59 = tpu.memref_slice %arg5[%add3A_57, %dma_start3A_58] : memref<20000x128xf32, #tpu.memory_space<hbm>> -> memref<632x128xf32, #tpu.memory_space<hbm>>
        %dma_start3A_60 = arith.constant 0 : i32
        %dma_start3A_61 = tpu.memref_slice %arg21[%mul3A_52, %dma_start3A_60] : memref<10000x128xf32, #tpu.memory_space<vmem_shared>> -> memref<632x128xf32, #tpu.memory_space<vmem_shared>>
        tpu.enqueue_dma source(%dma_start3A_61 : memref<632x128xf32, #tpu.memory_space<vmem_shared>>) target(%dma_start3A_59 : memref<632x128xf32, #tpu.memory_space<hbm>>) target_semaphore(%run_scoped3A : memref<!tpu.dma_semaphore, #tpu.memory_space<semaphore_mem>>)
        %dma_wait3A_62 = arith.constant 0 : i32
        %dma_wait3A_63 = tpu.memref_slice %arg5[%add3A_57, %dma_wait3A_62] : memref<20000x128xf32, #tpu.memory_space<hbm>> -> memref<632x128xf32, #tpu.memory_space<hbm>>
        %dma_wait3A_64 = arith.constant 0 : i32
        %dma_wait3A_65 = tpu.memref_slice %arg21[%mul3A_52, %dma_wait3A_64] : memref<10000x128xf32, #tpu.memory_space<vmem_shared>> -> memref<632x128xf32, #tpu.memory_space<vmem_shared>>
        tpu.wait_dma2 semaphore(%run_scoped3A : memref<!tpu.dma_semaphore, #tpu.memory_space<semaphore_mem>>) src(%dma_wait3A_65 : memref<632x128xf32, #tpu.memory_space<vmem_shared>>) dst(%dma_wait3A_63 : memref<632x128xf32, #tpu.memory_space<hbm>>)
        tpu.yield
      }) : () -> ()
    } else {
    }
    %eq3A_46 = arith.constant 15 : i32
    %eq3A_47 = arith.cmpi eq, %arg1, %eq3A_46 : i32
    %convert_element_type3A_48 = arith.extui %eq3A_47 : i1 to i32
    %cond3A_49 = arith.constant 0 : i32
    %cond3A_50 = arith.cmpi ne, %convert_element_type3A_48, %cond3A_49 : i32
    scf.if %cond3A_50 {
      %mul3A_51 = arith.constant 10000 : i32
      %mul3A_52 = arith.muli %arg0, %mul3A_51 : i32
      %add3A_53 = arith.constant 9480 : i32
      %add3A_54 = arith.addi %mul3A_52, %add3A_53 : i32
      "tpu.region"() ({
        %run_scoped3A = tpu.sem_alloc : memref<!tpu.dma_semaphore, #tpu.memory_space<semaphore_mem>>
        %dma_start3A_55 = arith.constant 0 : i32
        %dma_start3A_56 = tpu.memref_slice %arg5[%add3A_54, %dma_start3A_55] : memref<20000x128xf32, #tpu.memory_space<hbm>> -> memref<520x128xf32, #tpu.memory_space<hbm>>
        %dma_start3A_57 = arith.constant 9480 : i32
        %dma_start3A_58 = arith.constant 0 : i32
        %dma_start3A_59 = tpu.memref_slice %arg21[%dma_start3A_57, %dma_start3A_58] : memref<10000x128xf32, #tpu.memory_space<vmem_shared>> -> memref<520x128xf32, #tpu.memory_space<vmem_shared>>
        tpu.enqueue_dma source(%dma_start3A_59 : memref<520x128xf32, #tpu.memory_space<vmem_shared>>) target(%dma_start3A_56 : memref<520x128xf32, #tpu.memory_space<hbm>>) target_semaphore(%run_scoped3A : memref<!tpu.dma_semaphore, #tpu.memory_space<semaphore_mem>>)
        %dma_wait3A_60 = arith.constant 0 : i32
        %dma_wait3A_61 = tpu.memref_slice %arg5[%add3A_54, %dma_wait3A_60] : memref<20000x128xf32, #tpu.memory_space<hbm>> -> memref<520x128xf32, #tpu.memory_space<hbm>>
        %dma_wait3A_62 = arith.constant 9480 : i32
        %dma_wait3A_63 = arith.constant 0 : i32
        %dma_wait3A_64 = tpu.memref_slice %arg21[%dma_wait3A_62, %dma_wait3A_63] : memref<10000x128xf32, #tpu.memory_space<vmem_shared>> -> memref<520x128xf32, #tpu.memory_space<vmem_shared>>
        tpu.wait_dma2 semaphore(%run_scoped3A : memref<!tpu.dma_semaphore, #tpu.memory_space<semaphore_mem>>) src(%dma_wait3A_64 : memref<520x128xf32, #tpu.memory_space<vmem_shared>>) dst(%dma_wait3A_61 : memref<520x128xf32, #tpu.memory_space<hbm>>)
        tpu.yield
      }) : () -> ()
    } else {
    }
    return
  }
}

#map = affine_map<(d0, d1) -> (0, 0)>
#map1 = affine_map<(d0, d1) -> (0)>
module attributes {stable_mosaic.version = 14 : i64} {
  func.func @k(%arg0: i32, %arg1: i32, %arg2: memref<10000x128xf32, #tpu.memory_space<hbm>>, %arg3: memref<320000xi32, #tpu.memory_space<hbm>>, %arg4: memref<320000xi32, #tpu.memory_space<hbm>>, %arg5: memref<20000x128xf32, #tpu.memory_space<hbm>>, %arg6: memref<128xi32, #tpu.memory_space<vmem>>, %arg7: memref<128xi32, #tpu.memory_space<vmem>>, %arg8: memref<128x128xf32, #tpu.memory_space<vmem>>, %arg9: memref<!tpu.dma_semaphore, #tpu.memory_space<semaphore_mem>>, %arg10: memref<!tpu.dma_semaphore, #tpu.memory_space<semaphore_mem>>, %arg11: memref<128xi32, #tpu.memory_space<vmem>>, %arg12: memref<128xi32, #tpu.memory_space<vmem>>, %arg13: memref<128x128xf32, #tpu.memory_space<vmem>>, %arg14: memref<!tpu.dma_semaphore, #tpu.memory_space<semaphore_mem>>, %arg15: memref<!tpu.dma_semaphore, #tpu.memory_space<semaphore_mem>>, %arg16: memref<128xi32, #tpu.memory_space<vmem>>, %arg17: memref<128xi32, #tpu.memory_space<vmem>>, %arg18: memref<128x128xf32, #tpu.memory_space<vmem>>, %arg19: memref<!tpu.dma_semaphore, #tpu.memory_space<semaphore_mem>>, %arg20: memref<!tpu.dma_semaphore, #tpu.memory_space<semaphore_mem>>, %arg21: memref<10000x128xf32, #tpu.memory_space<vmem_shared>>, %arg22: memref<16xi32, #tpu.memory_space<vmem>>, %arg23: memref<16xi32, #tpu.memory_space<vmem>>) attributes {dimension_semantics = [#tpu.dimension_semantics<core_parallel>, #tpu.dimension_semantics<subcore_parallel>], iteration_bounds = array<i64: 2, 16>, scalar_prefetch = 0 : i64, scratch_operands = 18 : i64, tpu.core_type = #tpu.core_type<sc_vector_subcore>, window_params = [{transform_indices = #map}, {transform_indices = #map1}, {transform_indices = #map1}, {transform_indices = #map}]} {
    %mul3A = arith.constant 16 : i32
    %mul3A_0 = arith.muli %arg0, %mul3A : i32
    %add3A = arith.addi %mul3A_0, %arg1 : i32
    %mul3A_1 = arith.constant 10000 : i32
    %mul3A_2 = arith.muli %add3A, %mul3A_1 : i32
    %lt3A = arith.constant 15 : i32
    %lt3A_3 = arith.cmpi slt, %arg1, %lt3A : i32
    %convert_element_type3A = arith.extui %lt3A_3 : i1 to i32
    %cond3A = arith.constant 0 : i32
    %cond3A_4 = arith.cmpi ne, %convert_element_type3A, %cond3A : i32
    scf.if %cond3A_4 {
      %mul3A_51 = arith.constant 632 : i32
      %mul3A_52 = arith.muli %arg1, %mul3A_51 : i32
      %mul3A_53 = arith.constant 632 : i32
      %mul3A_54 = arith.muli %arg1, %mul3A_53 : i32
      "tpu.region"() ({
        %run_scoped3A = tpu.sem_alloc : memref<!tpu.dma_semaphore, #tpu.memory_space<semaphore_mem>>
        %dma_start3A_55 = arith.constant 0 : i32
        %dma_start3A_56 = tpu.memref_slice %arg21[%mul3A_54, %dma_start3A_55] : memref<10000x128xf32, #tpu.memory_space<vmem_shared>> -> memref<632x128xf32, #tpu.memory_space<vmem_shared>>
        %dma_start3A_57 = arith.constant 0 : i32
        %dma_start3A_58 = tpu.memref_slice %arg2[%mul3A_52, %dma_start3A_57] : memref<10000x128xf32, #tpu.memory_space<hbm>> -> memref<632x128xf32, #tpu.memory_space<hbm>>
        tpu.enqueue_dma source(%dma_start3A_58 : memref<632x128xf32, #tpu.memory_space<hbm>>) target(%dma_start3A_56 : memref<632x128xf32, #tpu.memory_space<vmem_shared>>) target_semaphore(%run_scoped3A : memref<!tpu.dma_semaphore, #tpu.memory_space<semaphore_mem>>)
        %dma_wait3A_59 = arith.constant 0 : i32
        %dma_wait3A_60 = tpu.memref_slice %arg21[%mul3A_54, %dma_wait3A_59] : memref<10000x128xf32, #tpu.memory_space<vmem_shared>> -> memref<632x128xf32, #tpu.memory_space<vmem_shared>>
        %dma_wait3A_61 = arith.constant 0 : i32
        %dma_wait3A_62 = tpu.memref_slice %arg2[%mul3A_52, %dma_wait3A_61] : memref<10000x128xf32, #tpu.memory_space<hbm>> -> memref<632x128xf32, #tpu.memory_space<hbm>>
        tpu.wait_dma2 semaphore(%run_scoped3A : memref<!tpu.dma_semaphore, #tpu.memory_space<semaphore_mem>>) src(%dma_wait3A_62 : memref<632x128xf32, #tpu.memory_space<hbm>>) dst(%dma_wait3A_60 : memref<632x128xf32, #tpu.memory_space<vmem_shared>>)
        tpu.yield
      }) : () -> ()
    } else {
    }
    %eq3A = arith.constant 15 : i32
    %eq3A_5 = arith.cmpi eq, %arg1, %eq3A : i32
    %convert_element_type3A_6 = arith.extui %eq3A_5 : i1 to i32
    %cond3A_7 = arith.constant 0 : i32
    %cond3A_8 = arith.cmpi ne, %convert_element_type3A_6, %cond3A_7 : i32
    scf.if %cond3A_8 {
      "tpu.region"() ({
        %run_scoped3A = tpu.sem_alloc : memref<!tpu.dma_semaphore, #tpu.memory_space<semaphore_mem>>
        %dma_start3A_51 = arith.constant 9480 : i32
        %dma_start3A_52 = arith.constant 0 : i32
        %dma_start3A_53 = tpu.memref_slice %arg21[%dma_start3A_51, %dma_start3A_52] : memref<10000x128xf32, #tpu.memory_space<vmem_shared>> -> memref<520x128xf32, #tpu.memory_space<vmem_shared>>
        %dma_start3A_54 = arith.constant 9480 : i32
        %dma_start3A_55 = arith.constant 0 : i32
        %dma_start3A_56 = tpu.memref_slice %arg2[%dma_start3A_54, %dma_start3A_55] : memref<10000x128xf32, #tpu.memory_space<hbm>> -> memref<520x128xf32, #tpu.memory_space<hbm>>
        tpu.enqueue_dma source(%dma_start3A_56 : memref<520x128xf32, #tpu.memory_space<hbm>>) target(%dma_start3A_53 : memref<520x128xf32, #tpu.memory_space<vmem_shared>>) target_semaphore(%run_scoped3A : memref<!tpu.dma_semaphore, #tpu.memory_space<semaphore_mem>>)
        %dma_wait3A_57 = arith.constant 9480 : i32
        %dma_wait3A_58 = arith.constant 0 : i32
        %dma_wait3A_59 = tpu.memref_slice %arg21[%dma_wait3A_57, %dma_wait3A_58] : memref<10000x128xf32, #tpu.memory_space<vmem_shared>> -> memref<520x128xf32, #tpu.memory_space<vmem_shared>>
        %dma_wait3A_60 = arith.constant 9480 : i32
        %dma_wait3A_61 = arith.constant 0 : i32
        %dma_wait3A_62 = tpu.memref_slice %arg2[%dma_wait3A_60, %dma_wait3A_61] : memref<10000x128xf32, #tpu.memory_space<hbm>> -> memref<520x128xf32, #tpu.memory_space<hbm>>
        tpu.wait_dma2 semaphore(%run_scoped3A : memref<!tpu.dma_semaphore, #tpu.memory_space<semaphore_mem>>) src(%dma_wait3A_62 : memref<520x128xf32, #tpu.memory_space<hbm>>) dst(%dma_wait3A_59 : memref<520x128xf32, #tpu.memory_space<vmem_shared>>)
        tpu.yield
      }) : () -> ()
    } else {
    }
    %barrier3A = arith.constant 0 : index
    tpu.barrier barrier_id(%barrier3A)
    "tpu.region"() ({
      %run_scoped3A = tpu.sem_alloc : memref<!tpu.dma_semaphore, #tpu.memory_space<semaphore_mem>>
      %dma_start3A_51 = tpu.memref_slice %arg3[%mul3A_2] : memref<320000xi32, #tpu.memory_space<hbm>> -> memref<128xi32, #tpu.memory_space<hbm>>
      %dma_start3A_52 = tpu.memref_slice %arg3[%mul3A_2] : memref<320000xi32, #tpu.memory_space<hbm>> -> memref<128xi32, #tpu.memory_space<hbm>>
      tpu.enqueue_dma source(%dma_start3A_52 : memref<128xi32, #tpu.memory_space<hbm>>) target(%arg6 : memref<128xi32, #tpu.memory_space<vmem>>) target_semaphore(%run_scoped3A : memref<!tpu.dma_semaphore, #tpu.memory_space<semaphore_mem>>)
      %dma_wait3A_53 = tpu.memref_slice %arg3[%mul3A_2] : memref<320000xi32, #tpu.memory_space<hbm>> -> memref<128xi32, #tpu.memory_space<hbm>>
      %dma_wait3A_54 = tpu.memref_slice %arg3[%mul3A_2] : memref<320000xi32, #tpu.memory_space<hbm>> -> memref<128xi32, #tpu.memory_space<hbm>>
      tpu.wait_dma2 semaphore(%run_scoped3A : memref<!tpu.dma_semaphore, #tpu.memory_space<semaphore_mem>>) src(%dma_wait3A_54 : memref<128xi32, #tpu.memory_space<hbm>>) dst(%arg6 : memref<128xi32, #tpu.memory_space<vmem>>)
      tpu.yield
    }) : () -> ()
    "tpu.region"() ({
      %run_scoped3A = tpu.sem_alloc : memref<!tpu.dma_semaphore, #tpu.memory_space<semaphore_mem>>
      %dma_start3A_51 = tpu.memref_slice %arg4[%mul3A_2] : memref<320000xi32, #tpu.memory_space<hbm>> -> memref<128xi32, #tpu.memory_space<hbm>>
      %dma_start3A_52 = tpu.memref_slice %arg4[%mul3A_2] : memref<320000xi32, #tpu.memory_space<hbm>> -> memref<128xi32, #tpu.memory_space<hbm>>
      tpu.enqueue_dma source(%dma_start3A_52 : memref<128xi32, #tpu.memory_space<hbm>>) target(%arg7 : memref<128xi32, #tpu.memory_space<vmem>>) target_semaphore(%run_scoped3A : memref<!tpu.dma_semaphore, #tpu.memory_space<semaphore_mem>>)
      %dma_wait3A_53 = tpu.memref_slice %arg4[%mul3A_2] : memref<320000xi32, #tpu.memory_space<hbm>> -> memref<128xi32, #tpu.memory_space<hbm>>
      %dma_wait3A_54 = tpu.memref_slice %arg4[%mul3A_2] : memref<320000xi32, #tpu.memory_space<hbm>> -> memref<128xi32, #tpu.memory_space<hbm>>
      tpu.wait_dma2 semaphore(%run_scoped3A : memref<!tpu.dma_semaphore, #tpu.memory_space<semaphore_mem>>) src(%dma_wait3A_54 : memref<128xi32, #tpu.memory_space<hbm>>) dst(%arg7 : memref<128xi32, #tpu.memory_space<vmem>>)
      tpu.yield
    }) : () -> ()
    %dma_start3A = arith.constant 0 : i32
    %dma_start3A_9 = arith.constant 0 : i32
    %dma_start3A_10 = tpu.memref_slice %arg2[%dma_start3A, %dma_start3A_9] : memref<10000x128xf32, #tpu.memory_space<hbm>> -> memref<10000x128xf32, #tpu.memory_space<hbm>>
    tpu.enqueue_indirect_dma source(%dma_start3A_10 : memref<10000x128xf32, #tpu.memory_space<hbm>>) target(%arg8 : memref<128x128xf32, #tpu.memory_space<vmem>>) offsets(%arg6 : memref<128xi32, #tpu.memory_space<vmem>>) semaphore(%arg9 : memref<!tpu.dma_semaphore, #tpu.memory_space<semaphore_mem>>)
    %add3A_11 = arith.constant 128 : i32
    %add3A_12 = arith.addi %mul3A_2, %add3A_11 : i32
    "tpu.region"() ({
      %run_scoped3A = tpu.sem_alloc : memref<!tpu.dma_semaphore, #tpu.memory_space<semaphore_mem>>
      %dma_start3A_51 = tpu.memref_slice %arg3[%add3A_12] : memref<320000xi32, #tpu.memory_space<hbm>> -> memref<128xi32, #tpu.memory_space<hbm>>
      %dma_start3A_52 = tpu.memref_slice %arg3[%add3A_12] : memref<320000xi32, #tpu.memory_space<hbm>> -> memref<128xi32, #tpu.memory_space<hbm>>
      tpu.enqueue_dma source(%dma_start3A_52 : memref<128xi32, #tpu.memory_space<hbm>>) target(%arg11 : memref<128xi32, #tpu.memory_space<vmem>>) target_semaphore(%run_scoped3A : memref<!tpu.dma_semaphore, #tpu.memory_space<semaphore_mem>>)
      %dma_wait3A_53 = tpu.memref_slice %arg3[%add3A_12] : memref<320000xi32, #tpu.memory_space<hbm>> -> memref<128xi32, #tpu.memory_space<hbm>>
      %dma_wait3A_54 = tpu.memref_slice %arg3[%add3A_12] : memref<320000xi32, #tpu.memory_space<hbm>> -> memref<128xi32, #tpu.memory_space<hbm>>
      tpu.wait_dma2 semaphore(%run_scoped3A : memref<!tpu.dma_semaphore, #tpu.memory_space<semaphore_mem>>) src(%dma_wait3A_54 : memref<128xi32, #tpu.memory_space<hbm>>) dst(%arg11 : memref<128xi32, #tpu.memory_space<vmem>>)
      tpu.yield
    }) : () -> ()
    "tpu.region"() ({
      %run_scoped3A = tpu.sem_alloc : memref<!tpu.dma_semaphore, #tpu.memory_space<semaphore_mem>>
      %dma_start3A_51 = tpu.memref_slice %arg4[%add3A_12] : memref<320000xi32, #tpu.memory_space<hbm>> -> memref<128xi32, #tpu.memory_space<hbm>>
      %dma_start3A_52 = tpu.memref_slice %arg4[%add3A_12] : memref<320000xi32, #tpu.memory_space<hbm>> -> memref<128xi32, #tpu.memory_space<hbm>>
      tpu.enqueue_dma source(%dma_start3A_52 : memref<128xi32, #tpu.memory_space<hbm>>) target(%arg12 : memref<128xi32, #tpu.memory_space<vmem>>) target_semaphore(%run_scoped3A : memref<!tpu.dma_semaphore, #tpu.memory_space<semaphore_mem>>)
      %dma_wait3A_53 = tpu.memref_slice %arg4[%add3A_12] : memref<320000xi32, #tpu.memory_space<hbm>> -> memref<128xi32, #tpu.memory_space<hbm>>
      %dma_wait3A_54 = tpu.memref_slice %arg4[%add3A_12] : memref<320000xi32, #tpu.memory_space<hbm>> -> memref<128xi32, #tpu.memory_space<hbm>>
      tpu.wait_dma2 semaphore(%run_scoped3A : memref<!tpu.dma_semaphore, #tpu.memory_space<semaphore_mem>>) src(%dma_wait3A_54 : memref<128xi32, #tpu.memory_space<hbm>>) dst(%arg12 : memref<128xi32, #tpu.memory_space<vmem>>)
      tpu.yield
    }) : () -> ()
    %dma_start3A_13 = arith.constant 0 : i32
    %dma_start3A_14 = arith.constant 0 : i32
    %dma_start3A_15 = tpu.memref_slice %arg2[%dma_start3A_13, %dma_start3A_14] : memref<10000x128xf32, #tpu.memory_space<hbm>> -> memref<10000x128xf32, #tpu.memory_space<hbm>>
    tpu.enqueue_indirect_dma source(%dma_start3A_15 : memref<10000x128xf32, #tpu.memory_space<hbm>>) target(%arg13 : memref<128x128xf32, #tpu.memory_space<vmem>>) offsets(%arg11 : memref<128xi32, #tpu.memory_space<vmem>>) semaphore(%arg14 : memref<!tpu.dma_semaphore, #tpu.memory_space<semaphore_mem>>)
    %add3A_16 = arith.constant 256 : i32
    %add3A_17 = arith.addi %mul3A_2, %add3A_16 : i32
    %dma_start3A_18 = tpu.memref_slice %arg3[%add3A_17] : memref<320000xi32, #tpu.memory_space<hbm>> -> memref<128xi32, #tpu.memory_space<hbm>>
    %dma_start3A_19 = tpu.memref_slice %arg3[%add3A_17] : memref<320000xi32, #tpu.memory_space<hbm>> -> memref<128xi32, #tpu.memory_space<hbm>>
    tpu.enqueue_dma source(%dma_start3A_19 : memref<128xi32, #tpu.memory_space<hbm>>) target(%arg16 : memref<128xi32, #tpu.memory_space<vmem>>) target_semaphore(%arg20 : memref<!tpu.dma_semaphore, #tpu.memory_space<semaphore_mem>>)
    %dma_start3A_20 = tpu.memref_slice %arg4[%add3A_17] : memref<320000xi32, #tpu.memory_space<hbm>> -> memref<128xi32, #tpu.memory_space<hbm>>
    %dma_start3A_21 = tpu.memref_slice %arg4[%add3A_17] : memref<320000xi32, #tpu.memory_space<hbm>> -> memref<128xi32, #tpu.memory_space<hbm>>
    tpu.enqueue_dma source(%dma_start3A_21 : memref<128xi32, #tpu.memory_space<hbm>>) target(%arg17 : memref<128xi32, #tpu.memory_space<vmem>>) target_semaphore(%arg20 : memref<!tpu.dma_semaphore, #tpu.memory_space<semaphore_mem>>)
    %scan3A = arith.constant 0 : i32
    %scan3A_22 = arith.constant 0 : i32
    %scan3A_23 = arith.constant 26 : i32
    %scan3A_24 = arith.addi %scan3A_22, %scan3A_23 : i32
    %scan3A_25 = arith.constant 1 : i32
    scf.for %scan3A_51 = %scan3A_22 to %scan3A_24 step %scan3A_25  : i32 {
      %mul3A_52 = arith.constant 3 : i32
      %mul3A_53 = arith.muli %mul3A_52, %scan3A_51 : i32
      %dma_wait3A_54 = arith.constant 0 : i32
      %dma_wait3A_55 = arith.constant 0 : i32
      %dma_wait3A_56 = tpu.memref_slice %arg2[%dma_wait3A_54, %dma_wait3A_55] : memref<10000x128xf32, #tpu.memory_space<hbm>> -> memref<10000x128xf32, #tpu.memory_space<hbm>>
      tpu.wait_indirect_dma semaphore(%arg9 : memref<!tpu.dma_semaphore, #tpu.memory_space<semaphore_mem>>) src(%dma_wait3A_56 : memref<10000x128xf32, #tpu.memory_space<hbm>>) dst(%arg8 : memref<128x128xf32, #tpu.memory_space<vmem>>)
      "tpu.region"() ({
        %run_scoped3A = tpu.sem_alloc : memref<!tpu.dma_semaphore, #tpu.memory_space<semaphore_mem>>
        %dma_start3A_90 = arith.constant 0 : i32
        %dma_start3A_91 = arith.constant 0 : i32
        %dma_start3A_92 = tpu.memref_slice %arg21[%dma_start3A_90, %dma_start3A_91] : memref<10000x128xf32, #tpu.memory_space<vmem_shared>> -> memref<10000x128xf32, #tpu.memory_space<vmem_shared>>
        tpu.enqueue_indirect_dma source(%arg8 : memref<128x128xf32, #tpu.memory_space<vmem>>) target(%dma_start3A_92 : memref<10000x128xf32, #tpu.memory_space<vmem_shared>>) offsets(%arg7 : memref<128xi32, #tpu.memory_space<vmem>>) semaphore(%run_scoped3A : memref<!tpu.dma_semaphore, #tpu.memory_space<semaphore_mem>>) {add = true}
        %dma_wait3A_93 = arith.constant 0 : i32
        %dma_wait3A_94 = arith.constant 0 : i32
        %dma_wait3A_95 = tpu.memref_slice %arg21[%dma_wait3A_93, %dma_wait3A_94] : memref<10000x128xf32, #tpu.memory_space<vmem_shared>> -> memref<10000x128xf32, #tpu.memory_space<vmem_shared>>
        tpu.wait_indirect_dma semaphore(%run_scoped3A : memref<!tpu.dma_semaphore, #tpu.memory_space<semaphore_mem>>) src(%arg8 : memref<128x128xf32, #tpu.memory_space<vmem>>) dst(%dma_wait3A_95 : memref<10000x128xf32, #tpu.memory_space<vmem_shared>>)
        tpu.yield
      }) : () -> ()
      %lt3A_57 = arith.constant 25 : i32
      %lt3A_58 = arith.cmpi slt, %scan3A_51, %lt3A_57 : i32
      %convert_element_type3A_59 = arith.extui %lt3A_58 : i1 to i32
      %cond3A_60 = arith.constant 0 : i32
      %cond3A_61 = arith.cmpi ne, %convert_element_type3A_59, %cond3A_60 : i32
      scf.if %cond3A_61 {
        %add3A_90 = arith.constant 3 : i32
        %add3A_91 = arith.addi %mul3A_53, %add3A_90 : i32
        %mul3A_92 = arith.constant 128 : i32
        %mul3A_93 = arith.muli %add3A_91, %mul3A_92 : i32
        %add3A_94 = arith.addi %mul3A_2, %mul3A_93 : i32
        %dma_start3A_95 = tpu.memref_slice %arg3[%add3A_94] : memref<320000xi32, #tpu.memory_space<hbm>> -> memref<128xi32, #tpu.memory_space<hbm>>
        %dma_start3A_96 = tpu.memref_slice %arg3[%add3A_94] : memref<320000xi32, #tpu.memory_space<hbm>> -> memref<128xi32, #tpu.memory_space<hbm>>
        tpu.enqueue_dma source(%dma_start3A_96 : memref<128xi32, #tpu.memory_space<hbm>>) target(%arg6 : memref<128xi32, #tpu.memory_space<vmem>>) target_semaphore(%arg10 : memref<!tpu.dma_semaphore, #tpu.memory_space<semaphore_mem>>)
        %dma_start3A_97 = tpu.memref_slice %arg4[%add3A_94] : memref<320000xi32, #tpu.memory_space<hbm>> -> memref<128xi32, #tpu.memory_space<hbm>>
        %dma_start3A_98 = tpu.memref_slice %arg4[%add3A_94] : memref<320000xi32, #tpu.memory_space<hbm>> -> memref<128xi32, #tpu.memory_space<hbm>>
        tpu.enqueue_dma source(%dma_start3A_98 : memref<128xi32, #tpu.memory_space<hbm>>) target(%arg7 : memref<128xi32, #tpu.memory_space<vmem>>) target_semaphore(%arg10 : memref<!tpu.dma_semaphore, #tpu.memory_space<semaphore_mem>>)
      } else {
      }
      %add3A_62 = arith.constant 2 : i32
      %add3A_63 = arith.addi %mul3A_53, %add3A_62 : i32
      %mul3A_64 = arith.constant 128 : i32
      %mul3A_65 = arith.muli %add3A_63, %mul3A_64 : i32
      %add3A_66 = arith.addi %mul3A_2, %mul3A_65 : i32
      %dma_wait3A_67 = tpu.memref_slice %arg3[%add3A_66] : memref<320000xi32, #tpu.memory_space<hbm>> -> memref<128xi32, #tpu.memory_space<hbm>>
      %dma_wait3A_68 = tpu.memref_slice %arg3[%add3A_66] : memref<320000xi32, #tpu.memory_space<hbm>> -> memref<128xi32, #tpu.memory_space<hbm>>
      tpu.wait_dma2 semaphore(%arg20 : memref<!tpu.dma_semaphore, #tpu.memory_space<semaphore_mem>>) src(%dma_wait3A_68 : memref<128xi32, #tpu.memory_space<hbm>>) dst(%arg16 : memref<128xi32, #tpu.memory_space<vmem>>)
      %dma_wait3A_69 = tpu.memref_slice %arg4[%add3A_66] : memref<320000xi32, #tpu.memory_space<hbm>> -> memref<128xi32, #tpu.memory_space<hbm>>
      %dma_wait3A_70 = tpu.memref_slice %arg4[%add3A_66] : memref<320000xi32, #tpu.memory_space<hbm>> -> memref<128xi32, #tpu.memory_space<hbm>>
      tpu.wait_dma2 semaphore(%arg20 : memref<!tpu.dma_semaphore, #tpu.memory_space<semaphore_mem>>) src(%dma_wait3A_70 : memref<128xi32, #tpu.memory_space<hbm>>) dst(%arg17 : memref<128xi32, #tpu.memory_space<vmem>>)
      %dma_start3A_71 = arith.constant 0 : i32
      %dma_start3A_72 = arith.constant 0 : i32
      %dma_start3A_73 = tpu.memref_slice %arg2[%dma_start3A_71, %dma_start3A_72] : memref<10000x128xf32, #tpu.memory_space<hbm>> -> memref<10000x128xf32, #tpu.memory_space<hbm>>
      tpu.enqueue_indirect_dma source(%dma_start3A_73 : memref<10000x128xf32, #tpu.memory_space<hbm>>) target(%arg18 : memref<128x128xf32, #tpu.memory_space<vmem>>) offsets(%arg16 : memref<128xi32, #tpu.memory_space<vmem>>) semaphore(%arg19 : memref<!tpu.dma_semaphore, #tpu.memory_space<semaphore_mem>>)
      %dma_wait3A_74 = arith.constant 0 : i32
      %dma_wait3A_75 = arith.constant 0 : i32
      %dma_wait3A_76 = tpu.memref_slice %arg2[%dma_wait3A_74, %dma_wait3A_75] : memref<10000x128xf32, #tpu.memory_space<hbm>> -> memref<10000x128xf32, #tpu.memory_space<hbm>>
      tpu.wait_indirect_dma semaphore(%arg14 : memref<!tpu.dma_semaphore, #tpu.memory_space<semaphore_mem>>) src(%dma_wait3A_76 : memref<10000x128xf32, #tpu.memory_space<hbm>>) dst(%arg13 : memref<128x128xf32, #tpu.memory_space<vmem>>)
      "tpu.region"() ({
        %run_scoped3A = tpu.sem_alloc : memref<!tpu.dma_semaphore, #tpu.memory_space<semaphore_mem>>
        %dma_start3A_90 = arith.constant 0 : i32
        %dma_start3A_91 = arith.constant 0 : i32
        %dma_start3A_92 = tpu.memref_slice %arg21[%dma_start3A_90, %dma_start3A_91] : memref<10000x128xf32, #tpu.memory_space<vmem_shared>> -> memref<10000x128xf32, #tpu.memory_space<vmem_shared>>
        tpu.enqueue_indirect_dma source(%arg13 : memref<128x128xf32, #tpu.memory_space<vmem>>) target(%dma_start3A_92 : memref<10000x128xf32, #tpu.memory_space<vmem_shared>>) offsets(%arg12 : memref<128xi32, #tpu.memory_space<vmem>>) semaphore(%run_scoped3A : memref<!tpu.dma_semaphore, #tpu.memory_space<semaphore_mem>>) {add = true}
        %dma_wait3A_93 = arith.constant 0 : i32
        %dma_wait3A_94 = arith.constant 0 : i32
        %dma_wait3A_95 = tpu.memref_slice %arg21[%dma_wait3A_93, %dma_wait3A_94] : memref<10000x128xf32, #tpu.memory_space<vmem_shared>> -> memref<10000x128xf32, #tpu.memory_space<vmem_shared>>
        tpu.wait_indirect_dma semaphore(%run_scoped3A : memref<!tpu.dma_semaphore, #tpu.memory_space<semaphore_mem>>) src(%arg13 : memref<128x128xf32, #tpu.memory_space<vmem>>) dst(%dma_wait3A_95 : memref<10000x128xf32, #tpu.memory_space<vmem_shared>>)
        tpu.yield
      }) : () -> ()
      %lt3A_77 = arith.constant 25 : i32
      %lt3A_78 = arith.cmpi slt, %scan3A_51, %lt3A_77 : i32
      %convert_element_type3A_79 = arith.extui %lt3A_78 : i1 to i32
      %cond3A_80 = arith.constant 0 : i32
      %cond3A_81 = arith.cmpi ne, %convert_element_type3A_79, %cond3A_80 : i32
      scf.if %cond3A_81 {
        %add3A_90 = arith.constant 4 : i32
        %add3A_91 = arith.addi %mul3A_53, %add3A_90 : i32
        %mul3A_92 = arith.constant 128 : i32
        %mul3A_93 = arith.muli %add3A_91, %mul3A_92 : i32
        %add3A_94 = arith.addi %mul3A_2, %mul3A_93 : i32
        %dma_start3A_95 = tpu.memref_slice %arg3[%add3A_94] : memref<320000xi32, #tpu.memory_space<hbm>> -> memref<128xi32, #tpu.memory_space<hbm>>
        %dma_start3A_96 = tpu.memref_slice %arg3[%add3A_94] : memref<320000xi32, #tpu.memory_space<hbm>> -> memref<128xi32, #tpu.memory_space<hbm>>
        tpu.enqueue_dma source(%dma_start3A_96 : memref<128xi32, #tpu.memory_space<hbm>>) target(%arg11 : memref<128xi32, #tpu.memory_space<vmem>>) target_semaphore(%arg15 : memref<!tpu.dma_semaphore, #tpu.memory_space<semaphore_mem>>)
        %dma_start3A_97 = tpu.memref_slice %arg4[%add3A_94] : memref<320000xi32, #tpu.memory_space<hbm>> -> memref<128xi32, #tpu.memory_space<hbm>>
        %dma_start3A_98 = tpu.memref_slice %arg4[%add3A_94] : memref<320000xi32, #tpu.memory_space<hbm>> -> memref<128xi32, #tpu.memory_space<hbm>>
        tpu.enqueue_dma source(%dma_start3A_98 : memref<128xi32, #tpu.memory_space<hbm>>) target(%arg12 : memref<128xi32, #tpu.memory_space<vmem>>) target_semaphore(%arg15 : memref<!tpu.dma_semaphore, #tpu.memory_space<semaphore_mem>>)
        %add3A_99 = arith.constant 3 : i32
        %add3A_100 = arith.addi %mul3A_53, %add3A_99 : i32
        %mul3A_101 = arith.constant 128 : i32
        %mul3A_102 = arith.muli %add3A_100, %mul3A_101 : i32
        %add3A_103 = arith.addi %mul3A_2, %mul3A_102 : i32
        %dma_wait3A_104 = tpu.memref_slice %arg3[%add3A_103] : memref<320000xi32, #tpu.memory_space<hbm>> -> memref<128xi32, #tpu.memory_space<hbm>>
        %dma_wait3A_105 = tpu.memref_slice %arg3[%add3A_103] : memref<320000xi32, #tpu.memory_space<hbm>> -> memref<128xi32, #tpu.memory_space<hbm>>
        tpu.wait_dma2 semaphore(%arg10 : memref<!tpu.dma_semaphore, #tpu.memory_space<semaphore_mem>>) src(%dma_wait3A_105 : memref<128xi32, #tpu.memory_space<hbm>>) dst(%arg6 : memref<128xi32, #tpu.memory_space<vmem>>)
        %dma_wait3A_106 = tpu.memref_slice %arg4[%add3A_103] : memref<320000xi32, #tpu.memory_space<hbm>> -> memref<128xi32, #tpu.memory_space<hbm>>
        %dma_wait3A_107 = tpu.memref_slice %arg4[%add3A_103] : memref<320000xi32, #tpu.memory_space<hbm>> -> memref<128xi32, #tpu.memory_space<hbm>>
        tpu.wait_dma2 semaphore(%arg10 : memref<!tpu.dma_semaphore, #tpu.memory_space<semaphore_mem>>) src(%dma_wait3A_107 : memref<128xi32, #tpu.memory_space<hbm>>) dst(%arg7 : memref<128xi32, #tpu.memory_space<vmem>>)
        %dma_start3A_108 = arith.constant 0 : i32
        %dma_start3A_109 = arith.constant 0 : i32
        %dma_start3A_110 = tpu.memref_slice %arg2[%dma_start3A_108, %dma_start3A_109] : memref<10000x128xf32, #tpu.memory_space<hbm>> -> memref<10000x128xf32, #tpu.memory_space<hbm>>
        tpu.enqueue_indirect_dma source(%dma_start3A_110 : memref<10000x128xf32, #tpu.memory_space<hbm>>) target(%arg8 : memref<128x128xf32, #tpu.memory_space<vmem>>) offsets(%arg6 : memref<128xi32, #tpu.memory_space<vmem>>) semaphore(%arg9 : memref<!tpu.dma_semaphore, #tpu.memory_space<semaphore_mem>>)
      } else {
      }
      %dma_wait3A_82 = arith.constant 0 : i32
      %dma_wait3A_83 = arith.constant 0 : i32
      %dma_wait3A_84 = tpu.memref_slice %arg2[%dma_wait3A_82, %dma_wait3A_83] : memref<10000x128xf32, #tpu.memory_space<hbm>> -> memref<10000x128xf32, #tpu.memory_space<hbm>>
      tpu.wait_indirect_dma semaphore(%arg19 : memref<!tpu.dma_semaphore, #tpu.memory_space<semaphore_mem>>) src(%dma_wait3A_84 : memref<10000x128xf32, #tpu.memory_space<hbm>>) dst(%arg18 : memref<128x128xf32, #tpu.memory_space<vmem>>)
      "tpu.region"() ({
        %run_scoped3A = tpu.sem_alloc : memref<!tpu.dma_semaphore, #tpu.memory_space<semaphore_mem>>
        %dma_start3A_90 = arith.constant 0 : i32
        %dma_start3A_91 = arith.constant 0 : i32
        %dma_start3A_92 = tpu.memref_slice %arg21[%dma_start3A_90, %dma_start3A_91] : memref<10000x128xf32, #tpu.memory_space<vmem_shared>> -> memref<10000x128xf32, #tpu.memory_space<vmem_shared>>
        tpu.enqueue_indirect_dma source(%arg18 : memref<128x128xf32, #tpu.memory_space<vmem>>) target(%dma_start3A_92 : memref<10000x128xf32, #tpu.memory_space<vmem_shared>>) offsets(%arg17 : memref<128xi32, #tpu.memory_space<vmem>>) semaphore(%run_scoped3A : memref<!tpu.dma_semaphore, #tpu.memory_space<semaphore_mem>>) {add = true}
        %dma_wait3A_93 = arith.constant 0 : i32
        %dma_wait3A_94 = arith.constant 0 : i32
        %dma_wait3A_95 = tpu.memref_slice %arg21[%dma_wait3A_93, %dma_wait3A_94] : memref<10000x128xf32, #tpu.memory_space<vmem_shared>> -> memref<10000x128xf32, #tpu.memory_space<vmem_shared>>
        tpu.wait_indirect_dma semaphore(%run_scoped3A : memref<!tpu.dma_semaphore, #tpu.memory_space<semaphore_mem>>) src(%arg18 : memref<128x128xf32, #tpu.memory_space<vmem>>) dst(%dma_wait3A_95 : memref<10000x128xf32, #tpu.memory_space<vmem_shared>>)
        tpu.yield
      }) : () -> ()
      %lt3A_85 = arith.constant 25 : i32
      %lt3A_86 = arith.cmpi slt, %scan3A_51, %lt3A_85 : i32
      %convert_element_type3A_87 = arith.extui %lt3A_86 : i1 to i32
      %cond3A_88 = arith.constant 0 : i32
      %cond3A_89 = arith.cmpi ne, %convert_element_type3A_87, %cond3A_88 : i32
      scf.if %cond3A_89 {
        %add3A_90 = arith.constant 5 : i32
        %add3A_91 = arith.addi %mul3A_53, %add3A_90 : i32
        %mul3A_92 = arith.constant 128 : i32
        %mul3A_93 = arith.muli %add3A_91, %mul3A_92 : i32
        %add3A_94 = arith.addi %mul3A_2, %mul3A_93 : i32
        %dma_start3A_95 = tpu.memref_slice %arg3[%add3A_94] : memref<320000xi32, #tpu.memory_space<hbm>> -> memref<128xi32, #tpu.memory_space<hbm>>
        %dma_start3A_96 = tpu.memref_slice %arg3[%add3A_94] : memref<320000xi32, #tpu.memory_space<hbm>> -> memref<128xi32, #tpu.memory_space<hbm>>
        tpu.enqueue_dma source(%dma_start3A_96 : memref<128xi32, #tpu.memory_space<hbm>>) target(%arg16 : memref<128xi32, #tpu.memory_space<vmem>>) target_semaphore(%arg20 : memref<!tpu.dma_semaphore, #tpu.memory_space<semaphore_mem>>)
        %dma_start3A_97 = tpu.memref_slice %arg4[%add3A_94] : memref<320000xi32, #tpu.memory_space<hbm>> -> memref<128xi32, #tpu.memory_space<hbm>>
        %dma_start3A_98 = tpu.memref_slice %arg4[%add3A_94] : memref<320000xi32, #tpu.memory_space<hbm>> -> memref<128xi32, #tpu.memory_space<hbm>>
        tpu.enqueue_dma source(%dma_start3A_98 : memref<128xi32, #tpu.memory_space<hbm>>) target(%arg17 : memref<128xi32, #tpu.memory_space<vmem>>) target_semaphore(%arg20 : memref<!tpu.dma_semaphore, #tpu.memory_space<semaphore_mem>>)
        %add3A_99 = arith.constant 4 : i32
        %add3A_100 = arith.addi %mul3A_53, %add3A_99 : i32
        %mul3A_101 = arith.constant 128 : i32
        %mul3A_102 = arith.muli %add3A_100, %mul3A_101 : i32
        %add3A_103 = arith.addi %mul3A_2, %mul3A_102 : i32
        %dma_wait3A_104 = tpu.memref_slice %arg3[%add3A_103] : memref<320000xi32, #tpu.memory_space<hbm>> -> memref<128xi32, #tpu.memory_space<hbm>>
        %dma_wait3A_105 = tpu.memref_slice %arg3[%add3A_103] : memref<320000xi32, #tpu.memory_space<hbm>> -> memref<128xi32, #tpu.memory_space<hbm>>
        tpu.wait_dma2 semaphore(%arg15 : memref<!tpu.dma_semaphore, #tpu.memory_space<semaphore_mem>>) src(%dma_wait3A_105 : memref<128xi32, #tpu.memory_space<hbm>>) dst(%arg11 : memref<128xi32, #tpu.memory_space<vmem>>)
        %dma_wait3A_106 = tpu.memref_slice %arg4[%add3A_103] : memref<320000xi32, #tpu.memory_space<hbm>> -> memref<128xi32, #tpu.memory_space<hbm>>
        %dma_wait3A_107 = tpu.memref_slice %arg4[%add3A_103] : memref<320000xi32, #tpu.memory_space<hbm>> -> memref<128xi32, #tpu.memory_space<hbm>>
        tpu.wait_dma2 semaphore(%arg15 : memref<!tpu.dma_semaphore, #tpu.memory_space<semaphore_mem>>) src(%dma_wait3A_107 : memref<128xi32, #tpu.memory_space<hbm>>) dst(%arg12 : memref<128xi32, #tpu.memory_space<vmem>>)
        %dma_start3A_108 = arith.constant 0 : i32
        %dma_start3A_109 = arith.constant 0 : i32
        %dma_start3A_110 = tpu.memref_slice %arg2[%dma_start3A_108, %dma_start3A_109] : memref<10000x128xf32, #tpu.memory_space<hbm>> -> memref<10000x128xf32, #tpu.memory_space<hbm>>
        tpu.enqueue_indirect_dma source(%dma_start3A_110 : memref<10000x128xf32, #tpu.memory_space<hbm>>) target(%arg13 : memref<128x128xf32, #tpu.memory_space<vmem>>) offsets(%arg11 : memref<128xi32, #tpu.memory_space<vmem>>) semaphore(%arg14 : memref<!tpu.dma_semaphore, #tpu.memory_space<semaphore_mem>>)
      } else {
      }
    }
    %scan3A_26 = arith.constant 26 : i32
    %add3A_27 = arith.constant 9984 : i32
    %add3A_28 = arith.addi %mul3A_2, %add3A_27 : i32
    "tpu.region"() ({
      %run_scoped3A = tpu.sem_alloc : memref<!tpu.dma_semaphore, #tpu.memory_space<semaphore_mem>>
      %dma_start3A_51 = tpu.memref_slice %arg3[%add3A_28] : memref<320000xi32, #tpu.memory_space<hbm>> -> memref<16xi32, #tpu.memory_space<hbm>>
      %dma_start3A_52 = tpu.memref_slice %arg3[%add3A_28] : memref<320000xi32, #tpu.memory_space<hbm>> -> memref<16xi32, #tpu.memory_space<hbm>>
      tpu.enqueue_dma source(%dma_start3A_52 : memref<16xi32, #tpu.memory_space<hbm>>) target(%arg22 : memref<16xi32, #tpu.memory_space<vmem>>) target_semaphore(%run_scoped3A : memref<!tpu.dma_semaphore, #tpu.memory_space<semaphore_mem>>)
      %dma_wait3A_53 = tpu.memref_slice %arg3[%add3A_28] : memref<320000xi32, #tpu.memory_space<hbm>> -> memref<16xi32, #tpu.memory_space<hbm>>
      %dma_wait3A_54 = tpu.memref_slice %arg3[%add3A_28] : memref<320000xi32, #tpu.memory_space<hbm>> -> memref<16xi32, #tpu.memory_space<hbm>>
      tpu.wait_dma2 semaphore(%run_scoped3A : memref<!tpu.dma_semaphore, #tpu.memory_space<semaphore_mem>>) src(%dma_wait3A_54 : memref<16xi32, #tpu.memory_space<hbm>>) dst(%arg22 : memref<16xi32, #tpu.memory_space<vmem>>)
      tpu.yield
    }) : () -> ()
    "tpu.region"() ({
      %run_scoped3A = tpu.sem_alloc : memref<!tpu.dma_semaphore, #tpu.memory_space<semaphore_mem>>
      %dma_start3A_51 = tpu.memref_slice %arg4[%add3A_28] : memref<320000xi32, #tpu.memory_space<hbm>> -> memref<16xi32, #tpu.memory_space<hbm>>
      %dma_start3A_52 = tpu.memref_slice %arg4[%add3A_28] : memref<320000xi32, #tpu.memory_space<hbm>> -> memref<16xi32, #tpu.memory_space<hbm>>
      tpu.enqueue_dma source(%dma_start3A_52 : memref<16xi32, #tpu.memory_space<hbm>>) target(%arg23 : memref<16xi32, #tpu.memory_space<vmem>>) target_semaphore(%run_scoped3A : memref<!tpu.dma_semaphore, #tpu.memory_space<semaphore_mem>>)
      %dma_wait3A_53 = tpu.memref_slice %arg4[%add3A_28] : memref<320000xi32, #tpu.memory_space<hbm>> -> memref<16xi32, #tpu.memory_space<hbm>>
      %dma_wait3A_54 = tpu.memref_slice %arg4[%add3A_28] : memref<320000xi32, #tpu.memory_space<hbm>> -> memref<16xi32, #tpu.memory_space<hbm>>
      tpu.wait_dma2 semaphore(%run_scoped3A : memref<!tpu.dma_semaphore, #tpu.memory_space<semaphore_mem>>) src(%dma_wait3A_54 : memref<16xi32, #tpu.memory_space<hbm>>) dst(%arg23 : memref<16xi32, #tpu.memory_space<vmem>>)
      tpu.yield
    }) : () -> ()
    %dma_start3A_29 = arith.constant 0 : i32
    %dma_start3A_30 = arith.constant 0 : i32
    %dma_start3A_31 = tpu.memref_slice %arg8[%dma_start3A_29, %dma_start3A_30] : memref<128x128xf32, #tpu.memory_space<vmem>> -> memref<16x128xf32, #tpu.memory_space<vmem>>
    %dma_start3A_32 = arith.constant 0 : i32
    %dma_start3A_33 = arith.constant 0 : i32
    %dma_start3A_34 = tpu.memref_slice %arg2[%dma_start3A_32, %dma_start3A_33] : memref<10000x128xf32, #tpu.memory_space<hbm>> -> memref<10000x128xf32, #tpu.memory_space<hbm>>
    tpu.enqueue_indirect_dma source(%dma_start3A_34 : memref<10000x128xf32, #tpu.memory_space<hbm>>) target(%dma_start3A_31 : memref<16x128xf32, #tpu.memory_space<vmem>>) offsets(%arg22 : memref<16xi32, #tpu.memory_space<vmem>>) semaphore(%arg9 : memref<!tpu.dma_semaphore, #tpu.memory_space<semaphore_mem>>)
    %dma_wait3A = arith.constant 0 : i32
    %dma_wait3A_35 = arith.constant 0 : i32
    %dma_wait3A_36 = tpu.memref_slice %arg8[%dma_wait3A, %dma_wait3A_35] : memref<128x128xf32, #tpu.memory_space<vmem>> -> memref<16x128xf32, #tpu.memory_space<vmem>>
    %dma_wait3A_37 = arith.constant 0 : i32
    %dma_wait3A_38 = arith.constant 0 : i32
    %dma_wait3A_39 = tpu.memref_slice %arg2[%dma_wait3A_37, %dma_wait3A_38] : memref<10000x128xf32, #tpu.memory_space<hbm>> -> memref<10000x128xf32, #tpu.memory_space<hbm>>
    tpu.wait_indirect_dma semaphore(%arg9 : memref<!tpu.dma_semaphore, #tpu.memory_space<semaphore_mem>>) src(%dma_wait3A_39 : memref<10000x128xf32, #tpu.memory_space<hbm>>) dst(%dma_wait3A_36 : memref<16x128xf32, #tpu.memory_space<vmem>>)
    "tpu.region"() ({
      %run_scoped3A = tpu.sem_alloc : memref<!tpu.dma_semaphore, #tpu.memory_space<semaphore_mem>>
      %dma_start3A_51 = arith.constant 0 : i32
      %dma_start3A_52 = arith.constant 0 : i32
      %dma_start3A_53 = tpu.memref_slice %arg8[%dma_start3A_51, %dma_start3A_52] : memref<128x128xf32, #tpu.memory_space<vmem>> -> memref<16x128xf32, #tpu.memory_space<vmem>>
      %dma_start3A_54 = arith.constant 0 : i32
      %dma_start3A_55 = arith.constant 0 : i32
      %dma_start3A_56 = tpu.memref_slice %arg21[%dma_start3A_54, %dma_start3A_55] : memref<10000x128xf32, #tpu.memory_space<vmem_shared>> -> memref<10000x128xf32, #tpu.memory_space<vmem_shared>>
      tpu.enqueue_indirect_dma source(%dma_start3A_53 : memref<16x128xf32, #tpu.memory_space<vmem>>) target(%dma_start3A_56 : memref<10000x128xf32, #tpu.memory_space<vmem_shared>>) offsets(%arg23 : memref<16xi32, #tpu.memory_space<vmem>>) semaphore(%run_scoped3A : memref<!tpu.dma_semaphore, #tpu.memory_space<semaphore_mem>>) {add = true}
      %dma_wait3A_57 = arith.constant 0 : i32
      %dma_wait3A_58 = arith.constant 0 : i32
      %dma_wait3A_59 = tpu.memref_slice %arg8[%dma_wait3A_57, %dma_wait3A_58] : memref<128x128xf32, #tpu.memory_space<vmem>> -> memref<16x128xf32, #tpu.memory_space<vmem>>
      %dma_wait3A_60 = arith.constant 0 : i32
      %dma_wait3A_61 = arith.constant 0 : i32
      %dma_wait3A_62 = tpu.memref_slice %arg21[%dma_wait3A_60, %dma_wait3A_61] : memref<10000x128xf32, #tpu.memory_space<vmem_shared>> -> memref<10000x128xf32, #tpu.memory_space<vmem_shared>>
      tpu.wait_indirect_dma semaphore(%run_scoped3A : memref<!tpu.dma_semaphore, #tpu.memory_space<semaphore_mem>>) src(%dma_wait3A_59 : memref<16x128xf32, #tpu.memory_space<vmem>>) dst(%dma_wait3A_62 : memref<10000x128xf32, #tpu.memory_space<vmem_shared>>)
      tpu.yield
    }) : () -> ()
    %barrier3A_40 = arith.constant 0 : index
    tpu.barrier barrier_id(%barrier3A_40)
    %lt3A_41 = arith.constant 15 : i32
    %lt3A_42 = arith.cmpi slt, %arg1, %lt3A_41 : i32
    %convert_element_type3A_43 = arith.extui %lt3A_42 : i1 to i32
    %cond3A_44 = arith.constant 0 : i32
    %cond3A_45 = arith.cmpi ne, %convert_element_type3A_43, %cond3A_44 : i32
    scf.if %cond3A_45 {
      %mul3A_51 = arith.constant 632 : i32
      %mul3A_52 = arith.muli %arg1, %mul3A_51 : i32
      %mul3A_53 = arith.constant 10000 : i32
      %mul3A_54 = arith.muli %arg0, %mul3A_53 : i32
      %mul3A_55 = arith.constant 632 : i32
      %mul3A_56 = arith.muli %arg1, %mul3A_55 : i32
      %add3A_57 = arith.addi %mul3A_54, %mul3A_56 : i32
      "tpu.region"() ({
        %run_scoped3A = tpu.sem_alloc : memref<!tpu.dma_semaphore, #tpu.memory_space<semaphore_mem>>
        %dma_start3A_58 = arith.constant 0 : i32
        %dma_start3A_59 = tpu.memref_slice %arg5[%add3A_57, %dma_start3A_58] : memref<20000x128xf32, #tpu.memory_space<hbm>> -> memref<632x128xf32, #tpu.memory_space<hbm>>
        %dma_start3A_60 = arith.constant 0 : i32
        %dma_start3A_61 = tpu.memref_slice %arg21[%mul3A_52, %dma_start3A_60] : memref<10000x128xf32, #tpu.memory_space<vmem_shared>> -> memref<632x128xf32, #tpu.memory_space<vmem_shared>>
        tpu.enqueue_dma source(%dma_start3A_61 : memref<632x128xf32, #tpu.memory_space<vmem_shared>>) target(%dma_start3A_59 : memref<632x128xf32, #tpu.memory_space<hbm>>) target_semaphore(%run_scoped3A : memref<!tpu.dma_semaphore, #tpu.memory_space<semaphore_mem>>)
        %dma_wait3A_62 = arith.constant 0 : i32
        %dma_wait3A_63 = tpu.memref_slice %arg5[%add3A_57, %dma_wait3A_62] : memref<20000x128xf32, #tpu.memory_space<hbm>> -> memref<632x128xf32, #tpu.memory_space<hbm>>
        %dma_wait3A_64 = arith.constant 0 : i32
        %dma_wait3A_65 = tpu.memref_slice %arg21[%mul3A_52, %dma_wait3A_64] : memref<10000x128xf32, #tpu.memory_space<vmem_shared>> -> memref<632x128xf32, #tpu.memory_space<vmem_shared>>
        tpu.wait_dma2 semaphore(%run_scoped3A : memref<!tpu.dma_semaphore, #tpu.memory_space<semaphore_mem>>) src(%dma_wait3A_65 : memref<632x128xf32, #tpu.memory_space<vmem_shared>>) dst(%dma_wait3A_63 : memref<632x128xf32, #tpu.memory_space<hbm>>)
        tpu.yield
      }) : () -> ()
    } else {
    }
    %eq3A_46 = arith.constant 15 : i32
    %eq3A_47 = arith.cmpi eq, %arg1, %eq3A_46 : i32
    %convert_element_type3A_48 = arith.extui %eq3A_47 : i1 to i32
    %cond3A_49 = arith.constant 0 : i32
    %cond3A_50 = arith.cmpi ne, %convert_element_type3A_48, %cond3A_49 : i32
    scf.if %cond3A_50 {
      %mul3A_51 = arith.constant 10000 : i32
      %mul3A_52 = arith.muli %arg0, %mul3A_51 : i32
      %add3A_53 = arith.constant 9480 : i32
      %add3A_54 = arith.addi %mul3A_52, %add3A_53 : i32
      "tpu.region"() ({
        %run_scoped3A = tpu.sem_alloc : memref<!tpu.dma_semaphore, #tpu.memory_space<semaphore_mem>>
        %dma_start3A_55 = arith.constant 0 : i32
        %dma_start3A_56 = tpu.memref_slice %arg5[%add3A_54, %dma_start3A_55] : memref<20000x128xf32, #tpu.memory_space<hbm>> -> memref<520x128xf32, #tpu.memory_space<hbm>>
        %dma_start3A_57 = arith.constant 9480 : i32
        %dma_start3A_58 = arith.constant 0 : i32
        %dma_start3A_59 = tpu.memref_slice %arg21[%dma_start3A_57, %dma_start3A_58] : memref<10000x128xf32, #tpu.memory_space<vmem_shared>> -> memref<520x128xf32, #tpu.memory_space<vmem_shared>>
        tpu.enqueue_dma source(%dma_start3A_59 : memref<520x128xf32, #tpu.memory_space<vmem_shared>>) target(%dma_start3A_56 : memref<520x128xf32, #tpu.memory_space<hbm>>) target_semaphore(%run_scoped3A : memref<!tpu.dma_semaphore, #tpu.memory_space<semaphore_mem>>)
        %dma_wait3A_60 = arith.constant 0 : i32
        %dma_wait3A_61 = tpu.memref_slice %arg5[%add3A_54, %dma_wait3A_60] : memref<20000x128xf32, #tpu.memory_space<hbm>> -> memref<520x128xf32, #tpu.memory_space<hbm>>
        %dma_wait3A_62 = arith.constant 9480 : i32
        %dma_wait3A_63 = arith.constant 0 : i32
        %dma_wait3A_64 = tpu.memref_slice %arg21[%dma_wait3A_62, %dma_wait3A_63] : memref<10000x128xf32, #tpu.memory_space<vmem_shared>> -> memref<520x128xf32, #tpu.memory_space<vmem_shared>>
        tpu.wait_dma2 semaphore(%run_scoped3A : memref<!tpu.dma_semaphore, #tpu.memory_space<semaphore_mem>>) src(%dma_wait3A_64 : memref<520x128xf32, #tpu.memory_space<vmem_shared>>) dst(%dma_wait3A_61 : memref<520x128xf32, #tpu.memory_space<hbm>>)
        tpu.yield
      }) : () -> ()
    } else {
    }
    return
  }
}

module attributes {stable_mosaic.version = 14 : i64} {
  func.func @body(%arg0: i32, %arg1: memref<2x2000x128xf32, #tpu.memory_space<vmem>>, %arg2: memref<2000x128xf32, #tpu.memory_space<vmem>>, %arg3: memref<2000x16xf32, #tpu.memory_space<vmem>>, %arg4: memref<1x128xf32, #tpu.memory_space<vmem>>, %arg5: memref<1x128xf32, #tpu.memory_space<vmem>>, %arg6: memref<1x128xf32, #tpu.memory_space<vmem>>, %arg7: memref<128x128xf32, #tpu.memory_space<vmem>>, %arg8: memref<2000x128xf32, #tpu.memory_space<vmem>>, %arg9: memref<10000x128xf32, #tpu.memory_space<vmem>>, %arg10: memref<8x128xf32, #tpu.memory_space<vmem>>) attributes {dimension_semantics = [#tpu.dimension_semantics<arbitrary>], iteration_bounds = array<i64: 10>, scalar_prefetch = 0 : i64, scratch_operands = 2 : i64, tpu.core_type = #tpu.core_type<tc>, window_params = [{transform_indices = @transform_0, window_bounds = array<i64: 2, 2000, 128>}, {transform_indices = @transform_1, window_bounds = array<i64: 2000, 128>}, {transform_indices = @transform_2, window_bounds = array<i64: 2000, 16>}, {pipeline_mode = #tpu.pipeline_mode<synchronous>, transform_indices = @transform_3, window_bounds = array<i64: 1, 128>}, {pipeline_mode = #tpu.pipeline_mode<synchronous>, transform_indices = @transform_4, window_bounds = array<i64: 1, 128>}, {pipeline_mode = #tpu.pipeline_mode<synchronous>, transform_indices = @transform_5, window_bounds = array<i64: 1, 128>}, {pipeline_mode = #tpu.pipeline_mode<synchronous>, transform_indices = @transform_6, window_bounds = array<i64: 128, 128>}, {transform_indices = @transform_7, window_bounds = array<i64: 2000, 128>}]} {
    %eq3A = arith.constant 0 : i32
    %eq3A_0 = arith.cmpi eq, %arg0, %eq3A : i32
    %convert_element_type3A = arith.extui %eq3A_0 : i1 to i32
    %cond3A = arith.constant 0 : i32
    %cond3A_1 = arith.cmpi ne, %convert_element_type3A, %cond3A : i32
    scf.if %cond3A_1 {
      %broadcast_in_dim3A = arith.constant 0.000000e+00 : f32
      %broadcast_in_dim3A_10 = vector.broadcast %broadcast_in_dim3A : f32 to vector<8x128xf32>
      %swap3A = arith.constant 0 : index
      %swap3A_11 = arith.constant 0 : index
      %swap3A_12 = vector.load %arg10[%swap3A, %swap3A_11] : memref<8x128xf32, #tpu.memory_space<vmem>>, vector<8x128xf32>
      tpu.vector_store %arg10[%swap3A, %swap3A_11], %broadcast_in_dim3A_10 {strides = array<i32>} : memref<8x128xf32, #tpu.memory_space<vmem>>, vector<8x128xf32>,
      %broadcast_in_dim3A_13 = arith.constant 0.000000e+00 : f32
      %broadcast_in_dim3A_14 = vector.broadcast %broadcast_in_dim3A_13 : f32 to vector<2000x128xf32>
      %swap3A_15 = arith.constant 0 : index
      %swap3A_16 = arith.constant 0 : index
      %swap3A_17 = vector.load %arg8[%swap3A_15, %swap3A_16] : memref<2000x128xf32, #tpu.memory_space<vmem>>, vector<2000x128xf32>
      tpu.vector_store %arg8[%swap3A_15, %swap3A_16], %broadcast_in_dim3A_14 {strides = array<i32>} : memref<2000x128xf32, #tpu.memory_space<vmem>>, vector<2000x128xf32>,
    } else {
    }
    %lt3A = arith.constant 5 : i32
    %lt3A_2 = arith.cmpi slt, %arg0, %lt3A : i32
    %convert_element_type3A_3 = arith.extui %lt3A_2 : i1 to i32
    %cond3A_4 = arith.constant 0 : i32
    %cond3A_5 = arith.cmpi ne, %convert_element_type3A_3, %cond3A_4 : i32
    scf.if %cond3A_5 {
      %get3A = arith.constant 0 : index
      %get3A_10 = arith.constant 0 : index
      %get3A_11 = vector.load %arg3[%get3A, %get3A_10] : memref<2000x16xf32, #tpu.memory_space<vmem>>, vector<2000x16xf32>
      %slice3A = vector.extract_strided_slice %get3A_11 {offsets = [0, 0], sizes = [2000, 1], strides = [1, 1]} : vector<2000x16xf32> to vector<2000x1xf32>
      %get3A_12 = arith.constant 0 : index
      %get3A_13 = arith.constant 0 : index
      %get3A_14 = arith.constant 0 : index
      %get3A_15 = vector.load %arg1[%get3A_12, %get3A_13, %get3A_14] : memref<2x2000x128xf32, #tpu.memory_space<vmem>>, vector<1x2000x128xf32>
      %get3A_16 = vector.shape_cast %get3A_15 : vector<1x2000x128xf32> to vector<2000x128xf32>
      %get3A_17 = arith.constant 1 : index
      %get3A_18 = arith.constant 0 : index
      %get3A_19 = arith.constant 0 : index
      %get3A_20 = vector.load %arg1[%get3A_17, %get3A_18, %get3A_19] : memref<2x2000x128xf32, #tpu.memory_space<vmem>>, vector<1x2000x128xf32>
      %get3A_21 = vector.shape_cast %get3A_20 : vector<1x2000x128xf32> to vector<2000x128xf32>
      %add3A = arith.addf %get3A_16, %get3A_21 : vector<2000x128xf32>
      %get3A_22 = arith.constant 0 : index
      %get3A_23 = arith.constant 0 : index
      %get3A_24 = vector.load %arg2[%get3A_22, %get3A_23] : memref<2000x128xf32, #tpu.memory_space<vmem>>, vector<2000x128xf32>
      %sub3A = arith.subf %add3A, %get3A_24 : vector<2000x128xf32>
      %mul3A = vector.broadcast %slice3A : vector<2000x1xf32> to vector<2000x128xf32>
      %mul3A_25 = arith.mulf %mul3A, %sub3A : vector<2000x128xf32>
      %get3A_26 = arith.constant 0 : index
      %get3A_27 = arith.constant 0 : index
      %get3A_28 = vector.load %arg4[%get3A_26, %get3A_27] : memref<1x128xf32, #tpu.memory_space<vmem>>, vector<1x128xf32>
      %add3A_29 = vector.broadcast %get3A_28 : vector<1x128xf32> to vector<2000x128xf32>
      %add3A_30 = arith.addf %mul3A_25, %add3A_29 : vector<2000x128xf32>
      %mul3A_31 = arith.constant 2000 : i32
      %mul3A_32 = arith.muli %arg0, %mul3A_31 : i32
      %swap3A = arith.index_cast %mul3A_32 : i32 to index
      %swap3A_33 = arith.constant 0 : index
      %swap3A_34 = vector.load %arg9[%swap3A, %swap3A_33] : memref<10000x128xf32, #tpu.memory_space<vmem>>, vector<2000x128xf32>
      tpu.vector_store %arg9[%swap3A, %swap3A_33], %add3A_30 {strides = array<i32>} : memref<10000x128xf32, #tpu.memory_space<vmem>>, vector<2000x128xf32>,
      %get3A_35 = arith.constant 0 : index
      %get3A_36 = arith.constant 0 : index
      %get3A_37 = vector.load %arg10[%get3A_35, %get3A_36] : memref<8x128xf32, #tpu.memory_space<vmem>>, vector<1x128xf32>
      %reduce_sum3A = arith.constant dense<0.000000e+00> : vector<128xf32>
      %reduce_sum3A_38 = vector.multi_reduction <add>, %add3A_30, %reduce_sum3A [0] : vector<2000x128xf32> to vector<128xf32>
      %broadcast_in_dim3A = vector.shape_cast %reduce_sum3A_38 : vector<128xf32> to vector<1x128xf32>
      %add3A_39 = arith.addf %get3A_37, %broadcast_in_dim3A : vector<1x128xf32>
      %swap3A_40 = arith.constant 0 : index
      %swap3A_41 = arith.constant 0 : index
      %swap3A_42 = vector.load %arg10[%swap3A_40, %swap3A_41] : memref<8x128xf32, #tpu.memory_space<vmem>>, vector<1x128xf32>
      tpu.vector_store %arg10[%swap3A_40, %swap3A_41], %add3A_39 {strides = array<i32>} : memref<8x128xf32, #tpu.memory_space<vmem>>, vector<1x128xf32>,
      %get3A_43 = arith.constant 1 : index
      %get3A_44 = arith.constant 0 : index
      %get3A_45 = vector.load %arg10[%get3A_43, %get3A_44] : memref<8x128xf32, #tpu.memory_space<vmem>>, vector<1x128xf32>
      %mul3A_46 = arith.mulf %add3A_30, %add3A_30 : vector<2000x128xf32>
      %reduce_sum3A_47 = arith.constant dense<0.000000e+00> : vector<128xf32>
      %reduce_sum3A_48 = vector.multi_reduction <add>, %mul3A_46, %reduce_sum3A_47 [0] : vector<2000x128xf32> to vector<128xf32>
      %broadcast_in_dim3A_49 = vector.shape_cast %reduce_sum3A_48 : vector<128xf32> to vector<1x128xf32>
      %add3A_50 = arith.addf %get3A_45, %broadcast_in_dim3A_49 : vector<1x128xf32>
      %swap3A_51 = arith.constant 1 : index
      %swap3A_52 = arith.constant 0 : index
      %swap3A_53 = vector.load %arg10[%swap3A_51, %swap3A_52] : memref<8x128xf32, #tpu.memory_space<vmem>>, vector<1x128xf32>
      tpu.vector_store %arg10[%swap3A_51, %swap3A_52], %add3A_50 {strides = array<i32>} : memref<8x128xf32, #tpu.memory_space<vmem>>, vector<1x128xf32>,
    } else {
    }
    %ge3A = arith.constant 5 : i32
    %ge3A_6 = arith.cmpi sge, %arg0, %ge3A : i32
    %convert_element_type3A_7 = arith.extui %ge3A_6 : i1 to i32
    %cond3A_8 = arith.constant 0 : i32
    %cond3A_9 = arith.cmpi ne, %convert_element_type3A_7, %cond3A_8 : i32
    scf.if %cond3A_9 {
      %eq3A_10 = arith.constant 5 : i32
      %eq3A_11 = arith.cmpi eq, %arg0, %eq3A_10 : i32
      %convert_element_type3A_12 = arith.extui %eq3A_11 : i1 to i32
      %cond3A_13 = arith.constant 0 : i32
      %cond3A_14 = arith.cmpi ne, %convert_element_type3A_12, %cond3A_13 : i32
      scf.if %cond3A_14 {
        %get3A_51 = arith.constant 0 : index
        %get3A_52 = arith.constant 0 : index
        %get3A_53 = vector.load %arg10[%get3A_51, %get3A_52] : memref<8x128xf32, #tpu.memory_space<vmem>>, vector<1x128xf32>
        %div3A = arith.constant 1.000000e+04 : f32
        %div3A_54 = vector.broadcast %div3A : f32 to vector<1x128xf32>
        %div3A_55 = arith.divf %get3A_53, %div3A_54 : vector<1x128xf32>
        %get3A_56 = arith.constant 1 : index
        %get3A_57 = arith.constant 0 : index
        %get3A_58 = vector.load %arg10[%get3A_56, %get3A_57] : memref<8x128xf32, #tpu.memory_space<vmem>>, vector<1x128xf32>
        %div3A_59 = arith.constant 1.000000e+04 : f32
        %div3A_60 = vector.broadcast %div3A_59 : f32 to vector<1x128xf32>
        %div3A_61 = arith.divf %get3A_58, %div3A_60 : vector<1x128xf32>
        %mul3A_62 = arith.mulf %div3A_55, %div3A_55 : vector<1x128xf32>
        %sub3A_63 = arith.subf %div3A_61, %mul3A_62 : vector<1x128xf32>
        %swap3A_64 = arith.constant 2 : index
        %swap3A_65 = arith.constant 0 : index
        %swap3A_66 = vector.load %arg10[%swap3A_64, %swap3A_65] : memref<8x128xf32, #tpu.memory_space<vmem>>, vector<1x128xf32>
        tpu.vector_store %arg10[%swap3A_64, %swap3A_65], %div3A_55 {strides = array<i32>} : memref<8x128xf32, #tpu.memory_space<vmem>>, vector<1x128xf32>,
        %add3A_67 = arith.constant 9.99999974E-6 : f32
        %add3A_68 = vector.broadcast %add3A_67 : f32 to vector<1x128xf32>
        %add3A_69 = arith.addf %sub3A_63, %add3A_68 : vector<1x128xf32>
        %rsqrt3A = math.rsqrt %add3A_69 : vector<1x128xf32>
        %swap3A_70 = arith.constant 3 : index
        %swap3A_71 = arith.constant 0 : index
        %swap3A_72 = vector.load %arg10[%swap3A_70, %swap3A_71] : memref<8x128xf32, #tpu.memory_space<vmem>>, vector<1x128xf32>
        tpu.vector_store %arg10[%swap3A_70, %swap3A_71], %rsqrt3A {strides = array<i32>} : memref<8x128xf32, #tpu.memory_space<vmem>>, vector<1x128xf32>,
      } else {
      }
      %sub3A = arith.constant 5 : i32
      %sub3A_15 = arith.subi %arg0, %sub3A : i32
      %mul3A = arith.constant 2000 : i32
      %mul3A_16 = arith.muli %sub3A_15, %mul3A : i32
      %get3A = arith.index_cast %mul3A_16 : i32 to index
      %get3A_17 = arith.constant 0 : index
      %get3A_18 = vector.load %arg9[%get3A, %get3A_17] : memref<10000x128xf32, #tpu.memory_space<vmem>>, vector<2000x128xf32>
      %get3A_19 = arith.constant 2 : index
      %get3A_20 = arith.constant 0 : index
      %get3A_21 = vector.load %arg10[%get3A_19, %get3A_20] : memref<8x128xf32, #tpu.memory_space<vmem>>, vector<1x128xf32>
      %sub3A_22 = vector.broadcast %get3A_21 : vector<1x128xf32> to vector<2000x128xf32>
      %sub3A_23 = arith.subf %get3A_18, %sub3A_22 : vector<2000x128xf32>
      %get3A_24 = arith.constant 3 : index
      %get3A_25 = arith.constant 0 : index
      %get3A_26 = vector.load %arg10[%get3A_24, %get3A_25] : memref<8x128xf32, #tpu.memory_space<vmem>>, vector<1x128xf32>
      %mul3A_27 = vector.broadcast %get3A_26 : vector<1x128xf32> to vector<2000x128xf32>
      %mul3A_28 = arith.mulf %sub3A_23, %mul3A_27 : vector<2000x128xf32>
      %get3A_29 = arith.constant 0 : index
      %get3A_30 = arith.constant 0 : index
      %get3A_31 = vector.load %arg5[%get3A_29, %get3A_30] : memref<1x128xf32, #tpu.memory_space<vmem>>, vector<1x128xf32>
      %mul3A_32 = vector.broadcast %get3A_31 : vector<1x128xf32> to vector<2000x128xf32>
      %mul3A_33 = arith.mulf %mul3A_28, %mul3A_32 : vector<2000x128xf32>
      %get3A_34 = arith.constant 0 : index
      %get3A_35 = arith.constant 0 : index
      %get3A_36 = vector.load %arg6[%get3A_34, %get3A_35] : memref<1x128xf32, #tpu.memory_space<vmem>>, vector<1x128xf32>
      %add3A = vector.broadcast %get3A_36 : vector<1x128xf32> to vector<2000x128xf32>
      %add3A_37 = arith.addf %mul3A_33, %add3A : vector<2000x128xf32>
      %max3A = arith.constant 0.000000e+00 : f32
      %max3A_38 = vector.broadcast %max3A : f32 to vector<2000x128xf32>
      %max3A_39 = arith.maximumf %add3A_37, %max3A_38 : vector<2000x128xf32>
      %get3A_40 = arith.constant 0 : index
      %get3A_41 = arith.constant 0 : index
      %get3A_42 = vector.load %arg3[%get3A_40, %get3A_41] : memref<2000x16xf32, #tpu.memory_space<vmem>>, vector<2000x16xf32>
      %slice3A = vector.extract_strided_slice %get3A_42 {offsets = [0, 0], sizes = [2000, 1], strides = [1, 1]} : vector<2000x16xf32> to vector<2000x1xf32>
      %get3A_43 = arith.constant 0 : index
      %get3A_44 = arith.constant 0 : index
      %get3A_45 = vector.load %arg7[%get3A_43, %get3A_44] : memref<128x128xf32, #tpu.memory_space<vmem>>, vector<128x128xf32>
      %dot_general3A = arith.constant dense<0.000000e+00> : vector<2000x128xf32>
      %dot_general3A_46 = tpu.matmul %max3A_39, %get3A_45, %dot_general3A {dimension_numbers = #tpu.dot_dimension_numbers<[1], [0], [0], [1], [0, 0, 1, 1], [], []>, transpose_lhs_hint = false} : vector<2000x128xf32>, vector<128x128xf32>, vector<2000x128xf32> -> vector<2000x128xf32>
      %mul3A_47 = vector.broadcast %slice3A : vector<2000x1xf32> to vector<2000x128xf32>
      %mul3A_48 = arith.mulf %mul3A_47, %dot_general3A_46 : vector<2000x128xf32>
      %swap3A = arith.constant 0 : index
      %swap3A_49 = arith.constant 0 : index
      %swap3A_50 = vector.load %arg8[%swap3A, %swap3A_49] : memref<2000x128xf32, #tpu.memory_space<vmem>>, vector<2000x128xf32>
      tpu.vector_store %arg8[%swap3A, %swap3A_49], %mul3A_48 {strides = array<i32>} : memref<2000x128xf32, #tpu.memory_space<vmem>>, vector<2000x128xf32>,
    } else {
    }
    return
  }
  func.func @transform_0(%arg0: i32) -> (i32, i32, i32) {
    %min3A = arith.constant 4 : i32
    %min3A_0 = arith.minsi %arg0, %min3A : i32
    %c0_i32 = arith.constant 0 : i32
    %c0_i32_1 = arith.constant 0 : i32
    %c0_i32_2 = arith.constant 0 : i32
    return %c0_i32, %min3A_0, %c0_i32_1 : i32, i32, i32
  }
  func.func @transform_1(%arg0: i32) -> (i32, i32) {
    %min3A = arith.constant 4 : i32
    %min3A_0 = arith.minsi %arg0, %min3A : i32
    %c0_i32 = arith.constant 0 : i32
    %c0_i32_1 = arith.constant 0 : i32
    return %min3A_0, %c0_i32 : i32, i32
  }
  func.func @transform_2(%arg0: i32) -> (i32, i32) {
    %lt3A = arith.constant 5 : i32
    %lt3A_0 = arith.cmpi slt, %arg0, %lt3A : i32
    %sub3A = arith.constant 5 : i32
    %sub3A_1 = arith.subi %arg0, %sub3A : i32
    %select_n3A = arith.select %lt3A_0, %arg0, %sub3A_1 : i32
    %c0_i32 = arith.constant 0 : i32
    %c0_i32_2 = arith.constant 0 : i32
    return %select_n3A, %c0_i32 : i32, i32
  }
  func.func @transform_3(%arg0: i32) -> (i32, i32) {
    %c0_i32 = arith.constant 0 : i32
    %c0_i32_0 = arith.constant 0 : i32
    %c0_i32_1 = arith.constant 0 : i32
    return %c0_i32, %c0_i32_0 : i32, i32
  }
  func.func @transform_4(%arg0: i32) -> (i32, i32) {
    %c0_i32 = arith.constant 0 : i32
    %c0_i32_0 = arith.constant 0 : i32
    %c0_i32_1 = arith.constant 0 : i32
    return %c0_i32, %c0_i32_0 : i32, i32
  }
  func.func @transform_5(%arg0: i32) -> (i32, i32) {
    %c0_i32 = arith.constant 0 : i32
    %c0_i32_0 = arith.constant 0 : i32
    %c0_i32_1 = arith.constant 0 : i32
    return %c0_i32, %c0_i32_0 : i32, i32
  }
  func.func @transform_6(%arg0: i32) -> (i32, i32) {
    %c0_i32 = arith.constant 0 : i32
    %c0_i32_0 = arith.constant 0 : i32
    %c0_i32_1 = arith.constant 0 : i32
    return %c0_i32, %c0_i32_0 : i32, i32
  }
  func.func @transform_7(%arg0: i32) -> (i32, i32) {
    %sub3A = arith.constant 5 : i32
    %sub3A_0 = arith.subi %arg0, %sub3A : i32
    %max3A = arith.constant 0 : i32
    %max3A_1 = arith.maxsi %sub3A_0, %max3A : i32
    %c0_i32 = arith.constant 0 : i32
    %c0_i32_2 = arith.constant 0 : i32
    return %max3A_1, %c0_i32 : i32, i32
  }
}

module attributes {stable_mosaic.version = 14 : i64} {
  func.func @body(%arg0: i32, %arg1: memref<2x2000x128xf32, #tpu.memory_space<vmem>>, %arg2: memref<2000x128xf32, #tpu.memory_space<vmem>>, %arg3: memref<128x128xf32, #tpu.memory_space<vmem>>, %arg4: memref<2000x128xf32, #tpu.memory_space<vmem>>, %arg5: memref<2000x16xf32, #tpu.memory_space<vmem>>) attributes {dimension_semantics = [#tpu.dimension_semantics<arbitrary>], iteration_bounds = array<i64: 5>, scalar_prefetch = 0 : i64, scratch_operands = 0 : i64, tpu.core_type = #tpu.core_type<tc>, window_params = [{transform_indices = @transform_0, window_bounds = array<i64: 2, 2000, 128>}, {transform_indices = @transform_1, window_bounds = array<i64: 2000, 128>}, {pipeline_mode = #tpu.pipeline_mode<synchronous>, transform_indices = @transform_2, window_bounds = array<i64: 128, 128>}, {transform_indices = @transform_3, window_bounds = array<i64: 2000, 128>}, {transform_indices = @transform_4, window_bounds = array<i64: 2000, 16>}]} {
    %get3A = arith.constant 0 : index
    %get3A_0 = arith.constant 0 : index
    %get3A_1 = arith.constant 0 : index
    %get3A_2 = vector.load %arg1[%get3A, %get3A_0, %get3A_1] : memref<2x2000x128xf32, #tpu.memory_space<vmem>>, vector<1x2000x128xf32>
    %get3A_3 = vector.shape_cast %get3A_2 : vector<1x2000x128xf32> to vector<2000x128xf32>
    %get3A_4 = arith.constant 1 : index
    %get3A_5 = arith.constant 0 : index
    %get3A_6 = arith.constant 0 : index
    %get3A_7 = vector.load %arg1[%get3A_4, %get3A_5, %get3A_6] : memref<2x2000x128xf32, #tpu.memory_space<vmem>>, vector<1x2000x128xf32>
    %get3A_8 = vector.shape_cast %get3A_7 : vector<1x2000x128xf32> to vector<2000x128xf32>
    %add3A = arith.addf %get3A_3, %get3A_8 : vector<2000x128xf32>
    %sub3A = arith.constant 1.000000e+00 : f32
    %sub3A_9 = vector.broadcast %sub3A : f32 to vector<2000x128xf32>
    %sub3A_10 = arith.subf %add3A, %sub3A_9 : vector<2000x128xf32>
    %rsqrt3A = math.rsqrt %sub3A_10 : vector<2000x128xf32>
    %slice3A = vector.extract_strided_slice %rsqrt3A {offsets = [0, 0], sizes = [2000, 16], strides = [1, 1]} : vector<2000x128xf32> to vector<2000x16xf32>
    %swap3A = arith.constant 0 : index
    %swap3A_11 = arith.constant 0 : index
    %swap3A_12 = vector.load %arg5[%swap3A, %swap3A_11] : memref<2000x16xf32, #tpu.memory_space<vmem>>, vector<2000x16xf32>
    tpu.vector_store %arg5[%swap3A, %swap3A_11], %slice3A {strides = array<i32>} : memref<2000x16xf32, #tpu.memory_space<vmem>>, vector<2000x16xf32>,
    %get3A_13 = arith.constant 0 : index
    %get3A_14 = arith.constant 0 : index
    %get3A_15 = vector.load %arg2[%get3A_13, %get3A_14] : memref<2000x128xf32, #tpu.memory_space<vmem>>, vector<2000x128xf32>
    %get3A_16 = arith.constant 0 : index
    %get3A_17 = arith.constant 0 : index
    %get3A_18 = vector.load %arg3[%get3A_16, %get3A_17] : memref<128x128xf32, #tpu.memory_space<vmem>>, vector<128x128xf32>
    %dot_general3A = arith.constant dense<0.000000e+00> : vector<2000x128xf32>
    %dot_general3A_19 = tpu.matmul %get3A_15, %get3A_18, %dot_general3A {dimension_numbers = #tpu.dot_dimension_numbers<[1], [0], [0], [1], [0, 0, 1, 1], [], []>, transpose_lhs_hint = false} : vector<2000x128xf32>, vector<128x128xf32>, vector<2000x128xf32> -> vector<2000x128xf32>
    %mul3A = arith.mulf %dot_general3A_19, %rsqrt3A : vector<2000x128xf32>
    %swap3A_20 = arith.constant 0 : index
    %swap3A_21 = arith.constant 0 : index
    %swap3A_22 = vector.load %arg4[%swap3A_20, %swap3A_21] : memref<2000x128xf32, #tpu.memory_space<vmem>>, vector<2000x128xf32>
    tpu.vector_store %arg4[%swap3A_20, %swap3A_21], %mul3A {strides = array<i32>} : memref<2000x128xf32, #tpu.memory_space<vmem>>, vector<2000x128xf32>,
    return
  }
  func.func @transform_0(%arg0: i32) -> (i32, i32, i32) {
    %c0_i32 = arith.constant 0 : i32
    %c0_i32_0 = arith.constant 0 : i32
    %c0_i32_1 = arith.constant 0 : i32
    return %c0_i32, %arg0, %c0_i32_0 : i32, i32, i32
  }
  func.func @transform_1(%arg0: i32) -> (i32, i32) {
    %c0_i32 = arith.constant 0 : i32
    %c0_i32_0 = arith.constant 0 : i32
    return %arg0, %c0_i32 : i32, i32
  }
  func.func @transform_2(%arg0: i32) -> (i32, i32) {
    %c0_i32 = arith.constant 0 : i32
    %c0_i32_0 = arith.constant 0 : i32
    %c0_i32_1 = arith.constant 0 : i32
    return %c0_i32, %c0_i32_0 : i32, i32
  }
  func.func @transform_3(%arg0: i32) -> (i32, i32) {
    %c0_i32 = arith.constant 0 : i32
    %c0_i32_0 = arith.constant 0 : i32
    return %arg0, %c0_i32 : i32, i32
  }
  func.func @transform_4(%arg0: i32) -> (i32, i32) {
    %c0_i32 = arith.constant 0 : i32
    %c0_i32_0 = arith.constant 0 : i32
    return %arg0, %c0_i32 : i32, i32
  }
}

module attributes {stable_mosaic.version = 14 : i64} {
  func.func @body(%arg0: i32, %arg1: memref<2x2000x128xf32, #tpu.memory_space<vmem>>, %arg2: memref<2000x128xf32, #tpu.memory_space<vmem>>, %arg3: memref<2000x16xf32, #tpu.memory_space<vmem>>, %arg4: memref<1x128xf32, #tpu.memory_space<vmem>>, %arg5: memref<1x128xf32, #tpu.memory_space<vmem>>, %arg6: memref<1x128xf32, #tpu.memory_space<vmem>>, %arg7: memref<2000x1xi32, #tpu.memory_space<vmem>>, %arg8: memref<128x10xf32, #tpu.memory_space<vmem>>, %arg9: memref<1x10xf32, #tpu.memory_space<vmem>>, %arg10: memref<16x10xf32, #tpu.memory_space<vmem>>, %arg11: memref<10000x128xf32, #tpu.memory_space<vmem>>, %arg12: memref<8x128xf32, #tpu.memory_space<vmem>>, %arg13: memref<16x128xf32, #tpu.memory_space<vmem>>, %arg14: memref<16x128xf32, #tpu.memory_space<vmem>>) attributes {dimension_semantics = [#tpu.dimension_semantics<arbitrary>], iteration_bounds = array<i64: 10>, scalar_prefetch = 0 : i64, scratch_operands = 4 : i64, tpu.core_type = #tpu.core_type<tc>, window_params = [{transform_indices = @transform_0, window_bounds = array<i64: 2, 2000, 128>}, {transform_indices = @transform_1, window_bounds = array<i64: 2000, 128>}, {transform_indices = @transform_2, window_bounds = array<i64: 2000, 16>}, {pipeline_mode = #tpu.pipeline_mode<synchronous>, transform_indices = @transform_3, window_bounds = array<i64: 1, 128>}, {pipeline_mode = #tpu.pipeline_mode<synchronous>, transform_indices = @transform_4, window_bounds = array<i64: 1, 128>}, {pipeline_mode = #tpu.pipeline_mode<synchronous>, transform_indices = @transform_5, window_bounds = array<i64: 1, 128>}, {transform_indices = @transform_6, window_bounds = array<i64: 2000, 1>}, {pipeline_mode = #tpu.pipeline_mode<synchronous>, transform_indices = @transform_7, window_bounds = array<i64: 128, 10>}, {pipeline_mode = #tpu.pipeline_mode<synchronous>, transform_indices = @transform_8, window_bounds = array<i64: 1, 10>}, {pipeline_mode = #tpu.pipeline_mode<synchronous>, transform_indices = @transform_9, window_bounds = array<i64: 16, 10>}]} {
    %eq3A = arith.constant 0 : i32
    %eq3A_0 = arith.cmpi eq, %arg0, %eq3A : i32
    %convert_element_type3A = arith.extui %eq3A_0 : i1 to i32
    %cond3A = arith.constant 0 : i32
    %cond3A_1 = arith.cmpi ne, %convert_element_type3A, %cond3A : i32
    scf.if %cond3A_1 {
      %broadcast_in_dim3A = arith.constant 0.000000e+00 : f32
      %broadcast_in_dim3A_10 = vector.broadcast %broadcast_in_dim3A : f32 to vector<8x128xf32>
      %swap3A = arith.constant 0 : index
      %swap3A_11 = arith.constant 0 : index
      %swap3A_12 = vector.load %arg12[%swap3A, %swap3A_11] : memref<8x128xf32, #tpu.memory_space<vmem>>, vector<8x128xf32>
      tpu.vector_store %arg12[%swap3A, %swap3A_11], %broadcast_in_dim3A_10 {strides = array<i32>} : memref<8x128xf32, #tpu.memory_space<vmem>>, vector<8x128xf32>,
      %broadcast_in_dim3A_13 = arith.constant 0.000000e+00 : f32
      %broadcast_in_dim3A_14 = vector.broadcast %broadcast_in_dim3A_13 : f32 to vector<16x128xf32>
      %swap3A_15 = arith.constant 0 : index
      %swap3A_16 = arith.constant 0 : index
      %swap3A_17 = vector.load %arg13[%swap3A_15, %swap3A_16] : memref<16x128xf32, #tpu.memory_space<vmem>>, vector<16x128xf32>
      tpu.vector_store %arg13[%swap3A_15, %swap3A_16], %broadcast_in_dim3A_14 {strides = array<i32>} : memref<16x128xf32, #tpu.memory_space<vmem>>, vector<16x128xf32>,
      %broadcast_in_dim3A_18 = arith.constant 0.000000e+00 : f32
      %broadcast_in_dim3A_19 = vector.broadcast %broadcast_in_dim3A_18 : f32 to vector<16x128xf32>
      %swap3A_20 = arith.constant 0 : index
      %swap3A_21 = arith.constant 0 : index
      %swap3A_22 = vector.load %arg14[%swap3A_20, %swap3A_21] : memref<16x128xf32, #tpu.memory_space<vmem>>, vector<16x128xf32>
      tpu.vector_store %arg14[%swap3A_20, %swap3A_21], %broadcast_in_dim3A_19 {strides = array<i32>} : memref<16x128xf32, #tpu.memory_space<vmem>>, vector<16x128xf32>,
      %broadcast_in_dim3A_23 = arith.constant 0.000000e+00 : f32
      %broadcast_in_dim3A_24 = vector.broadcast %broadcast_in_dim3A_23 : f32 to vector<16x10xf32>
      %swap3A_25 = arith.constant 0 : index
      %swap3A_26 = arith.constant 0 : index
      %swap3A_27 = vector.load %arg10[%swap3A_25, %swap3A_26] : memref<16x10xf32, #tpu.memory_space<vmem>>, vector<16x10xf32>
      tpu.vector_store %arg10[%swap3A_25, %swap3A_26], %broadcast_in_dim3A_24 {strides = array<i32>} : memref<16x10xf32, #tpu.memory_space<vmem>>, vector<16x10xf32>,
    } else {
    }
    %lt3A = arith.constant 5 : i32
    %lt3A_2 = arith.cmpi slt, %arg0, %lt3A : i32
    %convert_element_type3A_3 = arith.extui %lt3A_2 : i1 to i32
    %cond3A_4 = arith.constant 0 : i32
    %cond3A_5 = arith.cmpi ne, %convert_element_type3A_3, %cond3A_4 : i32
    scf.if %cond3A_5 {
      %get3A = arith.constant 0 : index
      %get3A_10 = arith.constant 0 : index
      %get3A_11 = vector.load %arg3[%get3A, %get3A_10] : memref<2000x16xf32, #tpu.memory_space<vmem>>, vector<2000x16xf32>
      %slice3A = vector.extract_strided_slice %get3A_11 {offsets = [0, 0], sizes = [2000, 1], strides = [1, 1]} : vector<2000x16xf32> to vector<2000x1xf32>
      %get3A_12 = arith.constant 0 : index
      %get3A_13 = arith.constant 0 : index
      %get3A_14 = arith.constant 0 : index
      %get3A_15 = vector.load %arg1[%get3A_12, %get3A_13, %get3A_14] : memref<2x2000x128xf32, #tpu.memory_space<vmem>>, vector<1x2000x128xf32>
      %get3A_16 = vector.shape_cast %get3A_15 : vector<1x2000x128xf32> to vector<2000x128xf32>
      %get3A_17 = arith.constant 1 : index
      %get3A_18 = arith.constant 0 : index
      %get3A_19 = arith.constant 0 : index
      %get3A_20 = vector.load %arg1[%get3A_17, %get3A_18, %get3A_19] : memref<2x2000x128xf32, #tpu.memory_space<vmem>>, vector<1x2000x128xf32>
      %get3A_21 = vector.shape_cast %get3A_20 : vector<1x2000x128xf32> to vector<2000x128xf32>
      %add3A = arith.addf %get3A_16, %get3A_21 : vector<2000x128xf32>
      %get3A_22 = arith.constant 0 : index
      %get3A_23 = arith.constant 0 : index
      %get3A_24 = vector.load %arg2[%get3A_22, %get3A_23] : memref<2000x128xf32, #tpu.memory_space<vmem>>, vector<2000x128xf32>
      %sub3A = arith.subf %add3A, %get3A_24 : vector<2000x128xf32>
      %mul3A = vector.broadcast %slice3A : vector<2000x1xf32> to vector<2000x128xf32>
      %mul3A_25 = arith.mulf %mul3A, %sub3A : vector<2000x128xf32>
      %get3A_26 = arith.constant 0 : index
      %get3A_27 = arith.constant 0 : index
      %get3A_28 = vector.load %arg4[%get3A_26, %get3A_27] : memref<1x128xf32, #tpu.memory_space<vmem>>, vector<1x128xf32>
      %add3A_29 = vector.broadcast %get3A_28 : vector<1x128xf32> to vector<2000x128xf32>
      %add3A_30 = arith.addf %mul3A_25, %add3A_29 : vector<2000x128xf32>
      %mul3A_31 = arith.constant 2000 : i32
      %mul3A_32 = arith.muli %arg0, %mul3A_31 : i32
      %swap3A = arith.index_cast %mul3A_32 : i32 to index
      %swap3A_33 = arith.constant 0 : index
      %swap3A_34 = vector.load %arg11[%swap3A, %swap3A_33] : memref<10000x128xf32, #tpu.memory_space<vmem>>, vector<2000x128xf32>
      tpu.vector_store %arg11[%swap3A, %swap3A_33], %add3A_30 {strides = array<i32>} : memref<10000x128xf32, #tpu.memory_space<vmem>>, vector<2000x128xf32>,
      %get3A_35 = arith.constant 0 : index
      %get3A_36 = arith.constant 0 : index
      %get3A_37 = vector.load %arg12[%get3A_35, %get3A_36] : memref<8x128xf32, #tpu.memory_space<vmem>>, vector<1x128xf32>
      %reduce_sum3A = arith.constant dense<0.000000e+00> : vector<128xf32>
      %reduce_sum3A_38 = vector.multi_reduction <add>, %add3A_30, %reduce_sum3A [0] : vector<2000x128xf32> to vector<128xf32>
      %broadcast_in_dim3A = vector.shape_cast %reduce_sum3A_38 : vector<128xf32> to vector<1x128xf32>
      %add3A_39 = arith.addf %get3A_37, %broadcast_in_dim3A : vector<1x128xf32>
      %swap3A_40 = arith.constant 0 : index
      %swap3A_41 = arith.constant 0 : index
      %swap3A_42 = vector.load %arg12[%swap3A_40, %swap3A_41] : memref<8x128xf32, #tpu.memory_space<vmem>>, vector<1x128xf32>
      tpu.vector_store %arg12[%swap3A_40, %swap3A_41], %add3A_39 {strides = array<i32>} : memref<8x128xf32, #tpu.memory_space<vmem>>, vector<1x128xf32>,
      %get3A_43 = arith.constant 1 : index
      %get3A_44 = arith.constant 0 : index
      %get3A_45 = vector.load %arg12[%get3A_43, %get3A_44] : memref<8x128xf32, #tpu.memory_space<vmem>>, vector<1x128xf32>
      %mul3A_46 = arith.mulf %add3A_30, %add3A_30 : vector<2000x128xf32>
      %reduce_sum3A_47 = arith.constant dense<0.000000e+00> : vector<128xf32>
      %reduce_sum3A_48 = vector.multi_reduction <add>, %mul3A_46, %reduce_sum3A_47 [0] : vector<2000x128xf32> to vector<128xf32>
      %broadcast_in_dim3A_49 = vector.shape_cast %reduce_sum3A_48 : vector<128xf32> to vector<1x128xf32>
      %add3A_50 = arith.addf %get3A_45, %broadcast_in_dim3A_49 : vector<1x128xf32>
      %swap3A_51 = arith.constant 1 : index
      %swap3A_52 = arith.constant 0 : index
      %swap3A_53 = vector.load %arg12[%swap3A_51, %swap3A_52] : memref<8x128xf32, #tpu.memory_space<vmem>>, vector<1x128xf32>
      tpu.vector_store %arg12[%swap3A_51, %swap3A_52], %add3A_50 {strides = array<i32>} : memref<8x128xf32, #tpu.memory_space<vmem>>, vector<1x128xf32>,
    } else {
    }
    %ge3A = arith.constant 5 : i32
    %ge3A_6 = arith.cmpi sge, %arg0, %ge3A : i32
    %convert_element_type3A_7 = arith.extui %ge3A_6 : i1 to i32
    %cond3A_8 = arith.constant 0 : i32
    %cond3A_9 = arith.cmpi ne, %convert_element_type3A_7, %cond3A_8 : i32
    scf.if %cond3A_9 {
      %eq3A_10 = arith.constant 5 : i32
      %eq3A_11 = arith.cmpi eq, %arg0, %eq3A_10 : i32
      %convert_element_type3A_12 = arith.extui %eq3A_11 : i1 to i32
      %cond3A_13 = arith.constant 0 : i32
      %cond3A_14 = arith.cmpi ne, %convert_element_type3A_12, %cond3A_13 : i32
      scf.if %cond3A_14 {
        %get3A_71 = arith.constant 0 : index
        %get3A_72 = arith.constant 0 : index
        %get3A_73 = vector.load %arg12[%get3A_71, %get3A_72] : memref<8x128xf32, #tpu.memory_space<vmem>>, vector<1x128xf32>
        %div3A = arith.constant 1.000000e+04 : f32
        %div3A_74 = vector.broadcast %div3A : f32 to vector<1x128xf32>
        %div3A_75 = arith.divf %get3A_73, %div3A_74 : vector<1x128xf32>
        %get3A_76 = arith.constant 1 : index
        %get3A_77 = arith.constant 0 : index
        %get3A_78 = vector.load %arg12[%get3A_76, %get3A_77] : memref<8x128xf32, #tpu.memory_space<vmem>>, vector<1x128xf32>
        %div3A_79 = arith.constant 1.000000e+04 : f32
        %div3A_80 = vector.broadcast %div3A_79 : f32 to vector<1x128xf32>
        %div3A_81 = arith.divf %get3A_78, %div3A_80 : vector<1x128xf32>
        %mul3A_82 = arith.mulf %div3A_75, %div3A_75 : vector<1x128xf32>
        %sub3A_83 = arith.subf %div3A_81, %mul3A_82 : vector<1x128xf32>
        %swap3A_84 = arith.constant 2 : index
        %swap3A_85 = arith.constant 0 : index
        %swap3A_86 = vector.load %arg12[%swap3A_84, %swap3A_85] : memref<8x128xf32, #tpu.memory_space<vmem>>, vector<1x128xf32>
        tpu.vector_store %arg12[%swap3A_84, %swap3A_85], %div3A_75 {strides = array<i32>} : memref<8x128xf32, #tpu.memory_space<vmem>>, vector<1x128xf32>,
        %add3A_87 = arith.constant 9.99999974E-6 : f32
        %add3A_88 = vector.broadcast %add3A_87 : f32 to vector<1x128xf32>
        %add3A_89 = arith.addf %sub3A_83, %add3A_88 : vector<1x128xf32>
        %rsqrt3A = math.rsqrt %add3A_89 : vector<1x128xf32>
        %swap3A_90 = arith.constant 3 : index
        %swap3A_91 = arith.constant 0 : index
        %swap3A_92 = vector.load %arg12[%swap3A_90, %swap3A_91] : memref<8x128xf32, #tpu.memory_space<vmem>>, vector<1x128xf32>
        tpu.vector_store %arg12[%swap3A_90, %swap3A_91], %rsqrt3A {strides = array<i32>} : memref<8x128xf32, #tpu.memory_space<vmem>>, vector<1x128xf32>,
      } else {
      }
      %sub3A = arith.constant 5 : i32
      %sub3A_15 = arith.subi %arg0, %sub3A : i32
      %mul3A = arith.constant 2000 : i32
      %mul3A_16 = arith.muli %sub3A_15, %mul3A : i32
      %get3A = arith.index_cast %mul3A_16 : i32 to index
      %get3A_17 = arith.constant 0 : index
      %get3A_18 = vector.load %arg11[%get3A, %get3A_17] : memref<10000x128xf32, #tpu.memory_space<vmem>>, vector<2000x128xf32>
      %get3A_19 = arith.constant 2 : index
      %get3A_20 = arith.constant 0 : index
      %get3A_21 = vector.load %arg12[%get3A_19, %get3A_20] : memref<8x128xf32, #tpu.memory_space<vmem>>, vector<1x128xf32>
      %sub3A_22 = vector.broadcast %get3A_21 : vector<1x128xf32> to vector<2000x128xf32>
      %sub3A_23 = arith.subf %get3A_18, %sub3A_22 : vector<2000x128xf32>
      %get3A_24 = arith.constant 3 : index
      %get3A_25 = arith.constant 0 : index
      %get3A_26 = vector.load %arg12[%get3A_24, %get3A_25] : memref<8x128xf32, #tpu.memory_space<vmem>>, vector<1x128xf32>
      %mul3A_27 = vector.broadcast %get3A_26 : vector<1x128xf32> to vector<2000x128xf32>
      %mul3A_28 = arith.mulf %sub3A_23, %mul3A_27 : vector<2000x128xf32>
      %get3A_29 = arith.constant 0 : index
      %get3A_30 = arith.constant 0 : index
      %get3A_31 = vector.load %arg5[%get3A_29, %get3A_30] : memref<1x128xf32, #tpu.memory_space<vmem>>, vector<1x128xf32>
      %mul3A_32 = vector.broadcast %get3A_31 : vector<1x128xf32> to vector<2000x128xf32>
      %mul3A_33 = arith.mulf %mul3A_28, %mul3A_32 : vector<2000x128xf32>
      %get3A_34 = arith.constant 0 : index
      %get3A_35 = arith.constant 0 : index
      %get3A_36 = vector.load %arg6[%get3A_34, %get3A_35] : memref<1x128xf32, #tpu.memory_space<vmem>>, vector<1x128xf32>
      %add3A = vector.broadcast %get3A_36 : vector<1x128xf32> to vector<2000x128xf32>
      %add3A_37 = arith.addf %mul3A_33, %add3A : vector<2000x128xf32>
      %max3A = arith.constant 0.000000e+00 : f32
      %max3A_38 = vector.broadcast %max3A : f32 to vector<2000x128xf32>
      %max3A_39 = arith.maximumf %add3A_37, %max3A_38 : vector<2000x128xf32>
      %get3A_40 = arith.constant 0 : index
      %get3A_41 = arith.constant 0 : index
      %get3A_42 = vector.load %arg7[%get3A_40, %get3A_41] : memref<2000x1xi32, #tpu.memory_space<vmem>>, vector<2000x1xi32>
      %iota3A = tpu.iota {dimensions = array<i32: 1>} : vector<1x16xi32>
      %eq3A_43 = vector.broadcast %get3A_42 : vector<2000x1xi32> to vector<2000x16xi32>
      %eq3A_44 = vector.broadcast %iota3A : vector<1x16xi32> to vector<2000x16xi32>
      %eq3A_45 = arith.cmpi eq, %eq3A_43, %eq3A_44 : vector<2000x16xi32>
      %convert_element_type3A_46 = arith.extui %eq3A_45 : vector<2000x16xi1> to vector<2000x16xi32>
      %convert_element_type3A_47 = arith.sitofp %convert_element_type3A_46 : vector<2000x16xi32> to vector<2000x16xf32>
      %get3A_48 = arith.constant 0 : index
      %get3A_49 = arith.constant 0 : index
      %get3A_50 = vector.load %arg13[%get3A_48, %get3A_49] : memref<16x128xf32, #tpu.memory_space<vmem>>, vector<16x128xf32>
      %dot_general3A = arith.constant dense<0.000000e+00> : vector<16x128xf32>
      %dot_general3A_51 = tpu.matmul %convert_element_type3A_47, %max3A_39, %dot_general3A {dimension_numbers = #tpu.dot_dimension_numbers<[0], [0], [1], [1], [0, 1, 1, 1], [], []>, transpose_lhs_hint = false} : vector<2000x16xf32>, vector<2000x128xf32>, vector<16x128xf32> -> vector<16x128xf32>
      %add3A_52 = arith.addf %get3A_50, %dot_general3A_51 : vector<16x128xf32>
      %swap3A = arith.constant 0 : index
      %swap3A_53 = arith.constant 0 : index
      %swap3A_54 = vector.load %arg13[%swap3A, %swap3A_53] : memref<16x128xf32, #tpu.memory_space<vmem>>, vector<16x128xf32>
      tpu.vector_store %arg13[%swap3A, %swap3A_53], %add3A_52 {strides = array<i32>} : memref<16x128xf32, #tpu.memory_space<vmem>>, vector<16x128xf32>,
      %broadcast_in_dim3A = arith.constant 1.000000e+00 : f32
      %broadcast_in_dim3A_55 = vector.broadcast %broadcast_in_dim3A : f32 to vector<2000x1xf32>
      %get3A_56 = arith.constant 0 : index
      %get3A_57 = arith.constant 0 : index
      %get3A_58 = vector.load %arg14[%get3A_56, %get3A_57] : memref<16x128xf32, #tpu.memory_space<vmem>>, vector<16x128xf32>
      %dot_general3A_59 = arith.constant dense<0.000000e+00> : vector<16x1xf32>
      %dot_general3A_60 = tpu.matmul %convert_element_type3A_47, %broadcast_in_dim3A_55, %dot_general3A_59 {dimension_numbers = #tpu.dot_dimension_numbers<[0], [0], [1], [1], [0, 1, 1, 1], [], []>, transpose_lhs_hint = false} : vector<2000x16xf32>, vector<2000x1xf32>, vector<16x1xf32> -> vector<16x1xf32>
      %add3A_61 = vector.broadcast %dot_general3A_60 : vector<16x1xf32> to vector<16x128xf32>
      %add3A_62 = arith.addf %get3A_58, %add3A_61 : vector<16x128xf32>
      %swap3A_63 = arith.constant 0 : index
      %swap3A_64 = arith.constant 0 : index
      %swap3A_65 = vector.load %arg14[%swap3A_63, %swap3A_64] : memref<16x128xf32, #tpu.memory_space<vmem>>, vector<16x128xf32>
      tpu.vector_store %arg14[%swap3A_63, %swap3A_64], %add3A_62 {strides = array<i32>} : memref<16x128xf32, #tpu.memory_space<vmem>>, vector<16x128xf32>,
      %eq3A_66 = arith.constant 9 : i32
      %eq3A_67 = arith.cmpi eq, %arg0, %eq3A_66 : i32
      %convert_element_type3A_68 = arith.extui %eq3A_67 : i1 to i32
      %cond3A_69 = arith.constant 0 : i32
      %cond3A_70 = arith.cmpi ne, %convert_element_type3A_68, %cond3A_69 : i32
      scf.if %cond3A_70 {
        %get3A_71 = arith.constant 0 : index
        %get3A_72 = arith.constant 0 : index
        %get3A_73 = vector.load %arg13[%get3A_71, %get3A_72] : memref<16x128xf32, #tpu.memory_space<vmem>>, vector<16x128xf32>
        %get3A_74 = arith.constant 0 : index
        %get3A_75 = arith.constant 0 : index
        %get3A_76 = vector.load %arg14[%get3A_74, %get3A_75] : memref<16x128xf32, #tpu.memory_space<vmem>>, vector<16x128xf32>
        %max3A_77 = arith.constant 1.000000e+00 : f32
        %max3A_78 = vector.broadcast %max3A_77 : f32 to vector<16x128xf32>
        %max3A_79 = arith.maximumf %get3A_76, %max3A_78 : vector<16x128xf32>
        %div3A = arith.divf %get3A_73, %max3A_79 : vector<16x128xf32>
        %get3A_80 = arith.constant 0 : index
        %get3A_81 = arith.constant 0 : index
        %get3A_82 = vector.load %arg8[%get3A_80, %get3A_81] : memref<128x10xf32, #tpu.memory_space<vmem>>, vector<128x10xf32>
        %dot_general3A_83 = arith.constant dense<0.000000e+00> : vector<16x10xf32>
        %dot_general3A_84 = tpu.matmul %div3A, %get3A_82, %dot_general3A_83 {dimension_numbers = #tpu.dot_dimension_numbers<[1], [0], [0], [1], [0, 0, 1, 1], [], []>, transpose_lhs_hint = false} : vector<16x128xf32>, vector<128x10xf32>, vector<16x10xf32> -> vector<16x10xf32>
        %get3A_85 = arith.constant 0 : index
        %get3A_86 = arith.constant 0 : index
        %get3A_87 = vector.load %arg9[%get3A_85, %get3A_86] : memref<1x10xf32, #tpu.memory_space<vmem>>, vector<1x10xf32>
        %add3A_88 = vector.broadcast %get3A_87 : vector<1x10xf32> to vector<16x10xf32>
        %add3A_89 = arith.addf %dot_general3A_84, %add3A_88 : vector<16x10xf32>
        %swap3A_90 = arith.constant 0 : index
        %swap3A_91 = arith.constant 0 : index
        %swap3A_92 = vector.load %arg10[%swap3A_90, %swap3A_91] : memref<16x10xf32, #tpu.memory_space<vmem>>, vector<16x10xf32>
        tpu.vector_store %arg10[%swap3A_90, %swap3A_91], %add3A_89 {strides = array<i32>} : memref<16x10xf32, #tpu.memory_space<vmem>>, vector<16x10xf32>,
      } else {
      }
    } else {
    }
    return
  }
  func.func @transform_0(%arg0: i32) -> (i32, i32, i32) {
    %min3A = arith.constant 4 : i32
    %min3A_0 = arith.minsi %arg0, %min3A : i32
    %c0_i32 = arith.constant 0 : i32
    %c0_i32_1 = arith.constant 0 : i32
    %c0_i32_2 = arith.constant 0 : i32
    return %c0_i32, %min3A_0, %c0_i32_1 : i32, i32, i32
  }
  func.func @transform_1(%arg0: i32) -> (i32, i32) {
    %min3A = arith.constant 4 : i32
    %min3A_0 = arith.minsi %arg0, %min3A : i32
    %c0_i32 = arith.constant 0 : i32
    %c0_i32_1 = arith.constant 0 : i32
    return %min3A_0, %c0_i32 : i32, i32
  }
  func.func @transform_2(%arg0: i32) -> (i32, i32) {
    %lt3A = arith.constant 5 : i32
    %lt3A_0 = arith.cmpi slt, %arg0, %lt3A : i32
    %sub3A = arith.constant 5 : i32
    %sub3A_1 = arith.subi %arg0, %sub3A : i32
    %select_n3A = arith.select %lt3A_0, %arg0, %sub3A_1 : i32
    %c0_i32 = arith.constant 0 : i32
    %c0_i32_2 = arith.constant 0 : i32
    return %select_n3A, %c0_i32 : i32, i32
  }
  func.func @transform_3(%arg0: i32) -> (i32, i32) {
    %c0_i32 = arith.constant 0 : i32
    %c0_i32_0 = arith.constant 0 : i32
    %c0_i32_1 = arith.constant 0 : i32
    return %c0_i32, %c0_i32_0 : i32, i32
  }
  func.func @transform_4(%arg0: i32) -> (i32, i32) {
    %c0_i32 = arith.constant 0 : i32
    %c0_i32_0 = arith.constant 0 : i32
    %c0_i32_1 = arith.constant 0 : i32
    return %c0_i32, %c0_i32_0 : i32, i32
  }
  func.func @transform_5(%arg0: i32) -> (i32, i32) {
    %c0_i32 = arith.constant 0 : i32
    %c0_i32_0 = arith.constant 0 : i32
    %c0_i32_1 = arith.constant 0 : i32
    return %c0_i32, %c0_i32_0 : i32, i32
  }
  func.func @transform_6(%arg0: i32) -> (i32, i32) {
    %sub3A = arith.constant 5 : i32
    %sub3A_0 = arith.subi %arg0, %sub3A : i32
    %max3A = arith.constant 0 : i32
    %max3A_1 = arith.maxsi %sub3A_0, %max3A : i32
    %c0_i32 = arith.constant 0 : i32
    %c0_i32_2 = arith.constant 0 : i32
    return %max3A_1, %c0_i32 : i32, i32
  }
  func.func @transform_7(%arg0: i32) -> (i32, i32) {
    %c0_i32 = arith.constant 0 : i32
    %c0_i32_0 = arith.constant 0 : i32
    %c0_i32_1 = arith.constant 0 : i32
    return %c0_i32, %c0_i32_0 : i32, i32
  }
  func.func @transform_8(%arg0: i32) -> (i32, i32) {
    %c0_i32 = arith.constant 0 : i32
    %c0_i32_0 = arith.constant 0 : i32
    %c0_i32_1 = arith.constant 0 : i32
    return %c0_i32, %c0_i32_0 : i32, i32
  }
  func.func @transform_9(%arg0: i32) -> (i32, i32) {
    %c0_i32 = arith.constant 0 : i32
    %c0_i32_0 = arith.constant 0 : i32
    %c0_i32_1 = arith.constant 0 : i32
    return %c0_i32, %c0_i32_0 : i32, i32
  }
}

</mosaic_0001>

<sc_bundles>
// kernel: kernel.10.cloned.1.call-start
scs
__scs_entry_jumppad:
0x0: {  	(pc) =	sbr.rel $0x88, $3  }
0x1: {  	(tag) =	ssettag $0x0;
	lr =	simm.s32 $0x1  }
0x2: {  	[smem:$0x3F90] =	sst lr;
	_ =	strace $0xD0000000  }
0x3: {  	_ = 	snop  }
0x4: {  	_ = 	snop  }
0x5: {  	_ = 	snop  }
0x6: {  	_ = 	snop  }
0x7: {  	_ = 	snop  }
__scs_overlays_trampoline_lowered:
0x8: {  	[smem:$0x3F9F] =	sst s0  }
0x9: {  	[smem:$0x3FA0] =	sst s1  }
0xa: {  	[smem:$0x3FA1] =	sst s2  }
0xb: {  	[smem:$0x3FA2] =	sst s3  }
0xc: {  	[smem:$0x3FA3] =	sst s4  }
0xd: {  	[smem:$0x3FA4] =	sst s5  }
0xe: {  	[smem:$0x3FA5] =	sst s6  }
0xf: {  	[smem:$0x3FA6] =	sst s7  }
0x10: {  	[smem:$0x3FA7] =	sst s8  }
0x11: {  	[smem:$0x3FA8] =	sst s9;
	s0 =	simm.s32 @!p0 $0x0  }
0x12: {  	s1 =	sld [smem:$0x3F8E];
	s0 =	simm.s32 @p0 $0x1  }
0x13: {  	[smem:$0x3FA9] =	sst s0;
	s0 =	simm.s32 @!p1 $0x0  }
0x14: {  	s2 =	sld [smem:$0x3F8D];
	s0 =	simm.s32 @p1 $0x1  }
0x15: {  	[smem:$0x3FAA] =	sst s0;
	s0 =	simm.s32 @!p2 $0x0  }
0x16: {  	s3 =	sld [smem:$0x3FDB];
	s0 =	simm.s32 @p2 $0x1  }
0x17: {  	s4 =	simm.s32 $0x1BF5;
	[smem:$0x3FAC] =	sst s0  }
0x18: {  	s0 =	sld [smem:$0x3F8F];
	_ =	swait.ge [sflag:s4], $0x0  }
0x19: {  	s7 =	sld [smem:$0x3F90]  }
0x1a: {  	s8 =	sadd.s32 $0xFFFFE003, lr  }
0x1b: {  	s9 =	sadd.s32 $0xFFFFFEF7, lr;
	s5 =	simm.s32 $0xFFFFFFFF;
	p2 =	slt.u32 s8, $0xFFFFF086  }
0x1c: {  	p1 =	slt.u32 s9, $0xF7A;
	s5 =	simm.s32 @!p2 $0x0  }
0x1d: {  	s5 =	simm.s32 @p1 $0x1;
	p0 =	seq.s32 s7, s2  }
0x1e: {  	s7 =	smul.u32 @!p0 $0xF7A, s2;
	p2 =	seq.s32 @!p0 s5, $0x0  }
0x1f: {  	s9 =	smul.u32 $0xF7A, s1;
	s8 =	simm.s32 @!p0 $0x1BF5;
	p2 =	por !p2, p0  }
0x20: {  	[sflag:s8] =	ssyncset.s32 @!p0 $0xFFFFF086;
	s6 =	sadd.s32 @!p0 s3, s7;
	s7 =	simm.s32 @!p0 $0x108  }
0x21: {  	s3 =	sadd.s32 s3, s9;
	s6 =	sadd.s32 @!p0 $0x88, s6;
	s7 =	simm.s32 @p2 $0x1082  }
0x22: {  	[simem:s7], [sflag:s8] =	dma.local @!p0 [hbm:s6], $0xF7A  }
0x23: {  	s9 =	sor.u32 $0xD0000000, s2;
	s6 =	simm.s32 $0x108;
	_ =	swait.ge @!p0 [sflag:s8], $0x0  }
0x24: {  	s3 =	sadd.s32 $0x88, s3;
	s6 =	simm.s32 @!p1 $0x1082;
	[sflag:s4] =	ssyncset.s32 $0xFFFFF086  }
0x25: {  	[simem:s6], [sflag:s4] =	dma.local [hbm:s3], $0xF7A  }
0x26: {  	[smem:$0x3F90] =	sst s1;
	(tag) =	ssettag s2;
	_ =	strace s9  }
0x27: {  	s1 =	sld [smem:$0x3FA0]  }
0x28: {  	s2 =	sld [smem:$0x3FA1]  }
0x29: {  	s4 =	sld [smem:$0x3FA3]  }
0x2a: {  	p0 =	seq.s32 s5, $0x0;
	s5 =	sld [smem:$0x3FA4]  }
0x2b: {  	s6 =	sld [smem:$0x3FA5]  }
0x2c: {  	s7 =	sld [smem:$0x3FA6]  }
0x2d: {  	s3 =	simm.s32 $0x108;
	s8 =	sld [smem:$0x3FA7]  }
0x2e: {  	s3 =	simm.s32 @!p0 $0x1082;
	s9 =	sld [smem:$0x3FA8]  }
0x2f: {  	lr =	sadd.s32 s0, s3;
	s0 =	sld [smem:$0x3F9F]  }
0x30: {  	s3 =	sld [smem:$0x3FA2]  }
0x31: {  	[smem:$0x3FAB] =	sst s10  }
0x32: {  	s10 =	sld [smem:$0x3FA9];
	_ =	sdelay $0x3  }
0x33: {  	p0 =	seq.s32 s10, $0x1;
	s10 =	sld [smem:$0x3FAB];
	_ =	sdelay $0x3  }
0x34: {  	[smem:$0x3FAB] =	sst s10  }
0x35: {  	s10 =	sld [smem:$0x3FAA];
	_ =	sdelay $0x3  }
0x36: {  	p1 =	seq.s32 s10, $0x1;
	s10 =	sld [smem:$0x3FAB];
	_ =	sdelay $0x3  }
0x37: {  	[smem:$0x3FAB] =	sst s10  }
0x38: {  	s10 =	sld [smem:$0x3FAC]  }
0x39: {  	_ = 	snop;
	(pc) =	sbr.ind lr, $3  }
0x3a: {  	_ = 	snop  }
0x3b: {  	_ = 	snop  }
0x3c: {  	p2 =	seq.s32 s10, $0x1;
	s10 =	sld [smem:$0x3FAB]  }
0x3d: {  	_ =	shalt  }
0x3e: {  	_ =	shalt  }
0x3f: {  	_ =	shalt  }
0x40: {  	_ =	shalt  }
0x41: {  	_ =	shalt  }
0x42: {  	_ =	shalt  }
0x43: {  	_ =	shalt  }
0x44: {  	_ =	shalt  }
0x45: {  	_ =	shalt  }
0x46: {  	_ =	shalt  }
0x47: {  	_ =	shalt  }
0x48: {  	_ =	shalt  }
0x49: {  	_ =	shalt  }
0x4a: {  	_ =	shalt  }
0x4b: {  	_ =	shalt  }
0x4c: {  	_ =	shalt  }
0x4d: {  	_ =	shalt  }
0x4e: {  	_ =	shalt  }
0x4f: {  	_ =	shalt  }
0x50: {  	_ =	shalt  }
0x51: {  	_ =	shalt  }
0x52: {  	_ =	shalt  }
0x53: {  	_ =	shalt  }
0x54: {  	_ =	shalt  }
0x55: {  	_ =	shalt  }
0x56: {  	_ =	shalt  }
0x57: {  	_ =	shalt  }
0x58: {  	_ =	shalt  }
0x59: {  	_ =	shalt  }
0x5a: {  	_ =	shalt  }
0x5b: {  	_ =	shalt  }
0x5c: {  	_ =	shalt  }
0x5d: {  	_ =	shalt  }
0x5e: {  	_ =	shalt  }
0x5f: {  	_ =	shalt  }
0x60: {  	_ =	shalt  }
0x61: {  	_ =	shalt  }
0x62: {  	_ =	shalt  }
0x63: {  	_ =	shalt  }
0x64: {  	_ =	shalt  }
0x65: {  	_ =	shalt  }
0x66: {  	_ =	shalt  }
0x67: {  	_ =	shalt  }
0x68: {  	_ =	shalt  }
0x69: {  	_ =	shalt  }
0x6a: {  	_ =	shalt  }
0x6b: {  	_ =	shalt  }
0x6c: {  	_ =	shalt  }
0x6d: {  	_ =	shalt  }
0x6e: {  	_ =	shalt  }
0x6f: {  	_ =	shalt  }
0x70: {  	_ =	shalt  }
0x71: {  	_ =	shalt  }
0x72: {  	_ =	shalt  }
0x73: {  	_ =	shalt  }
0x74: {  	_ =	shalt  }
0x75: {  	_ =	shalt  }
0x76: {  	_ =	shalt  }
0x77: {  	_ =	shalt  }
0x78: {  	_ =	shalt  }
0x79: {  	_ =	shalt  }
0x7a: {  	_ =	shalt  }
0x7b: {  	_ =	shalt  }
0x7c: {  	_ =	shalt  }
0x7d: {  	_ =	shalt  }
0x7e: {  	_ =	shalt  }
0x7f: {  	_ =	shalt  }
0x80: {  	_ =	shalt  }
0x81: {  	_ =	shalt  }
0x82: {  	_ =	shalt  }
0x83: {  	_ =	shalt  }
0x84: {  	_ =	shalt  }
0x85: {  	_ =	shalt  }
0x86: {  	_ =	shalt  }
0x87: {  	_ =	shalt  }
.Lfunc_end0:
.L_simem_size_0:
called_computation_lowered:
.L_overlay_start_0:
0x88: {  	s2 =	sld [smem:$0x3FD9]  }
0x89: {  	s3 =	sld [smem:$0x3FFE];
	_ =	sdelay $0x1  }
0x8a: {  	s1 =	srdreg.scid  }
0x8b: {  	s0 =	sand.u32 $0x1, s1  }
0x8c: {  	s16 =	sshll.u32 s0, $0xA;
	s2 =	sadd.s32 s3, s2  }
0x8d: {  	s2 =	sadd.s32 s2, s16  }
0x8e: {  	[smem:$0x3FB7] =	sst s2  }
0x8f: {  	_ = 	snop  }
0x90: {  	(tm) =	ssettm $0x1  }
0x91: {  	s17 =	sld [smem:$0x3FFB];
	_ =	sdelay $0x3  }
0x92: {  	_ =	strace s17  }
0x93: {  	s2 =	sld [smem:$0x3FFC];
	_ =	sdelay $0x3  }
0x94: {  	_ =	strace s2  }
0x95: {  	s2 =	sld [smem:$0x3FFD];
	_ =	sdelay $0x3  }
0x96: {  	_ =	strace s2  }
0x97: {  	_ =	strace $0x8FFFFFFF  }
0x98: {  	s18 =	sld [smem:$0x3FDB];
	_ =	sdelay $0x1  }
0x99: {  	s19 =	simm.s32 $_scs_section_size  }
0x9a: {  	s4 =	simm.s32 $_size__tile_overlayer_lowered;
	s5 =	simm.s32 $_tile_overlayer_lowered  }
0x9b: {  	s22 =	simm.s32 $0x1BFF;
	s21 =	sshll.u32 s5, $0x1;
	s2 =	sadd.s32 s19, s18  }
0x9c: {  	s6 =	simm.s32 $0x0;
	s20 =	sshll.u32 s4, $0x1;
	s4 =	sadd.s32 s21, s2  }
0x9d: {  	[timem:s6], [sflag:s22] =	dma.local [hbm:s4], s20  }
0x9e: {  	_ =	swait.ge [sflag:s22], s20  }
0x9f: {  	s3 =	ssub.s32 $0x0, s20;
	[sflag:s22] =	ssyncset.done $0x0  }
0xa0: {  	[sflag:s22] =	ssyncadd.s32 s3;
	_ =	sdelay $0x1  }
0xa1: {  	s23 =	simm.s32 $0x1B8B  }
0xa2: {  	_ =	swait.ge [sflag:s23], $0x1  }
0xa3: {  	[sflag:s23] =	ssyncset.done $0x0  }
0xa4: {  	s25 =	simm.s32 $0x1B8E;
	s24 =	sld [smem:$0x3FFE];
	[sflag:s23] =	ssyncadd.s32 $0xFFFFFFFF  }
0xa5: {  	s26 =	simm.s32 $execute0_lowered;
	[smem:$0x3FD2] =	sst s25  }
0xa6: {  	s4 =	sshll.u32 s26, $0x1;
	_ =	strace $0x80000046;
	[dreg:$0x1] =	wrdreg $0xFFFFFFFF  }
0xa7: {  	s28 =	simm.s32 $_size_execute0_lowered;
	s2 =	sadd.s32 s2, s4;
	[dreg:$0x0] =	wrdreg $0x0  }
0xa8: {  	s4 =	sshll.u32 s28, $0x1;
	[dreg:$0x2] =	wrdreg s2  }
0xa9: {  	[dreg:$0x3] =	wrdreg s4  }
0xaa: {  	[dreg:$0x4] =	wrdreg $0xC0  }
0xab: {  	_ =	task [dreg:s6], $0x5FFFF  }
0xac: {  	[dreg:$0x1] =	wrdreg $0xFFFFFFFF  }
0xad: {  	[dreg:$0x0] =	wrdreg $0x60  }
0xae: {  	[dreg:$0x2] =	wrdreg s24  }
0xaf: {  	[dreg:$0x3] =	wrdreg $0x41000  }
0xb0: {  	[dreg:$0x4] =	wrdreg $0x9  }
0xb1: {  	_ =	task.clear_ibuf [dreg:s6], $0x5FFFF;
	_ =	strace $0x90000046  }
0xb2: {  	s29 =	simm.s32 $0x9;
	_ =	strace $0x80000048  }
0xb3: {  	_ =	swait.ge [sflag:s29], $0x1  }
0xb4: {  	[sflag:s29] =	ssyncadd.s32 $0xFFFFFFFF  }
0xb5: {  	_ =	strace $0x90000048  }
0xb6: {  	_ =	sfence  }
0xb7: {  	s30 =	sld [smem:$0x0];
	_ =	sdelay $0x2  }
0xb8: {  	s31 =	sshll.u32 s1, $0xD;
	s1 =	sshrl.u32 s1, $0x2  }
0xb9: {  	s3 =	sand.u32 $0x4000, s31;
	s1 =	sadd.s32 s1, s30  }
0xba: {  	s0 =	sor.u32 s3, s0;
	s1 =	sshll.u32 s1, $0x11  }
0xbb: {  	s0 =	sor.u32 s1, s0  }
0xbc: {  	s0 =	sadd.s32 $0x8F2B, s0  }
0xbd: {  	[sflag:s0] =	ssyncadd.remote.s32 $0x1  }
0xbe: {  	_ =	sfence.sel $0xFFFF  }
0xbf: {  	[dreg:$0x0] =	wrdreg $0xFFFFFFFF;
	(pc) =	sbr.abs _section_cstart, $3  }
0xc0: {  	[dreg:$0x1] =	wrdreg $0xFFFFFFFF  }
0xc1: {  	_ =	task.clear_ibuf [dreg:s6], $0x2FFFF;
	_ =	strace $0x9FFFFFFF  }
0xc2: {  	(tm) =	ssettm $0x7FFFFFFF  }
0xc3: {  	_ =	shalt  }
tec
execute0_lowered:
.L_overlay_start_1:
0x0: {  	(tag) =	ssettag $0x1  }
0x1: {  	s7 =	rddreg [dreg:$0x0]  }
0x2: {  	s1 =	rddreg [dreg:$0x1];
	s2 =	simm.s32 $0x0;
	s3 =	srdreg.scid  }
0x3: {  	s19 =	simm.s32 $0x100;
	s20 =	simm.s32 $0x3;
	s21 =	simm.s32 $0x80  }
0x4: {  	s22 =	simm.s32 $0x1;
	s23 =	simm.s32 $0x2;
	s24 =	simm.s32 $0x17980  }
0x5: {  	[smem:$0x7FF] =	sst s2;
	s8 =	sand.u32 $0x1, s3;
	s3 =	stileid.u32  }
0x6: {  	s4 =	sadd.s32 $0x17800, s7;
	s5 =	sadd.s32 $0xDA00, s7;
	s9 =	smul.u32 $0x4F000, s3  }
0x7: {  	s11 =	sadd.s32 $0x3EA00, s7;
	s16 =	sadd.s32 $0x128400, s1;
	s13 =	smul.u32 $0x2780, s3  }
0x8: {  	s7 =	sadd.s32 $0x3C880, s7;
	_ =	strace $0x80000047;
	s15 =	smul.u32 $0x27100, s8  }
0x9: {  	s6 =	sshll.u32 s8, $0x4;
	s10 =	ssub.s32 $0x2, s8;
	s28 =	smul.u32 $0x138800, s8  }
0xa: {  	s17 =	smul.u32 $0x2710, s3;
	p0 =	seq.s32 s3, $0xF;
	s6 =	sor.u32 s3, s6  }
0xb: {  	s25 =	sshrl.u32 s10, $0x1;
	s16 =	sshrl.u32 @p0 s16, $0x3;
	s12 =	smul.u32 $0x2710, s6  }
0xc: {  	s9 =	sshrl.u32 s9, $0x2;
	s14 =	ssub.s32 s10, s25;
	s6 =	sadd.s32 s4, s13  }
0xd: {  	s29 =	sadd.s32 s13, s15;
	s30 =	sshrl.u32 s28, $0x3;
	s31 =	sadd.s32 s17, s15  }
0xe: {  	s17 =	sshll.u32 @!p0 s3, $0x6;
	s25 =	simm.s32 $0x10;
	s18 =	sadd.s32 s9, s1  }
0xf: {  	s10 =	sadd.s32 s11, s29;
	s11 =	sadd.s32 s11, s30;
	s15 =	sadd.s32 $0x80, s31  }
0x10: {  	s17 =	sor.u32 @!p0 $0x1C03, s17;
	s26 =	sshrl.u32 s12, $0x3;
	s11 =	sadd.s32 $0x25080, s11  }
0x11: {  	s12 =	smax.u32 s14, $0x1;
	s14 =	sadd.s32 $0x100, s31;
	s15 =	sshrl.u32 s15, $0x3  }
0x12: {  	s18 =	sshrl.u32 @!p0 s18, $0x3;
	s8 =	sadd.s32 s5, s26;
	s15 =	sadd.s32 s15, s5  }
0x13: {  	s26 =	simm.s32 $0x0;
	s9 =	sadd.s32 $0x4E0, s8;
	s13 =	sadd.s32 $0x4D0, s8  }
.LBB2_1:
0x14: {  	s28 =	simm.s32 @p0 $0x1FC3  }
0x15: {  	[spmem:s16], [sflag:s28] =	dma.local @p0 [hbm:s7], $0x2080  }
0x16: {  	s28 =	simm.s32 @p0 $0x3  }
0x17: {  	_ =	swait.ge @p0 [sflag:s28], $0x2080  }
0x18: {  	[sflag:s28] =	ssyncset.done @p0 $0x0  }
0x19: {  	[sflag:s28] =	ssyncadd.s32 @p0 $0xFFFFDF80;
	s28 =	simm.s32 @!p0 $0x3  }
0x1a: {  	[spmem:s18], [sflag:s17] =	dma.local @!p0 [hbm:s6], $0x2780  }
0x1b: {  	_ =	swait.ge @!p0 [sflag:s28], $0x2780  }
0x1c: {  	[sflag:s28] =	ssyncset.done @!p0 $0x0  }
0x1d: {  	[sflag:s28] =	ssyncadd.s32 @!p0 $0xFFFFD880  }
0x1e: {  	[tilespmem:s19], [sflag:$0x3] =	stream.linear.gather [hbm4b:s4+s2], $0x4000, $0x38;
	[tilespmem:$0x17A00] =	vst v63  }
0x1f: {  	_ =	swait.ge [sflag:s20], $0x4000  }
0x20: {  	[sflag:s20] =	ssyncset.done $0x0  }
0x21: {  	[sflag:s20] =	ssyncadd.s32 $0xFFFFC000  }
0x22: {  	[bflag:$0x0] =	sbarrier.arrive $0xFFFF  }
0x23: {  	[tilespmem:s2], [sflag:$0x1] =	stream.linear.gather [hbm4b:s8+s2], $0x80, $0x38;
	[tilespmem:$0x17A00] =	vst v63  }
0x24: {  	s28 =	sadd.s32 $0x0, s15  }
0x25: {  	[tilespmem:s21], [sflag:$0x2] =	stream.linear.gather [hbm4b:s28+s2], $0x80, $0x38;
	[tilespmem:$0x17A00] =	vst v63  }
0x26: {  	_ =	swait.ge [sflag:s22], $0x80  }
0x27: {  	[sflag:s22] =	ssyncset.done $0x0  }
0x28: {  	[sflag:s22] =	ssyncadd.s32 $0xFFFFFF80  }
0x29: {  	[spmem:s1] =	stream.indirect.scatter.add.f32 [tilespmem:s19], [sflag:$0x3], $0x80, s2, s21, $0xb8;
	[tilespmem:$0x17A00] =	vst v63  }
0x2a: {  	_ =	swait.ge [sflag:s20], $0x4000  }
0x2b: {  	s28 =	sshrl.u32 s14, $0x3;
	[sflag:s20] =	ssyncset.done $0x0  }
0x2c: {  	s28 =	sadd.s32 s5, s28;
	[sflag:s20] =	ssyncadd.s32 $0xFFFFC000  }
0x2d: {  	[tilespmem:s2], [sflag:$0x1] =	stream.linear.gather [hbm4b:s28+s2], $0x80, $0x38;
	[tilespmem:$0x17A00] =	vst v63  }
0x2e: {  	_ =	swait.ge [sflag:s23], $0x80  }
0x2f: {  	[sflag:s23] =	ssyncset.done $0x0  }
0x30: {  	[sflag:s23] =	ssyncadd.s32 $0xFFFFFF80  }
0x31: {  	[spmem:s1] =	stream.indirect.scatter.add.f32 [tilespmem:s19], [sflag:$0x3], $0x80, s21, s21, $0xb8;
	[tilespmem:$0x17A00] =	vst v63  }
0x32: {  	s29 =	simm.s32 $0x20;
	_ =	swait.ge [sflag:s20], $0x4000  }
0x33: {  	s30 =	simm.s32 $0x40;
	s28 =	sadd.s32 $0x100, s14;
	[sflag:s20] =	ssyncset.done $0x0  }
.LBB2_2:
0x34: {  	s31 =	sadd.s32 s29, s15  }
0x35: {  	[sflag:s20] =	ssyncadd.s32 $0xFFFFC000;
	s29 =	smov.u32 s30;
	s0 =	sadd.s32 $0x20, s30  }
0x36: {  	[tilespmem:s21], [sflag:$0x2] =	stream.linear.gather [hbm4b:s31+s2], $0x80, $0x38;
	[tilespmem:$0x17A00] =	vst v63  }
0x37: {  	p1 =	sne.s32 s30, $0x4A0;
	_ =	swait.ge [sflag:s22], $0x80  }
0x38: {  	[sflag:s22] =	ssyncset.done $0x0  }
0x39: {  	[sflag:s22] =	ssyncadd.s32 $0xFFFFFF80  }
0x3a: {  	[spmem:s1] =	stream.indirect.scatter.add.f32 [tilespmem:s19], [sflag:$0x3], $0x80, s2, s21, $0xb8;
	[tilespmem:$0x17A00] =	vst v63  }
0x3b: {  	_ =	swait.ge [sflag:s20], $0x4000  }
0x3c: {  	s30 =	sshrl.u32 s28, $0x3;
	[sflag:s20] =	ssyncset.done $0x0  }
0x3d: {  	s30 =	sadd.s32 s5, s30;
	[sflag:s20] =	ssyncadd.s32 $0xFFFFC000  }
0x3e: {  	[tilespmem:s2], [sflag:$0x1] =	stream.linear.gather [hbm4b:s30+s2], $0x80, $0x38;
	[tilespmem:$0x17A00] =	vst v63  }
0x3f: {  	_ =	swait.ge [sflag:s23], $0x80  }
.Ltmp0:
0x40: {  	[sflag:s23] =	ssyncset.done $0x0;
	(pc) =	sbr.rel @p1 .LBB2_2-.Ltmp0, $4  }
0x41: {  	[sflag:s23] =	ssyncadd.s32 $0xFFFFFF80  }
0x42: {  	[spmem:s1] =	stream.indirect.scatter.add.f32 [tilespmem:s19], [sflag:$0x3], $0x80, s21, s21, $0xb8;
	[tilespmem:$0x17A00] =	vst v63  }
0x43: {  	_ =	swait.ge [sflag:s20], $0x4000  }
0x44: {  	s28 =	sadd.s32 $0x100, s28;
	s30 =	smov.u32 s0;
	[sflag:s20] =	ssyncset.done $0x0  }
0x45: {  	s0 =	sadd.s32 s29, s15;
	[sflag:s20] =	ssyncadd.s32 $0xFFFFC000  }
0x46: {  	[tilespmem:s21], [sflag:$0x2] =	stream.linear.gather [hbm4b:s0+s2], $0x80, $0x38;
	[tilespmem:$0x17A00] =	vst v63  }
0x47: {  	_ =	swait.ge [sflag:s22], $0x80  }
0x48: {  	[sflag:s22] =	ssyncset.done $0x0  }
0x49: {  	[sflag:s22] =	ssyncadd.s32 $0xFFFFFF80  }
0x4a: {  	[spmem:s1] =	stream.indirect.scatter.add.f32 [tilespmem:s19], [sflag:$0x3], $0x80, s2, s21, $0xb8;
	[tilespmem:$0x17A00] =	vst v63  }
0x4b: {  	_ =	swait.ge [sflag:s20], $0x4000  }
0x4c: {  	s31 =	sshrl.u32 s28, $0x3;
	[sflag:s20] =	ssyncset.done $0x0  }
0x4d: {  	s0 =	sadd.s32 s5, s31;
	[sflag:s20] =	ssyncadd.s32 $0xFFFFC000  }
0x4e: {  	[tilespmem:s2], [sflag:$0x1] =	stream.linear.gather [hbm4b:s0+s2], $0x80, $0x38;
	[tilespmem:$0x17A00] =	vst v63  }
0x4f: {  	_ =	swait.ge [sflag:s23], $0x80  }
0x50: {  	[sflag:s23] =	ssyncset.done $0x0  }
0x51: {  	[sflag:s23] =	ssyncadd.s32 $0xFFFFFF80  }
0x52: {  	[spmem:s1] =	stream.indirect.scatter.add.f32 [tilespmem:s19], [sflag:$0x3], $0x80, s21, s21, $0xb8;
	[tilespmem:$0x17A00] =	vst v63  }
0x53: {  	_ =	swait.ge [sflag:s20], $0x4000  }
0x54: {  	[sflag:s20] =	ssyncset.done $0x0  }
0x55: {  	[sflag:s20] =	ssyncadd.s32 $0xFFFFC000  }
0x56: {  	[tilespmem:s21], [sflag:$0x2] =	stream.linear.gather [hbm4b:s13+s2], $0x80, $0x38;
	[tilespmem:$0x17A00] =	vst v63  }
0x57: {  	_ =	swait.ge [sflag:s22], $0x80  }
0x58: {  	[sflag:s22] =	ssyncset.done $0x0  }
0x59: {  	[sflag:s22] =	ssyncadd.s32 $0xFFFFFF80  }
0x5a: {  	[spmem:s1] =	stream.indirect.scatter.add.f32 [tilespmem:s19], [sflag:$0x3], $0x80, s2, s21, $0xb8;
	[tilespmem:$0x17A00] =	vst v63  }
0x5b: {  	_ =	swait.ge [sflag:s20], $0x4000  }
0x5c: {  	[sflag:s20] =	ssyncset.done $0x0  }
0x5d: {  	[sflag:s20] =	ssyncadd.s32 $0xFFFFC000  }
0x5e: {  	_ =	swait.ge [sflag:s23], $0x80  }
0x5f: {  	[sflag:s23] =	ssyncset.done $0x0  }
0x60: {  	[sflag:s23] =	ssyncadd.s32 $0xFFFFFF80  }
0x61: {  	[spmem:s1] =	stream.indirect.scatter.add.f32 [tilespmem:s19], [sflag:$0x3], $0x80, s21, s21, $0xb8;
	[tilespmem:$0x17A00] =	vst v63  }
0x62: {  	_ =	swait.ge [sflag:s20], $0x4000  }
0x63: {  	[sflag:s20] =	ssyncset.done $0x0  }
0x64: {  	[sflag:s20] =	ssyncadd.s32 $0xFFFFC000  }
0x65: {  	[tilespmem:s24], [sflag:$0x3] =	stream.linear.gather [hbm4b:s9+s2], $0x10, $0x38;
	[tilespmem:$0x17A00] =	vst v63  }
0x66: {  	_ =	swait.ge [sflag:s20], $0x10  }
0x67: {  	[sflag:s20] =	ssyncset.done $0x0  }
0x68: {  	[sflag:s20] =	ssyncadd.s32 $0xFFFFFFF0  }
0x69: {  	[spmem:s1] =	stream.indirect.scatter.add.f32 [tilespmem:s19], [sflag:$0x3], $0x80, s24, s25, $0xb8;
	[tilespmem:$0x17A00] =	vst v63  }
0x6a: {  	_ =	swait.ge [sflag:s20], $0x800  }
0x6b: {  	[sflag:s20] =	ssyncset.done $0x0  }
0x6c: {  	[sflag:s20] =	ssyncadd.s32 $0xFFFFF800  }
0x6d: {  	s0 =	simm.s32 @p0 $0x1FC3;
	[bflag:$0x0] =	sbarrier.arrive $0xFFFF  }
0x6e: {  	[hbm:s11], [sflag:s0] =	dma.local @p0 [spmem:s16], $0x2080  }
0x6f: {  	s0 =	simm.s32 @p0 $0x3  }
0x70: {  	s26 =	sadd.s32 $0x1, s26;
	_ =	swait.ge @p0 [sflag:s0], $0x2080  }
0x71: {  	p1 =	sne.s32 s26, s12;
	[sflag:s0] =	ssyncset.done @p0 $0x0  }
.Ltmp1:
0x72: {  	[sflag:s0] =	ssyncadd.s32 @p0 $0xFFFFDF80;
	s0 =	simm.s32 @!p0 $0x3;
	(pc) =	sbr.rel @p1 .LBB2_1-.Ltmp1, $4  }
0x73: {  	[hbm:s10], [sflag:s17] =	dma.local @!p0 [spmem:s18], $0x2780  }
0x74: {  	_ =	swait.ge @!p0 [sflag:s0], $0x2780  }
0x75: {  	[sflag:s0] =	ssyncset.done @!p0 $0x0  }
0x76: {  	[sflag:s0] =	ssyncadd.s32 @!p0 $0xFFFFD880  }
0x77: {  	_ =	sfence.sel $0x180000  }
0x78: {  	[bflag:$0x0] =	sbarrier.arrive $0xFFFF  }
0x79: {  	_ =	strace $0x90000047  }
0x7a: {  	[bflag:$0x2] =	sbarrier.arrive $0xFFFF  }
0x7b: {  	p0 =	sne.s32 s3, $0x0;
	s0 =	rddreg [dreg:$0x2]  }
0x7c: {  	s0 =	sadd.s32 @!p0 $0x100000, s0  }
0x7d: {  	[sflag:s0] =	ssyncadd.tile.s32 @!p0 $0x1;
	_ =	shalt  }
.Lfunc_end2:
_tile_overlayer_lowered:
.L_overlay_start_2:
0x7e: {  	(tag) =	ssettag $0x2  }
0x7f: {  	s0 =	rddreg [dreg:$0x0];
	s2 =	stileid.u32  }
0x80: {  	s1 =	rddreg [dreg:$0x1];
	p0 =	sne.s32 s2, $0x0  }
0x81: {  	s3 =	rddreg [dreg:$0x2];
	[bflag:$0x3] =	sbarrier.arrive $0xFFFF;
	s2 =	simm.s32 @!p0 $0x1C03  }
0x82: {  	[timem:s3], [sflag:s2] =	dma.local @!p0 [hbm:s0], s1  }
0x83: {  	s0 =	simm.s32 @!p0 $0x3  }
0x84: {  	_ =	swait.ge @!p0 [sflag:s0], s1  }
0x85: {  	s1 =	ssub.s32 @!p0 $0x0, s1;
	[sflag:s0] =	ssyncset.done @!p0 $0x0  }
0x86: {  	[sflag:s0] =	ssyncadd.s32 @!p0 s1  }
0x87: {  	[bflag:$0x3] =	sbarrier.arrive $0xFFFF  }
0x88: {  	_ =	shalt  }

// kernel: kernel.13.cloned.1.call-start
scs
__scs_entry_jumppad:
0x0: {  	(pc) =	sbr.rel $0x88, $3  }
0x1: {  	(tag) =	ssettag $0x0;
	lr =	simm.s32 $0x1  }
0x2: {  	[smem:$0x3F90] =	sst lr;
	_ =	strace $0xD0000000  }
0x3: {  	_ = 	snop  }
0x4: {  	_ = 	snop  }
0x5: {  	_ = 	snop  }
0x6: {  	_ = 	snop  }
0x7: {  	_ = 	snop  }
__scs_overlays_trampoline_lowered:
0x8: {  	[smem:$0x3F9F] =	sst s0  }
0x9: {  	[smem:$0x3FA0] =	sst s1  }
0xa: {  	[smem:$0x3FA1] =	sst s2  }
0xb: {  	[smem:$0x3FA2] =	sst s3  }
0xc: {  	[smem:$0x3FA3] =	sst s4  }
0xd: {  	[smem:$0x3FA4] =	sst s5  }
0xe: {  	[smem:$0x3FA5] =	sst s6  }
0xf: {  	[smem:$0x3FA6] =	sst s7  }
0x10: {  	[smem:$0x3FA7] =	sst s8  }
0x11: {  	[smem:$0x3FA8] =	sst s9;
	s0 =	simm.s32 @!p0 $0x0  }
0x12: {  	s1 =	sld [smem:$0x3F8E];
	s0 =	simm.s32 @p0 $0x1  }
0x13: {  	[smem:$0x3FA9] =	sst s0;
	s0 =	simm.s32 @!p1 $0x0  }
0x14: {  	s2 =	sld [smem:$0x3F8D];
	s0 =	simm.s32 @p1 $0x1  }
0x15: {  	[smem:$0x3FAA] =	sst s0;
	s0 =	simm.s32 @!p2 $0x0  }
0x16: {  	s3 =	sld [smem:$0x3FDB];
	s0 =	simm.s32 @p2 $0x1  }
0x17: {  	s4 =	simm.s32 $0x1BF5;
	[smem:$0x3FAC] =	sst s0  }
0x18: {  	s0 =	sld [smem:$0x3F8F];
	_ =	swait.ge [sflag:s4], $0x0  }
0x19: {  	s7 =	sld [smem:$0x3F90]  }
0x1a: {  	s8 =	sadd.s32 $0xFFFFE003, lr  }
0x1b: {  	s9 =	sadd.s32 $0xFFFFFEF7, lr;
	s5 =	simm.s32 $0xFFFFFFFF;
	p2 =	slt.u32 s8, $0xFFFFF086  }
0x1c: {  	p1 =	slt.u32 s9, $0xF7A;
	s5 =	simm.s32 @!p2 $0x0  }
0x1d: {  	s5 =	simm.s32 @p1 $0x1;
	p0 =	seq.s32 s7, s2  }
0x1e: {  	s7 =	smul.u32 @!p0 $0xF7A, s2;
	p2 =	seq.s32 @!p0 s5, $0x0  }
0x1f: {  	s9 =	smul.u32 $0xF7A, s1;
	s8 =	simm.s32 @!p0 $0x1BF5;
	p2 =	por !p2, p0  }
0x20: {  	[sflag:s8] =	ssyncset.s32 @!p0 $0xFFFFF086;
	s6 =	sadd.s32 @!p0 s3, s7;
	s7 =	simm.s32 @!p0 $0x108  }
0x21: {  	s3 =	sadd.s32 s3, s9;
	s6 =	sadd.s32 @!p0 $0x88, s6;
	s7 =	simm.s32 @p2 $0x1082  }
0x22: {  	[simem:s7], [sflag:s8] =	dma.local @!p0 [hbm:s6], $0xF7A  }
0x23: {  	s9 =	sor.u32 $0xD0000000, s2;
	s6 =	simm.s32 $0x108;
	_ =	swait.ge @!p0 [sflag:s8], $0x0  }
0x24: {  	s3 =	sadd.s32 $0x88, s3;
	s6 =	simm.s32 @!p1 $0x1082;
	[sflag:s4] =	ssyncset.s32 $0xFFFFF086  }
0x25: {  	[simem:s6], [sflag:s4] =	dma.local [hbm:s3], $0xF7A  }
0x26: {  	[smem:$0x3F90] =	sst s1;
	(tag) =	ssettag s2;
	_ =	strace s9  }
0x27: {  	s1 =	sld [smem:$0x3FA0]  }
0x28: {  	s2 =	sld [smem:$0x3FA1]  }
0x29: {  	s4 =	sld [smem:$0x3FA3]  }
0x2a: {  	p0 =	seq.s32 s5, $0x0;
	s5 =	sld [smem:$0x3FA4]  }
0x2b: {  	s6 =	sld [smem:$0x3FA5]  }
0x2c: {  	s7 =	sld [smem:$0x3FA6]  }
0x2d: {  	s3 =	simm.s32 $0x108;
	s8 =	sld [smem:$0x3FA7]  }
0x2e: {  	s3 =	simm.s32 @!p0 $0x1082;
	s9 =	sld [smem:$0x3FA8]  }
0x2f: {  	lr =	sadd.s32 s0, s3;
	s0 =	sld [smem:$0x3F9F]  }
0x30: {  	s3 =	sld [smem:$0x3FA2]  }
0x31: {  	[smem:$0x3FAB] =	sst s10  }
0x32: {  	s10 =	sld [smem:$0x3FA9];
	_ =	sdelay $0x3  }
0x33: {  	p0 =	seq.s32 s10, $0x1;
	s10 =	sld [smem:$0x3FAB];
	_ =	sdelay $0x3  }
0x34: {  	[smem:$0x3FAB] =	sst s10  }
0x35: {  	s10 =	sld [smem:$0x3FAA];
	_ =	sdelay $0x3  }
0x36: {  	p1 =	seq.s32 s10, $0x1;
	s10 =	sld [smem:$0x3FAB];
	_ =	sdelay $0x3  }
0x37: {  	[smem:$0x3FAB] =	sst s10  }
0x38: {  	s10 =	sld [smem:$0x3FAC]  }
0x39: {  	_ = 	snop;
	(pc) =	sbr.ind lr, $3  }
0x3a: {  	_ = 	snop  }
0x3b: {  	_ = 	snop  }
0x3c: {  	p2 =	seq.s32 s10, $0x1;
	s10 =	sld [smem:$0x3FAB]  }
0x3d: {  	_ =	shalt  }
0x3e: {  	_ =	shalt  }
0x3f: {  	_ =	shalt  }
0x40: {  	_ =	shalt  }
0x41: {  	_ =	shalt  }
0x42: {  	_ =	shalt  }
0x43: {  	_ =	shalt  }
0x44: {  	_ =	shalt  }
0x45: {  	_ =	shalt  }
0x46: {  	_ =	shalt  }
0x47: {  	_ =	shalt  }
0x48: {  	_ =	shalt  }
0x49: {  	_ =	shalt  }
0x4a: {  	_ =	shalt  }
0x4b: {  	_ =	shalt  }
0x4c: {  	_ =	shalt  }
0x4d: {  	_ =	shalt  }
0x4e: {  	_ =	shalt  }
0x4f: {  	_ =	shalt  }
0x50: {  	_ =	shalt  }
0x51: {  	_ =	shalt  }
0x52: {  	_ =	shalt  }
0x53: {  	_ =	shalt  }
0x54: {  	_ =	shalt  }
0x55: {  	_ =	shalt  }
0x56: {  	_ =	shalt  }
0x57: {  	_ =	shalt  }
0x58: {  	_ =	shalt  }
0x59: {  	_ =	shalt  }
0x5a: {  	_ =	shalt  }
0x5b: {  	_ =	shalt  }
0x5c: {  	_ =	shalt  }
0x5d: {  	_ =	shalt  }
0x5e: {  	_ =	shalt  }
0x5f: {  	_ =	shalt  }
0x60: {  	_ =	shalt  }
0x61: {  	_ =	shalt  }
0x62: {  	_ =	shalt  }
0x63: {  	_ =	shalt  }
0x64: {  	_ =	shalt  }
0x65: {  	_ =	shalt  }
0x66: {  	_ =	shalt  }
0x67: {  	_ =	shalt  }
0x68: {  	_ =	shalt  }
0x69: {  	_ =	shalt  }
0x6a: {  	_ =	shalt  }
0x6b: {  	_ =	shalt  }
0x6c: {  	_ =	shalt  }
0x6d: {  	_ =	shalt  }
0x6e: {  	_ =	shalt  }
0x6f: {  	_ =	shalt  }
0x70: {  	_ =	shalt  }
0x71: {  	_ =	shalt  }
0x72: {  	_ =	shalt  }
0x73: {  	_ =	shalt  }
0x74: {  	_ =	shalt  }
0x75: {  	_ =	shalt  }
0x76: {  	_ =	shalt  }
0x77: {  	_ =	shalt  }
0x78: {  	_ =	shalt  }
0x79: {  	_ =	shalt  }
0x7a: {  	_ =	shalt  }
0x7b: {  	_ =	shalt  }
0x7c: {  	_ =	shalt  }
0x7d: {  	_ =	shalt  }
0x7e: {  	_ =	shalt  }
0x7f: {  	_ =	shalt  }
0x80: {  	_ =	shalt  }
0x81: {  	_ =	shalt  }
0x82: {  	_ =	shalt  }
0x83: {  	_ =	shalt  }
0x84: {  	_ =	shalt  }
0x85: {  	_ =	shalt  }
0x86: {  	_ =	shalt  }
0x87: {  	_ =	shalt  }
.Lfunc_end0:
.L_simem_size_0:
called_computation.1_lowered:
.L_overlay_start_0:
0x88: {  	s2 =	sld [smem:$0x3FD9]  }
0x89: {  	s3 =	sld [smem:$0x3FFE];
	_ =	sdelay $0x1  }
0x8a: {  	s1 =	srdreg.scid  }
0x8b: {  	s0 =	sand.u32 $0x1, s1  }
0x8c: {  	s16 =	sshll.u32 s0, $0xA;
	s2 =	sadd.s32 s3, s2  }
0x8d: {  	s2 =	sadd.s32 s2, s16  }
0x8e: {  	[smem:$0x3FB7] =	sst s2  }
0x8f: {  	_ = 	snop  }
0x90: {  	(tm) =	ssettm $0x1  }
0x91: {  	s17 =	sld [smem:$0x3FFB];
	_ =	sdelay $0x3  }
0x92: {  	_ =	strace s17  }
0x93: {  	s2 =	sld [smem:$0x3FFC];
	_ =	sdelay $0x3  }
0x94: {  	_ =	strace s2  }
0x95: {  	s2 =	sld [smem:$0x3FFD];
	_ =	sdelay $0x3  }
0x96: {  	_ =	strace s2  }
0x97: {  	_ =	strace $0x8FFFFFFF  }
0x98: {  	s18 =	sld [smem:$0x3FDB];
	_ =	sdelay $0x1  }
0x99: {  	s19 =	simm.s32 $_scs_section_size  }
0x9a: {  	s4 =	simm.s32 $_size__tile_overlayer_lowered;
	s5 =	simm.s32 $_tile_overlayer_lowered  }
0x9b: {  	s22 =	simm.s32 $0x1BFF;
	s21 =	sshll.u32 s5, $0x1;
	s2 =	sadd.s32 s19, s18  }
0x9c: {  	s6 =	simm.s32 $0x0;
	s20 =	sshll.u32 s4, $0x1;
	s4 =	sadd.s32 s21, s2  }
0x9d: {  	[timem:s6], [sflag:s22] =	dma.local [hbm:s4], s20  }
0x9e: {  	_ =	swait.ge [sflag:s22], s20  }
0x9f: {  	s3 =	ssub.s32 $0x0, s20;
	[sflag:s22] =	ssyncset.done $0x0  }
0xa0: {  	[sflag:s22] =	ssyncadd.s32 s3;
	_ =	sdelay $0x1  }
0xa1: {  	s23 =	simm.s32 $0x1B8B  }
0xa2: {  	_ =	swait.ge [sflag:s23], $0x1  }
0xa3: {  	[sflag:s23] =	ssyncset.done $0x0  }
0xa4: {  	s25 =	simm.s32 $0x1B8E;
	s24 =	sld [smem:$0x3FFE];
	[sflag:s23] =	ssyncadd.s32 $0xFFFFFFFF  }
0xa5: {  	s26 =	simm.s32 $execute0_lowered;
	[smem:$0x3FD2] =	sst s25  }
0xa6: {  	s4 =	sshll.u32 s26, $0x1;
	_ =	strace $0x80000049;
	[dreg:$0x1] =	wrdreg $0xFFFFFFFF  }
0xa7: {  	s28 =	simm.s32 $_size_execute0_lowered;
	s2 =	sadd.s32 s2, s4;
	[dreg:$0x0] =	wrdreg $0x0  }
0xa8: {  	s4 =	sshll.u32 s28, $0x1;
	[dreg:$0x2] =	wrdreg s2  }
0xa9: {  	[dreg:$0x3] =	wrdreg s4  }
0xaa: {  	[dreg:$0x4] =	wrdreg $0xC0  }
0xab: {  	_ =	task [dreg:s6], $0x5FFFF  }
0xac: {  	[dreg:$0x1] =	wrdreg $0xFFFFFFFF  }
0xad: {  	[dreg:$0x0] =	wrdreg $0x60  }
0xae: {  	[dreg:$0x2] =	wrdreg s24  }
0xaf: {  	[dreg:$0x3] =	wrdreg $0xC3000  }
0xb0: {  	[dreg:$0x4] =	wrdreg $0x9  }
0xb1: {  	_ =	task.clear_ibuf [dreg:s6], $0x5FFFF;
	_ =	strace $0x90000049  }
0xb2: {  	s29 =	simm.s32 $0x9;
	_ =	strace $0x8000004B  }
0xb3: {  	_ =	swait.ge [sflag:s29], $0x1  }
0xb4: {  	[sflag:s29] =	ssyncadd.s32 $0xFFFFFFFF  }
0xb5: {  	_ =	strace $0x9000004B  }
0xb6: {  	_ =	sfence  }
0xb7: {  	s30 =	sld [smem:$0x0];
	_ =	sdelay $0x2  }
0xb8: {  	s31 =	sshll.u32 s1, $0xD;
	s1 =	sshrl.u32 s1, $0x2  }
0xb9: {  	s3 =	sand.u32 $0x4000, s31;
	s1 =	sadd.s32 s1, s30  }
0xba: {  	s0 =	sor.u32 s3, s0;
	s1 =	sshll.u32 s1, $0x11  }
0xbb: {  	s0 =	sor.u32 s1, s0  }
0xbc: {  	s0 =	sadd.s32 $0x8F2B, s0  }
0xbd: {  	[sflag:s0] =	ssyncadd.remote.s32 $0x1  }
0xbe: {  	_ =	sfence.sel $0xFFFF  }
0xbf: {  	[dreg:$0x0] =	wrdreg $0xFFFFFFFF;
	(pc) =	sbr.abs _section_cstart, $3  }
0xc0: {  	[dreg:$0x1] =	wrdreg $0xFFFFFFFF  }
0xc1: {  	_ =	task.clear_ibuf [dreg:s6], $0x2FFFF;
	_ =	strace $0x9FFFFFFF  }
0xc2: {  	(tm) =	ssettm $0x7FFFFFFF  }
0xc3: {  	_ =	shalt  }
tec
execute0_lowered:
.L_overlay_start_1:
0x0: {  	(tag) =	ssettag $0x1  }
0x1: {  	s0 =	rddreg [dreg:$0x0]  }
0x2: {  	s1 =	rddreg [dreg:$0x1];
	s2 =	simm.s32 $0x0  }
0x3: {  	s3 =	srdreg.scid;
	s13 =	stileid.u32;
	s28 =	simm.s32 $0x7  }
0x4: {  	s29 =	simm.s32 $0x80;
	s30 =	simm.s32 $0x100;
	s31 =	simm.s32 $0x4100  }
0x5: {  	[smem:$0x7FF] =	sst s2;
	s3 =	sand.u32 $0x1, s3;
	s8 =	smul.u32 $0x4F000, s13  }
0x6: {  	s4 =	sadd.s32 $0x17800, s0;
	s5 =	sadd.s32 $0x3C00, s0;
	s11 =	smul.u32 $0x2780, s13  }
0x7: {  	s12 =	sadd.s32 $0x3EA00, s0;
	s17 =	smul.u32 $0x2710, s13;
	p0 =	seq.s32 s13, $0xF  }
0x8: {  	_ =	strace $0x8000004A;
	s6 =	sshll.u32 s3, $0x4;
	s14 =	smul.u32 $0x27100, s3  }
0x9: {  	s9 =	ssub.s32 $0x2, s3;
	s3 =	smul.u32 $0x138800, s3;
	s7 =	sor.u32 s13, s6  }
0xa: {  	s6 =	sadd.s32 $0xDA00, s0;
	s10 =	sshrl.u32 s9, $0x1;
	s8 =	sshrl.u32 s8, $0x2  }
0xb: {  	s22 =	sadd.s32 s4, s11;
	s0 =	sadd.s32 $0x3C880, s0;
	s13 =	simm.s32 $0x5  }
0xc: {  	s7 =	smul.u32 $0x2710, s7;
	s9 =	ssub.s32 s9, s10;
	[dreg:$0x4] =	wrdreg s22  }
0xd: {  	s8 =	sadd.s32 s8, s1;
	[dreg:$0x5] =	wrdreg s0;
	s20 =	sadd.s32 s11, s14  }
0xe: {  	s19 =	sshrl.u32 s3, $0x3;
	[dreg:$0x3] =	wrdreg s8;
	s3 =	sadd.s32 s12, s20  }
0xf: {  	s22 =	smax.u32 s9, $0x1;
	s23 =	sshrl.u32 s7, $0x3;
	[dreg:$0xe] =	wrdreg s3  }
0x10: {  	s11 =	simm.s32 $0x8300;
	[dreg:$0x10] =	wrdreg s22;
	s7 =	sadd.s32 s5, s23  }
0x11: {  	s24 =	sadd.s32 s6, s23;
	s25 =	sadd.s32 $0x10, s23;
	[dreg:$0x6] =	wrdreg s7  }
0x12: {  	s8 =	simm.s32 $0x8280;
	[dreg:$0x7] =	wrdreg s24;
	s26 =	sadd.s32 s5, s25  }
0x13: {  	s10 =	sadd.s32 $0x20, s23;
	s7 =	sadd.s32 s6, s25;
	[dreg:$0x8] =	wrdreg s26  }
0x14: {  	s9 =	simm.s32 $0x1;
	s15 =	sadd.s32 s5, s10;
	[dreg:$0x9] =	wrdreg s7  }
0x15: {  	s0 =	sadd.s32 $0x4E0, s23;
	s16 =	sadd.s32 s6, s10;
	[dreg:$0xa] =	wrdreg s15  }
0x16: {  	s3 =	simm.s32 $0x4200;
	s18 =	sadd.s32 s5, s0;
	[dreg:$0xb] =	wrdreg s16  }
0x17: {  	s0 =	sadd.s32 s6, s0;
	s10 =	simm.s32 $0x6;
	[dreg:$0xc] =	wrdreg s18  }
0x18: {  	[dreg:$0xd] =	wrdreg s0;
	s0 =	sadd.s32 s12, s19;
	s7 =	sadd.s32 s17, s14  }
0x19: {  	s26 =	sadd.s32 $0x128400, s1;
	s12 =	simm.s32 $0x3;
	s17 =	simm.s32 $0x2  }
0x1a: {  	s18 =	simm.s32 $0x4;
	s19 =	simm.s32 $0x0;
	s0 =	sadd.s32 $0x25080, s0  }
.Ltmp0:
0x1b: {  	s21 =	sadd.s32 $0x280, s7;
	s23 =	sadd.s32 $0x200, s7;
	(pc) =	sbr.rel .LBB2_1-.Ltmp0, $4  }
0x1c: {  	s25 =	sadd.s32 $0x180, s7;
	[dreg:$0x12] =	wrdreg s26;
	s7 =	simm.s32 $0x8200  }
0x1d: {  	[dreg:$0xf] =	wrdreg s0;
	s0 =	sshrl.u32 s21, $0x3;
	s24 =	sshrl.u32 s23, $0x3  }
0x1e: {  	[dreg:$0x11] =	wrdreg s25;
	s21 =	sadd.s32 s0, s6;
	s22 =	sadd.s32 s0, s5  }
0x1f: {  	s23 =	sadd.s32 s24, s6;
	s24 =	sadd.s32 s24, s5;
	s0 =	simm.s32 $0x4180  }
.LBB2_4:
0x20: {  	_ =	swait.ge [sflag:s13], $0x4000  }
0x21: {  	[sflag:s13] =	ssyncset.done $0x0  }
0x22: {  	[sflag:s13] =	ssyncadd.s32 $0xFFFFC000  }
0x23: {  	[spmem:s1] =	stream.indirect.scatter.add.f32 [tilespmem:s11], [sflag:$0x7], $0x80, s8, s29, $0xb8;
	[tilespmem:$0x1FC80] =	vst v63  }
0x24: {  	_ =	swait.ge [sflag:s28], $0x4000  }
0x25: {  	[sflag:s28] =	ssyncset.done $0x0  }
0x26: {  	s15 =	simm.s32 $0x1FB80;
	s14 =	rddreg [dreg:$0xc];
	[sflag:s28] =	ssyncadd.s32 $0xFFFFC000  }
0x27: {  	[tilespmem:s15], [sflag:$0x7] =	stream.linear.gather [hbm4b:s14+s2], $0x10, $0x38;
	[tilespmem:$0x1FC80] =	vst v63  }
0x28: {  	_ =	swait.ge [sflag:s28], $0x10  }
0x29: {  	[sflag:s28] =	ssyncset.done $0x0  }
0x2a: {  	s16 =	simm.s32 $0x1FC00;
	s20 =	rddreg [dreg:$0xd];
	[sflag:s28] =	ssyncadd.s32 $0xFFFFFFF0  }
0x2b: {  	[tilespmem:s16], [sflag:$0x7] =	stream.linear.gather [hbm4b:s20+s2], $0x10, $0x38;
	[tilespmem:$0x1FC80] =	vst v63  }
0x2c: {  	_ =	swait.ge [sflag:s28], $0x10  }
0x2d: {  	[sflag:s28] =	ssyncset.done $0x0  }
0x2e: {  	s25 =	simm.s32 $0x10;
	[sflag:s28] =	ssyncadd.s32 $0xFFFFFFF0  }
0x2f: {  	[tilespmem:s30], [sflag:$0x1] =	stream.indirect.gather [hbm4b:s4+s25], $0x80, s15, s25, $0xb8;
	[tilespmem:$0x1FC80] =	vst v63  }
0x30: {  	_ =	swait.ge [sflag:s9], $0x800  }
0x31: {  	[sflag:s9] =	ssyncset.done $0x0  }
0x32: {  	[sflag:s9] =	ssyncadd.s32 $0xFFFFF800  }
0x33: {  	[spmem:s1] =	stream.indirect.scatter.add.f32 [tilespmem:s30], [sflag:$0x7], $0x80, s16, s25, $0xb8;
	[tilespmem:$0x1FC80] =	vst v63  }
0x34: {  	_ =	swait.ge [sflag:s28], $0x800  }
0x35: {  	[sflag:s28] =	ssyncset.done $0x0  }
0x36: {  	[sflag:s28] =	ssyncadd.s32 $0xFFFFF800  }
0x37: {  	[bflag:$0x0] =	sbarrier.arrive $0xFFFF  }
0x38: {  	s15 =	rddreg [dreg:$0xf]  }
0x39: {  	s14 =	simm.s32 @p0 $0x1FC7;
	s16 =	rddreg [dreg:$0x13]  }
0x3a: {  	[hbm:s15], [sflag:s14] =	dma.local @p0 [spmem:s16], $0x2080  }
0x3b: {  	s14 =	simm.s32 @p0 $0x7  }
0x3c: {  	_ =	swait.ge @p0 [sflag:s14], $0x2080  }
0x3d: {  	[sflag:s14] =	ssyncset.done @p0 $0x0;
	s15 =	rddreg [dreg:$0x14]  }
0x3e: {  	[sflag:s14] =	ssyncadd.s32 @p0 $0xFFFFDF80;
	s14 =	rddreg [dreg:$0xe]  }
0x3f: {  	[hbm:s14], [sflag:s15] =	dma.local @!p0 [spmem:s26], $0x2780  }
0x40: {  	s14 =	simm.s32 @!p0 $0x7  }
0x41: {  	_ =	swait.ge @!p0 [sflag:s14], $0x2780  }
0x42: {  	s19 =	sadd.s32 $0x1, s19;
	s26 =	rddreg [dreg:$0x10]  }
0x43: {  	p1 =	sne.s32 s19, s26  }
.Ltmp1:
0x44: {  	_ = 	snop;
	(pc) =	sbr.rel @!p1 .LBB2_5-.Ltmp1, $3  }
0x45: {  	_ =	sdelay $0x1  }
0x46: {  	[sflag:s14] =	ssyncset.done @!p0 $0x0  }
0x47: {  	[sflag:s14] =	ssyncadd.s32 @!p0 $0xFFFFD880  }
.LBB2_1:
0x48: {  	s14 =	rddreg [dreg:$0x12]  }
0x49: {  	s15 =	rddreg [dreg:$0x5];
	s16 =	sshrl.u32 @p0 s14, $0x3  }
0x4a: {  	s14 =	simm.s32 @p0 $0x1FC7;
	[dreg:$0x13] =	wrdreg s16  }
0x4b: {  	[spmem:s16], [sflag:s14] =	dma.local @p0 [hbm:s15], $0x2080  }
0x4c: {  	s14 =	simm.s32 @p0 $0x7  }
0x4d: {  	s15 =	stileid.u32;
	_ =	swait.ge @p0 [sflag:s14], $0x2080  }
0x4e: {  	s15 =	sshll.u32 @!p0 s15, $0x6;
	[sflag:s14] =	ssyncset.done @p0 $0x0  }
0x4f: {  	s15 =	sor.u32 @!p0 $0x1C07, s15;
	[sflag:s14] =	ssyncadd.s32 @p0 $0xFFFFDF80;
	s14 =	rddreg [dreg:$0x3]  }
0x50: {  	[dreg:$0x14] =	wrdreg s15  }
0x51: {  	s26 =	sshrl.u32 @!p0 s14, $0x3;
	s14 =	rddreg [dreg:$0x4]  }
0x52: {  	[spmem:s26], [sflag:s15] =	dma.local @!p0 [hbm:s14], $0x2780  }
0x53: {  	s14 =	simm.s32 @!p0 $0x7  }
0x54: {  	_ =	swait.ge @!p0 [sflag:s14], $0x2780  }
0x55: {  	[sflag:s14] =	ssyncset.done @!p0 $0x0  }
0x56: {  	[sflag:s14] =	ssyncadd.s32 @!p0 $0xFFFFD880  }
0x57: {  	[bflag:$0x0] =	sbarrier.arrive $0xFFFF  }
0x58: {  	s20 =	rddreg [dreg:$0x6]  }
0x59: {  	[tilespmem:s2], [sflag:$0x7] =	stream.linear.gather [hbm4b:s20+s2], $0x80, $0x38;
	[tilespmem:$0x1FC80] =	vst v63  }
0x5a: {  	_ =	swait.ge [sflag:s28], $0x80  }
0x5b: {  	[sflag:s28] =	ssyncset.done $0x0  }
0x5c: {  	s25 =	rddreg [dreg:$0x7];
	[sflag:s28] =	ssyncadd.s32 $0xFFFFFF80  }
0x5d: {  	[tilespmem:s29], [sflag:$0x7] =	stream.linear.gather [hbm4b:s25+s2], $0x80, $0x38;
	[tilespmem:$0x1FC80] =	vst v63  }
0x5e: {  	_ =	swait.ge [sflag:s28], $0x80  }
0x5f: {  	[sflag:s28] =	ssyncset.done $0x0  }
0x60: {  	[sflag:s28] =	ssyncadd.s32 $0xFFFFFF80  }
0x61: {  	[tilespmem:s30], [sflag:$0x1] =	stream.indirect.gather [hbm4b:s4+s29], $0x80, s2, s29, $0xb8;
	[tilespmem:$0x1FC80] =	vst v63  }
0x62: {  	s15 =	rddreg [dreg:$0x8]  }
0x63: {  	[tilespmem:s31], [sflag:$0x7] =	stream.linear.gather [hbm4b:s15+s2], $0x80, $0x38;
	[tilespmem:$0x1FC80] =	vst v63  }
0x64: {  	_ =	swait.ge [sflag:s28], $0x80  }
0x65: {  	[sflag:s28] =	ssyncset.done $0x0  }
0x66: {  	s16 =	rddreg [dreg:$0x9];
	[sflag:s28] =	ssyncadd.s32 $0xFFFFFF80  }
0x67: {  	[tilespmem:s0], [sflag:$0x7] =	stream.linear.gather [hbm4b:s16+s2], $0x80, $0x38;
	[tilespmem:$0x1FC80] =	vst v63  }
0x68: {  	_ =	swait.ge [sflag:s28], $0x80  }
0x69: {  	[sflag:s28] =	ssyncset.done $0x0  }
0x6a: {  	s20 =	rddreg [dreg:$0xa];
	[sflag:s28] =	ssyncadd.s32 $0xFFFFFF80  }
0x6b: {  	[tilespmem:s3], [sflag:$0x3] =	stream.indirect.gather [hbm4b:s4+s29], $0x80, s31, s29, $0xb8;
	[tilespmem:$0x1FC80] =	vst v63  }
0x6c: {  	s25 =	rddreg [dreg:$0xb]  }
0x6d: {  	[tilespmem:s7], [sflag:$0x6] =	stream.linear.gather [hbm4b:s20+s2], $0x80, $0x38;
	[tilespmem:$0x1FC80] =	vst v63  }
0x6e: {  	s15 =	simm.s32 $0x0;
	s14 =	rddreg [dreg:$0x11]  }
0x6f: {  	[tilespmem:s8], [sflag:$0x6] =	stream.linear.gather [hbm4b:s25+s2], $0x80, $0x38;
	[tilespmem:$0x1FC80] =	vst v63  }
.LBB2_2:
0x70: {  	_ =	swait.ge [sflag:s9], $0x4000  }
0x71: {  	[sflag:s9] =	ssyncset.done $0x0  }
0x72: {  	[sflag:s9] =	ssyncadd.s32 $0xFFFFC000  }
0x73: {  	[spmem:s1] =	stream.indirect.scatter.add.f32 [tilespmem:s30], [sflag:$0x7], $0x80, s29, s29, $0xb8;
	[tilespmem:$0x1FC80] =	vst v63  }
0x74: {  	p1 =	seq.s32 s15, $0x4B0;
	_ =	swait.ge [sflag:s28], $0x4000  }
0x75: {  	s16 =	sshrl.u32 @!p1 s14, $0x3;
	[sflag:s28] =	ssyncset.done $0x0  }
0x76: {  	s25 =	simm.s32 @!p1 $0x0;
	s20 =	sadd.s32 @!p1 s5, s16;
	[sflag:s28] =	ssyncadd.s32 $0xFFFFC000  }
0x77: {  	[tilespmem:s25], [sflag:$0x2] =	stream.linear.gather @!p1 [hbm4b:s20+s25], $0x80, $0x38;
	[tilespmem:$0x1FC80] =	vst v63  }
0x78: {  	s16 =	sadd.s32 @!p1 s6, s16;
	s20 =	simm.s32 @!p1 $0x80  }
0x79: {  	[tilespmem:s20], [sflag:$0x2] =	stream.linear.gather @!p1 [hbm4b:s16+s25], $0x80, $0x38;
	[tilespmem:$0x1FC80] =	vst v63  }
0x7a: {  	_ =	swait.ge [sflag:s10], $0x80  }
0x7b: {  	[sflag:s10] =	ssyncset.done $0x0  }
0x7c: {  	[sflag:s10] =	ssyncadd.s32 $0xFFFFFF80  }
0x7d: {  	_ =	swait.ge [sflag:s10], $0x80  }
0x7e: {  	[sflag:s10] =	ssyncset.done $0x0  }
0x7f: {  	[sflag:s10] =	ssyncadd.s32 $0xFFFFFF80  }
0x80: {  	[tilespmem:s11], [sflag:$0x5] =	stream.indirect.gather [hbm4b:s4+s29], $0x80, s7, s29, $0xb8;
	[tilespmem:$0x1FC80] =	vst v63  }
0x81: {  	_ =	swait.ge [sflag:s12], $0x4000  }
0x82: {  	[sflag:s12] =	ssyncset.done $0x0  }
.Ltmp2:
0x83: {  	[sflag:s12] =	ssyncadd.s32 $0xFFFFC000;
	(pc) =	sbr.rel @p1 .LBB2_4-.Ltmp2, $4  }
0x84: {  	[spmem:s1] =	stream.indirect.scatter.add.f32 [tilespmem:s3], [sflag:$0x7], $0x80, s0, s29, $0xb8;
	[tilespmem:$0x1FC80] =	vst v63  }
0x85: {  	_ =	swait.ge [sflag:s28], $0x4000  }
0x86: {  	[sflag:s28] =	ssyncset.done $0x0  }
0x87: {  	[sflag:s28] =	ssyncadd.s32 $0xFFFFC000  }
0x88: {  	s16 =	sadd.s32 s15, s24  }
0x89: {  	[tilespmem:s31], [sflag:$0x4] =	stream.linear.gather [hbm4b:s16+s2], $0x80, $0x38;
	[tilespmem:$0x1FC80] =	vst v63  }
0x8a: {  	s25 =	sadd.s32 s15, s23  }
0x8b: {  	[tilespmem:s0], [sflag:$0x4] =	stream.linear.gather [hbm4b:s25+s2], $0x80, $0x38;
	[tilespmem:$0x1FC80] =	vst v63  }
0x8c: {  	_ =	swait.ge [sflag:s17], $0x80  }
0x8d: {  	[sflag:s17] =	ssyncset.done $0x0  }
0x8e: {  	[sflag:s17] =	ssyncadd.s32 $0xFFFFFF80  }
0x8f: {  	_ =	swait.ge [sflag:s17], $0x80  }
0x90: {  	[sflag:s17] =	ssyncset.done $0x0  }
0x91: {  	[sflag:s17] =	ssyncadd.s32 $0xFFFFFF80  }
0x92: {  	[tilespmem:s30], [sflag:$0x1] =	stream.indirect.gather [hbm4b:s4+s29], $0x80, s2, s29, $0xb8;
	[tilespmem:$0x1FC80] =	vst v63  }
0x93: {  	_ =	swait.ge [sflag:s13], $0x4000  }
0x94: {  	[sflag:s13] =	ssyncset.done $0x0  }
0x95: {  	[sflag:s13] =	ssyncadd.s32 $0xFFFFC000  }
0x96: {  	[spmem:s1] =	stream.indirect.scatter.add.f32 [tilespmem:s11], [sflag:$0x7], $0x80, s8, s29, $0xb8;
	[tilespmem:$0x1FC80] =	vst v63  }
0x97: {  	_ =	swait.ge [sflag:s28], $0x4000  }
0x98: {  	[sflag:s28] =	ssyncset.done $0x0  }
0x99: {  	s20 =	sadd.s32 s15, s22;
	[sflag:s28] =	ssyncadd.s32 $0xFFFFC000  }
0x9a: {  	[tilespmem:s7], [sflag:$0x6] =	stream.linear.gather [hbm4b:s20+s2], $0x80, $0x38;
	[tilespmem:$0x1FC80] =	vst v63  }
0x9b: {  	s25 =	sadd.s32 s15, s21  }
0x9c: {  	[tilespmem:s8], [sflag:$0x6] =	stream.linear.gather [hbm4b:s25+s2], $0x80, $0x38;
	[tilespmem:$0x1FC80] =	vst v63  }
0x9d: {  	_ =	swait.ge [sflag:s18], $0x80  }
0x9e: {  	[sflag:s18] =	ssyncset.done $0x0  }
.Ltmp3:
0x9f: {  	[sflag:s18] =	ssyncadd.s32 $0xFFFFFF80;
	(pc) =	sbr.rel .LBB2_2-.Ltmp3, $4  }
0xa0: {  	_ =	swait.ge [sflag:s18], $0x80  }
0xa1: {  	[sflag:s18] =	ssyncset.done $0x0  }
0xa2: {  	s14 =	sadd.s32 $0x180, s14;
	s15 =	sadd.s32 $0x30, s15;
	[sflag:s18] =	ssyncadd.s32 $0xFFFFFF80  }
0xa3: {  	[tilespmem:s3], [sflag:$0x3] =	stream.indirect.gather [hbm4b:s4+s29], $0x80, s31, s29, $0xb8;
	[tilespmem:$0x1FC80] =	vst v63  }
.LBB2_5:
0xa4: {  	_ =	sfence.sel $0x180000  }
0xa5: {  	[bflag:$0x0] =	sbarrier.arrive $0xFFFF  }
0xa6: {  	_ =	strace $0x9000004A  }
0xa7: {  	s0 =	stileid.u32;
	[bflag:$0x2] =	sbarrier.arrive $0xFFFF  }
0xa8: {  	p0 =	sne.s32 s0, $0x0;
	s0 =	rddreg [dreg:$0x2]  }
0xa9: {  	s0 =	sadd.s32 @!p0 $0x100000, s0  }
0xaa: {  	[sflag:s0] =	ssyncadd.tile.s32 @!p0 $0x1;
	_ =	shalt  }
.Lfunc_end2:
_tile_overlayer_lowered:
.L_overlay_start_2:
0xab: {  	(tag) =	ssettag $0x2  }
0xac: {  	s0 =	rddreg [dreg:$0x0];
	s2 =	stileid.u32  }
0xad: {  	s1 =	rddreg [dreg:$0x1];
	p0 =	sne.s32 s2, $0x0  }
0xae: {  	s3 =	rddreg [dreg:$0x2];
	[bflag:$0x3] =	sbarrier.arrive $0xFFFF;
	s2 =	simm.s32 @!p0 $0x1C07  }
0xaf: {  	[timem:s3], [sflag:s2] =	dma.local @!p0 [hbm:s0], s1  }
0xb0: {  	s0 =	simm.s32 @!p0 $0x7  }
0xb1: {  	_ =	swait.ge @!p0 [sflag:s0], s1  }
0xb2: {  	s1 =	ssub.s32 @!p0 $0x0, s1;
	[sflag:s0] =	ssyncset.done @!p0 $0x0  }
0xb3: {  	[sflag:s0] =	ssyncadd.s32 @!p0 s1  }
0xb4: {  	[bflag:$0x3] =	sbarrier.arrive $0xFFFF  }
0xb5: {  	_ =	shalt  }

// kernel: kernel.16.cloned.1.call-start
scs
__scs_entry_jumppad:
0x0: {  	(pc) =	sbr.rel $0x88, $3  }
0x1: {  	(tag) =	ssettag $0x0;
	lr =	simm.s32 $0x1  }
0x2: {  	[smem:$0x3F90] =	sst lr;
	_ =	strace $0xD0000000  }
0x3: {  	_ = 	snop  }
0x4: {  	_ = 	snop  }
0x5: {  	_ = 	snop  }
0x6: {  	_ = 	snop  }
0x7: {  	_ = 	snop  }
__scs_overlays_trampoline_lowered:
0x8: {  	[smem:$0x3F9F] =	sst s0  }
0x9: {  	[smem:$0x3FA0] =	sst s1  }
0xa: {  	[smem:$0x3FA1] =	sst s2  }
0xb: {  	[smem:$0x3FA2] =	sst s3  }
0xc: {  	[smem:$0x3FA3] =	sst s4  }
0xd: {  	[smem:$0x3FA4] =	sst s5  }
0xe: {  	[smem:$0x3FA5] =	sst s6  }
0xf: {  	[smem:$0x3FA6] =	sst s7  }
0x10: {  	[smem:$0x3FA7] =	sst s8  }
0x11: {  	[smem:$0x3FA8] =	sst s9;
	s0 =	simm.s32 @!p0 $0x0  }
0x12: {  	s1 =	sld [smem:$0x3F8E];
	s0 =	simm.s32 @p0 $0x1  }
0x13: {  	[smem:$0x3FA9] =	sst s0;
	s0 =	simm.s32 @!p1 $0x0  }
0x14: {  	s2 =	sld [smem:$0x3F8D];
	s0 =	simm.s32 @p1 $0x1  }
0x15: {  	[smem:$0x3FAA] =	sst s0;
	s0 =	simm.s32 @!p2 $0x0  }
0x16: {  	s3 =	sld [smem:$0x3FDB];
	s0 =	simm.s32 @p2 $0x1  }
0x17: {  	s4 =	simm.s32 $0x1BF5;
	[smem:$0x3FAC] =	sst s0  }
0x18: {  	s0 =	sld [smem:$0x3F8F];
	_ =	swait.ge [sflag:s4], $0x0  }
0x19: {  	s7 =	sld [smem:$0x3F90]  }
0x1a: {  	s8 =	sadd.s32 $0xFFFFE003, lr  }
0x1b: {  	s9 =	sadd.s32 $0xFFFFFEF7, lr;
	s5 =	simm.s32 $0xFFFFFFFF;
	p2 =	slt.u32 s8, $0xFFFFF086  }
0x1c: {  	p1 =	slt.u32 s9, $0xF7A;
	s5 =	simm.s32 @!p2 $0x0  }
0x1d: {  	s5 =	simm.s32 @p1 $0x1;
	p0 =	seq.s32 s7, s2  }
0x1e: {  	s7 =	smul.u32 @!p0 $0xF7A, s2;
	p2 =	seq.s32 @!p0 s5, $0x0  }
0x1f: {  	s9 =	smul.u32 $0xF7A, s1;
	s8 =	simm.s32 @!p0 $0x1BF5;
	p2 =	por !p2, p0  }
0x20: {  	[sflag:s8] =	ssyncset.s32 @!p0 $0xFFFFF086;
	s6 =	sadd.s32 @!p0 s3, s7;
	s7 =	simm.s32 @!p0 $0x108  }
0x21: {  	s3 =	sadd.s32 s3, s9;
	s6 =	sadd.s32 @!p0 $0x88, s6;
	s7 =	simm.s32 @p2 $0x1082  }
0x22: {  	[simem:s7], [sflag:s8] =	dma.local @!p0 [hbm:s6], $0xF7A  }
0x23: {  	s9 =	sor.u32 $0xD0000000, s2;
	s6 =	simm.s32 $0x108;
	_ =	swait.ge @!p0 [sflag:s8], $0x0  }
0x24: {  	s3 =	sadd.s32 $0x88, s3;
	s6 =	simm.s32 @!p1 $0x1082;
	[sflag:s4] =	ssyncset.s32 $0xFFFFF086  }
0x25: {  	[simem:s6], [sflag:s4] =	dma.local [hbm:s3], $0xF7A  }
0x26: {  	[smem:$0x3F90] =	sst s1;
	(tag) =	ssettag s2;
	_ =	strace s9  }
0x27: {  	s1 =	sld [smem:$0x3FA0]  }
0x28: {  	s2 =	sld [smem:$0x3FA1]  }
0x29: {  	s4 =	sld [smem:$0x3FA3]  }
0x2a: {  	p0 =	seq.s32 s5, $0x0;
	s5 =	sld [smem:$0x3FA4]  }
0x2b: {  	s6 =	sld [smem:$0x3FA5]  }
0x2c: {  	s7 =	sld [smem:$0x3FA6]  }
0x2d: {  	s3 =	simm.s32 $0x108;
	s8 =	sld [smem:$0x3FA7]  }
0x2e: {  	s3 =	simm.s32 @!p0 $0x1082;
	s9 =	sld [smem:$0x3FA8]  }
0x2f: {  	lr =	sadd.s32 s0, s3;
	s0 =	sld [smem:$0x3F9F]  }
0x30: {  	s3 =	sld [smem:$0x3FA2]  }
0x31: {  	[smem:$0x3FAB] =	sst s10  }
0x32: {  	s10 =	sld [smem:$0x3FA9];
	_ =	sdelay $0x3  }
0x33: {  	p0 =	seq.s32 s10, $0x1;
	s10 =	sld [smem:$0x3FAB];
	_ =	sdelay $0x3  }
0x34: {  	[smem:$0x3FAB] =	sst s10  }
0x35: {  	s10 =	sld [smem:$0x3FAA];
	_ =	sdelay $0x3  }
0x36: {  	p1 =	seq.s32 s10, $0x1;
	s10 =	sld [smem:$0x3FAB];
	_ =	sdelay $0x3  }
0x37: {  	[smem:$0x3FAB] =	sst s10  }
0x38: {  	s10 =	sld [smem:$0x3FAC]  }
0x39: {  	_ = 	snop;
	(pc) =	sbr.ind lr, $3  }
0x3a: {  	_ = 	snop  }
0x3b: {  	_ = 	snop  }
0x3c: {  	p2 =	seq.s32 s10, $0x1;
	s10 =	sld [smem:$0x3FAB]  }
0x3d: {  	_ =	shalt  }
0x3e: {  	_ =	shalt  }
0x3f: {  	_ =	shalt  }
0x40: {  	_ =	shalt  }
0x41: {  	_ =	shalt  }
0x42: {  	_ =	shalt  }
0x43: {  	_ =	shalt  }
0x44: {  	_ =	shalt  }
0x45: {  	_ =	shalt  }
0x46: {  	_ =	shalt  }
0x47: {  	_ =	shalt  }
0x48: {  	_ =	shalt  }
0x49: {  	_ =	shalt  }
0x4a: {  	_ =	shalt  }
0x4b: {  	_ =	shalt  }
0x4c: {  	_ =	shalt  }
0x4d: {  	_ =	shalt  }
0x4e: {  	_ =	shalt  }
0x4f: {  	_ =	shalt  }
0x50: {  	_ =	shalt  }
0x51: {  	_ =	shalt  }
0x52: {  	_ =	shalt  }
0x53: {  	_ =	shalt  }
0x54: {  	_ =	shalt  }
0x55: {  	_ =	shalt  }
0x56: {  	_ =	shalt  }
0x57: {  	_ =	shalt  }
0x58: {  	_ =	shalt  }
0x59: {  	_ =	shalt  }
0x5a: {  	_ =	shalt  }
0x5b: {  	_ =	shalt  }
0x5c: {  	_ =	shalt  }
0x5d: {  	_ =	shalt  }
0x5e: {  	_ =	shalt  }
0x5f: {  	_ =	shalt  }
0x60: {  	_ =	shalt  }
0x61: {  	_ =	shalt  }
0x62: {  	_ =	shalt  }
0x63: {  	_ =	shalt  }
0x64: {  	_ =	shalt  }
0x65: {  	_ =	shalt  }
0x66: {  	_ =	shalt  }
0x67: {  	_ =	shalt  }
0x68: {  	_ =	shalt  }
0x69: {  	_ =	shalt  }
0x6a: {  	_ =	shalt  }
0x6b: {  	_ =	shalt  }
0x6c: {  	_ =	shalt  }
0x6d: {  	_ =	shalt  }
0x6e: {  	_ =	shalt  }
0x6f: {  	_ =	shalt  }
0x70: {  	_ =	shalt  }
0x71: {  	_ =	shalt  }
0x72: {  	_ =	shalt  }
0x73: {  	_ =	shalt  }
0x74: {  	_ =	shalt  }
0x75: {  	_ =	shalt  }
0x76: {  	_ =	shalt  }
0x77: {  	_ =	shalt  }
0x78: {  	_ =	shalt  }
0x79: {  	_ =	shalt  }
0x7a: {  	_ =	shalt  }
0x7b: {  	_ =	shalt  }
0x7c: {  	_ =	shalt  }
0x7d: {  	_ =	shalt  }
0x7e: {  	_ =	shalt  }
0x7f: {  	_ =	shalt  }
0x80: {  	_ =	shalt  }
0x81: {  	_ =	shalt  }
0x82: {  	_ =	shalt  }
0x83: {  	_ =	shalt  }
0x84: {  	_ =	shalt  }
0x85: {  	_ =	shalt  }
0x86: {  	_ =	shalt  }
0x87: {  	_ =	shalt  }
.Lfunc_end0:
.L_simem_size_0:
called_computation.2_lowered:
.L_overlay_start_0:
0x88: {  	s2 =	sld [smem:$0x3FD9]  }
0x89: {  	s3 =	sld [smem:$0x3FFE];
	_ =	sdelay $0x1  }
0x8a: {  	s1 =	srdreg.scid  }
0x8b: {  	s0 =	sand.u32 $0x1, s1  }
0x8c: {  	s16 =	sshll.u32 s0, $0xA;
	s2 =	sadd.s32 s3, s2  }
0x8d: {  	s2 =	sadd.s32 s2, s16  }
0x8e: {  	[smem:$0x3FB7] =	sst s2  }
0x8f: {  	_ = 	snop  }
0x90: {  	(tm) =	ssettm $0x1  }
0x91: {  	s17 =	sld [smem:$0x3FFB];
	_ =	sdelay $0x3  }
0x92: {  	_ =	strace s17  }
0x93: {  	s2 =	sld [smem:$0x3FFC];
	_ =	sdelay $0x3  }
0x94: {  	_ =	strace s2  }
0x95: {  	s2 =	sld [smem:$0x3FFD];
	_ =	sdelay $0x3  }
0x96: {  	_ =	strace s2  }
0x97: {  	_ =	strace $0x8FFFFFFF  }
0x98: {  	s18 =	sld [smem:$0x3FDB];
	_ =	sdelay $0x1  }
0x99: {  	s19 =	simm.s32 $_scs_section_size  }
0x9a: {  	s4 =	simm.s32 $_size__tile_overlayer_lowered;
	s5 =	simm.s32 $_tile_overlayer_lowered  }
0x9b: {  	s22 =	simm.s32 $0x1BFF;
	s21 =	sshll.u32 s5, $0x1;
	s2 =	sadd.s32 s19, s18  }
0x9c: {  	s6 =	simm.s32 $0x0;
	s20 =	sshll.u32 s4, $0x1;
	s4 =	sadd.s32 s21, s2  }
0x9d: {  	[timem:s6], [sflag:s22] =	dma.local [hbm:s4], s20  }
0x9e: {  	_ =	swait.ge [sflag:s22], s20  }
0x9f: {  	s3 =	ssub.s32 $0x0, s20;
	[sflag:s22] =	ssyncset.done $0x0  }
0xa0: {  	[sflag:s22] =	ssyncadd.s32 s3;
	_ =	sdelay $0x1  }
0xa1: {  	s23 =	simm.s32 $0x1B8B  }
0xa2: {  	_ =	swait.ge [sflag:s23], $0x1  }
0xa3: {  	[sflag:s23] =	ssyncset.done $0x0  }
0xa4: {  	s25 =	simm.s32 $0x1B8E;
	s24 =	sld [smem:$0x3FFE];
	[sflag:s23] =	ssyncadd.s32 $0xFFFFFFFF  }
0xa5: {  	s26 =	simm.s32 $execute0_lowered;
	[smem:$0x3FD2] =	sst s25  }
0xa6: {  	s4 =	sshll.u32 s26, $0x1;
	_ =	strace $0x8000004C;
	[dreg:$0x1] =	wrdreg $0xFFFFFFFF  }
0xa7: {  	s28 =	simm.s32 $_size_execute0_lowered;
	s2 =	sadd.s32 s2, s4;
	[dreg:$0x0] =	wrdreg $0x0  }
0xa8: {  	s4 =	sshll.u32 s28, $0x1;
	[dreg:$0x2] =	wrdreg s2  }
0xa9: {  	[dreg:$0x3] =	wrdreg s4  }
0xaa: {  	[dreg:$0x4] =	wrdreg $0xC0  }
0xab: {  	_ =	task [dreg:s6], $0x5FFFF  }
0xac: {  	[dreg:$0x1] =	wrdreg $0xFFFFFFFF  }
0xad: {  	[dreg:$0x0] =	wrdreg $0x60  }
0xae: {  	[dreg:$0x2] =	wrdreg s24  }
0xaf: {  	[dreg:$0x3] =	wrdreg $0xC3000  }
0xb0: {  	[dreg:$0x4] =	wrdreg $0x9  }
0xb1: {  	_ =	task.clear_ibuf [dreg:s6], $0x5FFFF;
	_ =	strace $0x9000004C  }
0xb2: {  	s29 =	simm.s32 $0x9;
	_ =	strace $0x8000004E  }
0xb3: {  	_ =	swait.ge [sflag:s29], $0x1  }
0xb4: {  	[sflag:s29] =	ssyncadd.s32 $0xFFFFFFFF  }
0xb5: {  	_ =	strace $0x9000004E  }
0xb6: {  	_ =	sfence  }
0xb7: {  	s30 =	sld [smem:$0x0];
	_ =	sdelay $0x2  }
0xb8: {  	s31 =	sshll.u32 s1, $0xD;
	s1 =	sshrl.u32 s1, $0x2  }
0xb9: {  	s3 =	sand.u32 $0x4000, s31;
	s1 =	sadd.s32 s1, s30  }
0xba: {  	s0 =	sor.u32 s3, s0;
	s1 =	sshll.u32 s1, $0x11  }
0xbb: {  	s0 =	sor.u32 s1, s0  }
0xbc: {  	s0 =	sadd.s32 $0x8F2B, s0  }
0xbd: {  	[sflag:s0] =	ssyncadd.remote.s32 $0x1  }
0xbe: {  	_ =	sfence.sel $0xFFFF  }
0xbf: {  	[dreg:$0x0] =	wrdreg $0xFFFFFFFF;
	(pc) =	sbr.abs _section_cstart, $3  }
0xc0: {  	[dreg:$0x1] =	wrdreg $0xFFFFFFFF  }
0xc1: {  	_ =	task.clear_ibuf [dreg:s6], $0x2FFFF;
	_ =	strace $0x9FFFFFFF  }
0xc2: {  	(tm) =	ssettm $0x7FFFFFFF  }
0xc3: {  	_ =	shalt  }
tec
execute0_lowered:
.L_overlay_start_1:
0x0: {  	(tag) =	ssettag $0x1  }
0x1: {  	s0 =	rddreg [dreg:$0x0]  }
0x2: {  	s1 =	rddreg [dreg:$0x1];
	s2 =	simm.s32 $0x0  }
0x3: {  	s3 =	srdreg.scid;
	s13 =	stileid.u32;
	s28 =	simm.s32 $0x7  }
0x4: {  	s29 =	simm.s32 $0x80;
	s30 =	simm.s32 $0x100;
	s31 =	simm.s32 $0x4100  }
0x5: {  	[smem:$0x7FF] =	sst s2;
	s3 =	sand.u32 $0x1, s3;
	s8 =	smul.u32 $0x4F000, s13  }
0x6: {  	s4 =	sadd.s32 $0x17800, s0;
	s5 =	sadd.s32 $0x3C00, s0;
	s11 =	smul.u32 $0x2780, s13  }
0x7: {  	s12 =	sadd.s32 $0x3EA00, s0;
	s17 =	smul.u32 $0x2710, s13;
	p0 =	seq.s32 s13, $0xF  }
0x8: {  	_ =	strace $0x8000004D;
	s6 =	sshll.u32 s3, $0x4;
	s14 =	smul.u32 $0x27100, s3  }
0x9: {  	s9 =	ssub.s32 $0x2, s3;
	s3 =	smul.u32 $0x138800, s3;
	s7 =	sor.u32 s13, s6  }
0xa: {  	s6 =	sadd.s32 $0xDA00, s0;
	s10 =	sshrl.u32 s9, $0x1;
	s8 =	sshrl.u32 s8, $0x2  }
0xb: {  	s22 =	sadd.s32 s4, s11;
	s0 =	sadd.s32 $0x3C880, s0;
	s13 =	simm.s32 $0x5  }
0xc: {  	s7 =	smul.u32 $0x2710, s7;
	s9 =	ssub.s32 s9, s10;
	[dreg:$0x4] =	wrdreg s22  }
0xd: {  	s8 =	sadd.s32 s8, s1;
	[dreg:$0x5] =	wrdreg s0;
	s20 =	sadd.s32 s11, s14  }
0xe: {  	s19 =	sshrl.u32 s3, $0x3;
	[dreg:$0x3] =	wrdreg s8;
	s3 =	sadd.s32 s12, s20  }
0xf: {  	s22 =	smax.u32 s9, $0x1;
	s23 =	sshrl.u32 s7, $0x3;
	[dreg:$0xe] =	wrdreg s3  }
0x10: {  	s11 =	simm.s32 $0x8300;
	[dreg:$0x10] =	wrdreg s22;
	s7 =	sadd.s32 s5, s23  }
0x11: {  	s24 =	sadd.s32 s6, s23;
	s25 =	sadd.s32 $0x10, s23;
	[dreg:$0x6] =	wrdreg s7  }
0x12: {  	s8 =	simm.s32 $0x8280;
	[dreg:$0x7] =	wrdreg s24;
	s26 =	sadd.s32 s5, s25  }
0x13: {  	s10 =	sadd.s32 $0x20, s23;
	s7 =	sadd.s32 s6, s25;
	[dreg:$0x8] =	wrdreg s26  }
0x14: {  	s9 =	simm.s32 $0x1;
	s15 =	sadd.s32 s5, s10;
	[dreg:$0x9] =	wrdreg s7  }
0x15: {  	s0 =	sadd.s32 $0x4E0, s23;
	s16 =	sadd.s32 s6, s10;
	[dreg:$0xa] =	wrdreg s15  }
0x16: {  	s3 =	simm.s32 $0x4200;
	s18 =	sadd.s32 s5, s0;
	[dreg:$0xb] =	wrdreg s16  }
0x17: {  	s0 =	sadd.s32 s6, s0;
	s10 =	simm.s32 $0x6;
	[dreg:$0xc] =	wrdreg s18  }
0x18: {  	[dreg:$0xd] =	wrdreg s0;
	s0 =	sadd.s32 s12, s19;
	s7 =	sadd.s32 s17, s14  }
0x19: {  	s26 =	sadd.s32 $0x128400, s1;
	s12 =	simm.s32 $0x3;
	s17 =	simm.s32 $0x2  }
0x1a: {  	s18 =	simm.s32 $0x4;
	s19 =	simm.s32 $0x0;
	s0 =	sadd.s32 $0x25080, s0  }
.Ltmp0:
0x1b: {  	s21 =	sadd.s32 $0x280, s7;
	s23 =	sadd.s32 $0x200, s7;
	(pc) =	sbr.rel .LBB2_1-.Ltmp0, $4  }
0x1c: {  	s25 =	sadd.s32 $0x180, s7;
	[dreg:$0x12] =	wrdreg s26;
	s7 =	simm.s32 $0x8200  }
0x1d: {  	[dreg:$0xf] =	wrdreg s0;
	s0 =	sshrl.u32 s21, $0x3;
	s24 =	sshrl.u32 s23, $0x3  }
0x1e: {  	[dreg:$0x11] =	wrdreg s25;
	s21 =	sadd.s32 s0, s6;
	s22 =	sadd.s32 s0, s5  }
0x1f: {  	s23 =	sadd.s32 s24, s6;
	s24 =	sadd.s32 s24, s5;
	s0 =	simm.s32 $0x4180  }
.LBB2_4:
0x20: {  	_ =	swait.ge [sflag:s13], $0x4000  }
0x21: {  	[sflag:s13] =	ssyncset.done $0x0  }
0x22: {  	[sflag:s13] =	ssyncadd.s32 $0xFFFFC000  }
0x23: {  	[spmem:s1] =	stream.indirect.scatter.add.f32 [tilespmem:s11], [sflag:$0x7], $0x80, s8, s29, $0xb8;
	[tilespmem:$0x1FC80] =	vst v63  }
0x24: {  	_ =	swait.ge [sflag:s28], $0x4000  }
0x25: {  	[sflag:s28] =	ssyncset.done $0x0  }
0x26: {  	s15 =	simm.s32 $0x1FB80;
	s14 =	rddreg [dreg:$0xc];
	[sflag:s28] =	ssyncadd.s32 $0xFFFFC000  }
0x27: {  	[tilespmem:s15], [sflag:$0x7] =	stream.linear.gather [hbm4b:s14+s2], $0x10, $0x38;
	[tilespmem:$0x1FC80] =	vst v63  }
0x28: {  	_ =	swait.ge [sflag:s28], $0x10  }
0x29: {  	[sflag:s28] =	ssyncset.done $0x0  }
0x2a: {  	s16 =	simm.s32 $0x1FC00;
	s20 =	rddreg [dreg:$0xd];
	[sflag:s28] =	ssyncadd.s32 $0xFFFFFFF0  }
0x2b: {  	[tilespmem:s16], [sflag:$0x7] =	stream.linear.gather [hbm4b:s20+s2], $0x10, $0x38;
	[tilespmem:$0x1FC80] =	vst v63  }
0x2c: {  	_ =	swait.ge [sflag:s28], $0x10  }
0x2d: {  	[sflag:s28] =	ssyncset.done $0x0  }
0x2e: {  	s25 =	simm.s32 $0x10;
	[sflag:s28] =	ssyncadd.s32 $0xFFFFFFF0  }
0x2f: {  	[tilespmem:s30], [sflag:$0x1] =	stream.indirect.gather [hbm4b:s4+s25], $0x80, s15, s25, $0xb8;
	[tilespmem:$0x1FC80] =	vst v63  }
0x30: {  	_ =	swait.ge [sflag:s9], $0x800  }
0x31: {  	[sflag:s9] =	ssyncset.done $0x0  }
0x32: {  	[sflag:s9] =	ssyncadd.s32 $0xFFFFF800  }
0x33: {  	[spmem:s1] =	stream.indirect.scatter.add.f32 [tilespmem:s30], [sflag:$0x7], $0x80, s16, s25, $0xb8;
	[tilespmem:$0x1FC80] =	vst v63  }
0x34: {  	_ =	swait.ge [sflag:s28], $0x800  }
0x35: {  	[sflag:s28] =	ssyncset.done $0x0  }
0x36: {  	[sflag:s28] =	ssyncadd.s32 $0xFFFFF800  }
0x37: {  	[bflag:$0x0] =	sbarrier.arrive $0xFFFF  }
0x38: {  	s15 =	rddreg [dreg:$0xf]  }
0x39: {  	s14 =	simm.s32 @p0 $0x1FC7;
	s16 =	rddreg [dreg:$0x13]  }
0x3a: {  	[hbm:s15], [sflag:s14] =	dma.local @p0 [spmem:s16], $0x2080  }
0x3b: {  	s14 =	simm.s32 @p0 $0x7  }
0x3c: {  	_ =	swait.ge @p0 [sflag:s14], $0x2080  }
0x3d: {  	[sflag:s14] =	ssyncset.done @p0 $0x0;
	s15 =	rddreg [dreg:$0x14]  }
0x3e: {  	[sflag:s14] =	ssyncadd.s32 @p0 $0xFFFFDF80;
	s14 =	rddreg [dreg:$0xe]  }
0x3f: {  	[hbm:s14], [sflag:s15] =	dma.local @!p0 [spmem:s26], $0x2780  }
0x40: {  	s14 =	simm.s32 @!p0 $0x7  }
0x41: {  	_ =	swait.ge @!p0 [sflag:s14], $0x2780  }
0x42: {  	s19 =	sadd.s32 $0x1, s19;
	s26 =	rddreg [dreg:$0x10]  }
0x43: {  	p1 =	sne.s32 s19, s26  }
.Ltmp1:
0x44: {  	_ = 	snop;
	(pc) =	sbr.rel @!p1 .LBB2_5-.Ltmp1, $3  }
0x45: {  	_ =	sdelay $0x1  }
0x46: {  	[sflag:s14] =	ssyncset.done @!p0 $0x0  }
0x47: {  	[sflag:s14] =	ssyncadd.s32 @!p0 $0xFFFFD880  }
.LBB2_1:
0x48: {  	s14 =	rddreg [dreg:$0x12]  }
0x49: {  	s15 =	rddreg [dreg:$0x5];
	s16 =	sshrl.u32 @p0 s14, $0x3  }
0x4a: {  	s14 =	simm.s32 @p0 $0x1FC7;
	[dreg:$0x13] =	wrdreg s16  }
0x4b: {  	[spmem:s16], [sflag:s14] =	dma.local @p0 [hbm:s15], $0x2080  }
0x4c: {  	s14 =	simm.s32 @p0 $0x7  }
0x4d: {  	s15 =	stileid.u32;
	_ =	swait.ge @p0 [sflag:s14], $0x2080  }
0x4e: {  	s15 =	sshll.u32 @!p0 s15, $0x6;
	[sflag:s14] =	ssyncset.done @p0 $0x0  }
0x4f: {  	s15 =	sor.u32 @!p0 $0x1C07, s15;
	[sflag:s14] =	ssyncadd.s32 @p0 $0xFFFFDF80;
	s14 =	rddreg [dreg:$0x3]  }
0x50: {  	[dreg:$0x14] =	wrdreg s15  }
0x51: {  	s26 =	sshrl.u32 @!p0 s14, $0x3;
	s14 =	rddreg [dreg:$0x4]  }
0x52: {  	[spmem:s26], [sflag:s15] =	dma.local @!p0 [hbm:s14], $0x2780  }
0x53: {  	s14 =	simm.s32 @!p0 $0x7  }
0x54: {  	_ =	swait.ge @!p0 [sflag:s14], $0x2780  }
0x55: {  	[sflag:s14] =	ssyncset.done @!p0 $0x0  }
0x56: {  	[sflag:s14] =	ssyncadd.s32 @!p0 $0xFFFFD880  }
0x57: {  	[bflag:$0x0] =	sbarrier.arrive $0xFFFF  }
0x58: {  	s20 =	rddreg [dreg:$0x6]  }
0x59: {  	[tilespmem:s2], [sflag:$0x7] =	stream.linear.gather [hbm4b:s20+s2], $0x80, $0x38;
	[tilespmem:$0x1FC80] =	vst v63  }
0x5a: {  	_ =	swait.ge [sflag:s28], $0x80  }
0x5b: {  	[sflag:s28] =	ssyncset.done $0x0  }
0x5c: {  	s25 =	rddreg [dreg:$0x7];
	[sflag:s28] =	ssyncadd.s32 $0xFFFFFF80  }
0x5d: {  	[tilespmem:s29], [sflag:$0x7] =	stream.linear.gather [hbm4b:s25+s2], $0x80, $0x38;
	[tilespmem:$0x1FC80] =	vst v63  }
0x5e: {  	_ =	swait.ge [sflag:s28], $0x80  }
0x5f: {  	[sflag:s28] =	ssyncset.done $0x0  }
0x60: {  	[sflag:s28] =	ssyncadd.s32 $0xFFFFFF80  }
0x61: {  	[tilespmem:s30], [sflag:$0x1] =	stream.indirect.gather [hbm4b:s4+s29], $0x80, s2, s29, $0xb8;
	[tilespmem:$0x1FC80] =	vst v63  }
0x62: {  	s15 =	rddreg [dreg:$0x8]  }
0x63: {  	[tilespmem:s31], [sflag:$0x7] =	stream.linear.gather [hbm4b:s15+s2], $0x80, $0x38;
	[tilespmem:$0x1FC80] =	vst v63  }
0x64: {  	_ =	swait.ge [sflag:s28], $0x80  }
0x65: {  	[sflag:s28] =	ssyncset.done $0x0  }
0x66: {  	s16 =	rddreg [dreg:$0x9];
	[sflag:s28] =	ssyncadd.s32 $0xFFFFFF80  }
0x67: {  	[tilespmem:s0], [sflag:$0x7] =	stream.linear.gather [hbm4b:s16+s2], $0x80, $0x38;
	[tilespmem:$0x1FC80] =	vst v63  }
0x68: {  	_ =	swait.ge [sflag:s28], $0x80  }
0x69: {  	[sflag:s28] =	ssyncset.done $0x0  }
0x6a: {  	s20 =	rddreg [dreg:$0xa];
	[sflag:s28] =	ssyncadd.s32 $0xFFFFFF80  }
0x6b: {  	[tilespmem:s3], [sflag:$0x3] =	stream.indirect.gather [hbm4b:s4+s29], $0x80, s31, s29, $0xb8;
	[tilespmem:$0x1FC80] =	vst v63  }
0x6c: {  	s25 =	rddreg [dreg:$0xb]  }
0x6d: {  	[tilespmem:s7], [sflag:$0x6] =	stream.linear.gather [hbm4b:s20+s2], $0x80, $0x38;
	[tilespmem:$0x1FC80] =	vst v63  }
0x6e: {  	s15 =	simm.s32 $0x0;
	s14 =	rddreg [dreg:$0x11]  }
0x6f: {  	[tilespmem:s8], [sflag:$0x6] =	stream.linear.gather [hbm4b:s25+s2], $0x80, $0x38;
	[tilespmem:$0x1FC80] =	vst v63  }
.LBB2_2:
0x70: {  	_ =	swait.ge [sflag:s9], $0x4000  }
0x71: {  	[sflag:s9] =	ssyncset.done $0x0  }
0x72: {  	[sflag:s9] =	ssyncadd.s32 $0xFFFFC000  }
0x73: {  	[spmem:s1] =	stream.indirect.scatter.add.f32 [tilespmem:s30], [sflag:$0x7], $0x80, s29, s29, $0xb8;
	[tilespmem:$0x1FC80] =	vst v63  }
0x74: {  	p1 =	seq.s32 s15, $0x4B0;
	_ =	swait.ge [sflag:s28], $0x4000  }
0x75: {  	s16 =	sshrl.u32 @!p1 s14, $0x3;
	[sflag:s28] =	ssyncset.done $0x0  }
0x76: {  	s25 =	simm.s32 @!p1 $0x0;
	s20 =	sadd.s32 @!p1 s5, s16;
	[sflag:s28] =	ssyncadd.s32 $0xFFFFC000  }
0x77: {  	[tilespmem:s25], [sflag:$0x2] =	stream.linear.gather @!p1 [hbm4b:s20+s25], $0x80, $0x38;
	[tilespmem:$0x1FC80] =	vst v63  }
0x78: {  	s16 =	sadd.s32 @!p1 s6, s16;
	s20 =	simm.s32 @!p1 $0x80  }
0x79: {  	[tilespmem:s20], [sflag:$0x2] =	stream.linear.gather @!p1 [hbm4b:s16+s25], $0x80, $0x38;
	[tilespmem:$0x1FC80] =	vst v63  }
0x7a: {  	_ =	swait.ge [sflag:s10], $0x80  }
0x7b: {  	[sflag:s10] =	ssyncset.done $0x0  }
0x7c: {  	[sflag:s10] =	ssyncadd.s32 $0xFFFFFF80  }
0x7d: {  	_ =	swait.ge [sflag:s10], $0x80  }
0x7e: {  	[sflag:s10] =	ssyncset.done $0x0  }
0x7f: {  	[sflag:s10] =	ssyncadd.s32 $0xFFFFFF80  }
0x80: {  	[tilespmem:s11], [sflag:$0x5] =	stream.indirect.gather [hbm4b:s4+s29], $0x80, s7, s29, $0xb8;
	[tilespmem:$0x1FC80] =	vst v63  }
0x81: {  	_ =	swait.ge [sflag:s12], $0x4000  }
0x82: {  	[sflag:s12] =	ssyncset.done $0x0  }
.Ltmp2:
0x83: {  	[sflag:s12] =	ssyncadd.s32 $0xFFFFC000;
	(pc) =	sbr.rel @p1 .LBB2_4-.Ltmp2, $4  }
0x84: {  	[spmem:s1] =	stream.indirect.scatter.add.f32 [tilespmem:s3], [sflag:$0x7], $0x80, s0, s29, $0xb8;
	[tilespmem:$0x1FC80] =	vst v63  }
0x85: {  	_ =	swait.ge [sflag:s28], $0x4000  }
0x86: {  	[sflag:s28] =	ssyncset.done $0x0  }
0x87: {  	[sflag:s28] =	ssyncadd.s32 $0xFFFFC000  }
0x88: {  	s16 =	sadd.s32 s15, s24  }
0x89: {  	[tilespmem:s31], [sflag:$0x4] =	stream.linear.gather [hbm4b:s16+s2], $0x80, $0x38;
	[tilespmem:$0x1FC80] =	vst v63  }
0x8a: {  	s25 =	sadd.s32 s15, s23  }
0x8b: {  	[tilespmem:s0], [sflag:$0x4] =	stream.linear.gather [hbm4b:s25+s2], $0x80, $0x38;
	[tilespmem:$0x1FC80] =	vst v63  }
0x8c: {  	_ =	swait.ge [sflag:s17], $0x80  }
0x8d: {  	[sflag:s17] =	ssyncset.done $0x0  }
0x8e: {  	[sflag:s17] =	ssyncadd.s32 $0xFFFFFF80  }
0x8f: {  	_ =	swait.ge [sflag:s17], $0x80  }
0x90: {  	[sflag:s17] =	ssyncset.done $0x0  }
0x91: {  	[sflag:s17] =	ssyncadd.s32 $0xFFFFFF80  }
0x92: {  	[tilespmem:s30], [sflag:$0x1] =	stream.indirect.gather [hbm4b:s4+s29], $0x80, s2, s29, $0xb8;
	[tilespmem:$0x1FC80] =	vst v63  }
0x93: {  	_ =	swait.ge [sflag:s13], $0x4000  }
0x94: {  	[sflag:s13] =	ssyncset.done $0x0  }
0x95: {  	[sflag:s13] =	ssyncadd.s32 $0xFFFFC000  }
0x96: {  	[spmem:s1] =	stream.indirect.scatter.add.f32 [tilespmem:s11], [sflag:$0x7], $0x80, s8, s29, $0xb8;
	[tilespmem:$0x1FC80] =	vst v63  }
0x97: {  	_ =	swait.ge [sflag:s28], $0x4000  }
0x98: {  	[sflag:s28] =	ssyncset.done $0x0  }
0x99: {  	s20 =	sadd.s32 s15, s22;
	[sflag:s28] =	ssyncadd.s32 $0xFFFFC000  }
0x9a: {  	[tilespmem:s7], [sflag:$0x6] =	stream.linear.gather [hbm4b:s20+s2], $0x80, $0x38;
	[tilespmem:$0x1FC80] =	vst v63  }
0x9b: {  	s25 =	sadd.s32 s15, s21  }
0x9c: {  	[tilespmem:s8], [sflag:$0x6] =	stream.linear.gather [hbm4b:s25+s2], $0x80, $0x38;
	[tilespmem:$0x1FC80] =	vst v63  }
0x9d: {  	_ =	swait.ge [sflag:s18], $0x80  }
0x9e: {  	[sflag:s18] =	ssyncset.done $0x0  }
.Ltmp3:
0x9f: {  	[sflag:s18] =	ssyncadd.s32 $0xFFFFFF80;
	(pc) =	sbr.rel .LBB2_2-.Ltmp3, $4  }
0xa0: {  	_ =	swait.ge [sflag:s18], $0x80  }
0xa1: {  	[sflag:s18] =	ssyncset.done $0x0  }
0xa2: {  	s14 =	sadd.s32 $0x180, s14;
	s15 =	sadd.s32 $0x30, s15;
	[sflag:s18] =	ssyncadd.s32 $0xFFFFFF80  }
0xa3: {  	[tilespmem:s3], [sflag:$0x3] =	stream.indirect.gather [hbm4b:s4+s29], $0x80, s31, s29, $0xb8;
	[tilespmem:$0x1FC80] =	vst v63  }
.LBB2_5:
0xa4: {  	_ =	sfence.sel $0x180000  }
0xa5: {  	[bflag:$0x0] =	sbarrier.arrive $0xFFFF  }
0xa6: {  	_ =	strace $0x9000004D  }
0xa7: {  	s0 =	stileid.u32;
	[bflag:$0x2] =	sbarrier.arrive $0xFFFF  }
0xa8: {  	p0 =	sne.s32 s0, $0x0;
	s0 =	rddreg [dreg:$0x2]  }
0xa9: {  	s0 =	sadd.s32 @!p0 $0x100000, s0  }
0xaa: {  	[sflag:s0] =	ssyncadd.tile.s32 @!p0 $0x1;
	_ =	shalt  }
.Lfunc_end2:
_tile_overlayer_lowered:
.L_overlay_start_2:
0xab: {  	(tag) =	ssettag $0x2  }
0xac: {  	s0 =	rddreg [dreg:$0x0];
	s2 =	stileid.u32  }
0xad: {  	s1 =	rddreg [dreg:$0x1];
	p0 =	sne.s32 s2, $0x0  }
0xae: {  	s3 =	rddreg [dreg:$0x2];
	[bflag:$0x3] =	sbarrier.arrive $0xFFFF;
	s2 =	simm.s32 @!p0 $0x1C07  }
0xaf: {  	[timem:s3], [sflag:s2] =	dma.local @!p0 [hbm:s0], s1  }
0xb0: {  	s0 =	simm.s32 @!p0 $0x7  }
0xb1: {  	_ =	swait.ge @!p0 [sflag:s0], s1  }
0xb2: {  	s1 =	ssub.s32 @!p0 $0x0, s1;
	[sflag:s0] =	ssyncset.done @!p0 $0x0  }
0xb3: {  	[sflag:s0] =	ssyncadd.s32 @!p0 s1  }
0xb4: {  	[bflag:$0x3] =	sbarrier.arrive $0xFFFF  }
0xb5: {  	_ =	shalt  }

// kernel: kernel.19.cloned.1.call-start
scs
__scs_entry_jumppad:
0x0: {  	(pc) =	sbr.rel $0x88, $3  }
0x1: {  	(tag) =	ssettag $0x0;
	lr =	simm.s32 $0x1  }
0x2: {  	[smem:$0x3F90] =	sst lr;
	_ =	strace $0xD0000000  }
0x3: {  	_ = 	snop  }
0x4: {  	_ = 	snop  }
0x5: {  	_ = 	snop  }
0x6: {  	_ = 	snop  }
0x7: {  	_ = 	snop  }
__scs_overlays_trampoline_lowered:
0x8: {  	[smem:$0x3F9F] =	sst s0  }
0x9: {  	[smem:$0x3FA0] =	sst s1  }
0xa: {  	[smem:$0x3FA1] =	sst s2  }
0xb: {  	[smem:$0x3FA2] =	sst s3  }
0xc: {  	[smem:$0x3FA3] =	sst s4  }
0xd: {  	[smem:$0x3FA4] =	sst s5  }
0xe: {  	[smem:$0x3FA5] =	sst s6  }
0xf: {  	[smem:$0x3FA6] =	sst s7  }
0x10: {  	[smem:$0x3FA7] =	sst s8  }
0x11: {  	[smem:$0x3FA8] =	sst s9;
	s0 =	simm.s32 @!p0 $0x0  }
0x12: {  	s1 =	sld [smem:$0x3F8E];
	s0 =	simm.s32 @p0 $0x1  }
0x13: {  	[smem:$0x3FA9] =	sst s0;
	s0 =	simm.s32 @!p1 $0x0  }
0x14: {  	s2 =	sld [smem:$0x3F8D];
	s0 =	simm.s32 @p1 $0x1  }
0x15: {  	[smem:$0x3FAA] =	sst s0;
	s0 =	simm.s32 @!p2 $0x0  }
0x16: {  	s3 =	sld [smem:$0x3FDB];
	s0 =	simm.s32 @p2 $0x1  }
0x17: {  	s4 =	simm.s32 $0x1BF5;
	[smem:$0x3FAC] =	sst s0  }
0x18: {  	s0 =	sld [smem:$0x3F8F];
	_ =	swait.ge [sflag:s4], $0x0  }
0x19: {  	s7 =	sld [smem:$0x3F90]  }
0x1a: {  	s8 =	sadd.s32 $0xFFFFE003, lr  }
0x1b: {  	s9 =	sadd.s32 $0xFFFFFEF7, lr;
	s5 =	simm.s32 $0xFFFFFFFF;
	p2 =	slt.u32 s8, $0xFFFFF086  }
0x1c: {  	p1 =	slt.u32 s9, $0xF7A;
	s5 =	simm.s32 @!p2 $0x0  }
0x1d: {  	s5 =	simm.s32 @p1 $0x1;
	p0 =	seq.s32 s7, s2  }
0x1e: {  	s7 =	smul.u32 @!p0 $0xF7A, s2;
	p2 =	seq.s32 @!p0 s5, $0x0  }
0x1f: {  	s9 =	smul.u32 $0xF7A, s1;
	s8 =	simm.s32 @!p0 $0x1BF5;
	p2 =	por !p2, p0  }
0x20: {  	[sflag:s8] =	ssyncset.s32 @!p0 $0xFFFFF086;
	s6 =	sadd.s32 @!p0 s3, s7;
	s7 =	simm.s32 @!p0 $0x108  }
0x21: {  	s3 =	sadd.s32 s3, s9;
	s6 =	sadd.s32 @!p0 $0x88, s6;
	s7 =	simm.s32 @p2 $0x1082  }
0x22: {  	[simem:s7], [sflag:s8] =	dma.local @!p0 [hbm:s6], $0xF7A  }
0x23: {  	s9 =	sor.u32 $0xD0000000, s2;
	s6 =	simm.s32 $0x108;
	_ =	swait.ge @!p0 [sflag:s8], $0x0  }
0x24: {  	s3 =	sadd.s32 $0x88, s3;
	s6 =	simm.s32 @!p1 $0x1082;
	[sflag:s4] =	ssyncset.s32 $0xFFFFF086  }
0x25: {  	[simem:s6], [sflag:s4] =	dma.local [hbm:s3], $0xF7A  }
0x26: {  	[smem:$0x3F90] =	sst s1;
	(tag) =	ssettag s2;
	_ =	strace s9  }
0x27: {  	s1 =	sld [smem:$0x3FA0]  }
0x28: {  	s2 =	sld [smem:$0x3FA1]  }
0x29: {  	s4 =	sld [smem:$0x3FA3]  }
0x2a: {  	p0 =	seq.s32 s5, $0x0;
	s5 =	sld [smem:$0x3FA4]  }
0x2b: {  	s6 =	sld [smem:$0x3FA5]  }
0x2c: {  	s7 =	sld [smem:$0x3FA6]  }
0x2d: {  	s3 =	simm.s32 $0x108;
	s8 =	sld [smem:$0x3FA7]  }
0x2e: {  	s3 =	simm.s32 @!p0 $0x1082;
	s9 =	sld [smem:$0x3FA8]  }
0x2f: {  	lr =	sadd.s32 s0, s3;
	s0 =	sld [smem:$0x3F9F]  }
0x30: {  	s3 =	sld [smem:$0x3FA2]  }
0x31: {  	[smem:$0x3FAB] =	sst s10  }
0x32: {  	s10 =	sld [smem:$0x3FA9];
	_ =	sdelay $0x3  }
0x33: {  	p0 =	seq.s32 s10, $0x1;
	s10 =	sld [smem:$0x3FAB];
	_ =	sdelay $0x3  }
0x34: {  	[smem:$0x3FAB] =	sst s10  }
0x35: {  	s10 =	sld [smem:$0x3FAA];
	_ =	sdelay $0x3  }
0x36: {  	p1 =	seq.s32 s10, $0x1;
	s10 =	sld [smem:$0x3FAB];
	_ =	sdelay $0x3  }
0x37: {  	[smem:$0x3FAB] =	sst s10  }
0x38: {  	s10 =	sld [smem:$0x3FAC]  }
0x39: {  	_ = 	snop;
	(pc) =	sbr.ind lr, $3  }
0x3a: {  	_ = 	snop  }
0x3b: {  	_ = 	snop  }
0x3c: {  	p2 =	seq.s32 s10, $0x1;
	s10 =	sld [smem:$0x3FAB]  }
0x3d: {  	_ =	shalt  }
0x3e: {  	_ =	shalt  }
0x3f: {  	_ =	shalt  }
0x40: {  	_ =	shalt  }
0x41: {  	_ =	shalt  }
0x42: {  	_ =	shalt  }
0x43: {  	_ =	shalt  }
0x44: {  	_ =	shalt  }
0x45: {  	_ =	shalt  }
0x46: {  	_ =	shalt  }
0x47: {  	_ =	shalt  }
0x48: {  	_ =	shalt  }
0x49: {  	_ =	shalt  }
0x4a: {  	_ =	shalt  }
0x4b: {  	_ =	shalt  }
0x4c: {  	_ =	shalt  }
0x4d: {  	_ =	shalt  }
0x4e: {  	_ =	shalt  }
0x4f: {  	_ =	shalt  }
0x50: {  	_ =	shalt  }
0x51: {  	_ =	shalt  }
0x52: {  	_ =	shalt  }
0x53: {  	_ =	shalt  }
0x54: {  	_ =	shalt  }
0x55: {  	_ =	shalt  }
0x56: {  	_ =	shalt  }
0x57: {  	_ =	shalt  }
0x58: {  	_ =	shalt  }
0x59: {  	_ =	shalt  }
0x5a: {  	_ =	shalt  }
0x5b: {  	_ =	shalt  }
0x5c: {  	_ =	shalt  }
0x5d: {  	_ =	shalt  }
0x5e: {  	_ =	shalt  }
0x5f: {  	_ =	shalt  }
0x60: {  	_ =	shalt  }
0x61: {  	_ =	shalt  }
0x62: {  	_ =	shalt  }
0x63: {  	_ =	shalt  }
0x64: {  	_ =	shalt  }
0x65: {  	_ =	shalt  }
0x66: {  	_ =	shalt  }
0x67: {  	_ =	shalt  }
0x68: {  	_ =	shalt  }
0x69: {  	_ =	shalt  }
0x6a: {  	_ =	shalt  }
0x6b: {  	_ =	shalt  }
0x6c: {  	_ =	shalt  }
0x6d: {  	_ =	shalt  }
0x6e: {  	_ =	shalt  }
0x6f: {  	_ =	shalt  }
0x70: {  	_ =	shalt  }
0x71: {  	_ =	shalt  }
0x72: {  	_ =	shalt  }
0x73: {  	_ =	shalt  }
0x74: {  	_ =	shalt  }
0x75: {  	_ =	shalt  }
0x76: {  	_ =	shalt  }
0x77: {  	_ =	shalt  }
0x78: {  	_ =	shalt  }
0x79: {  	_ =	shalt  }
0x7a: {  	_ =	shalt  }
0x7b: {  	_ =	shalt  }
0x7c: {  	_ =	shalt  }
0x7d: {  	_ =	shalt  }
0x7e: {  	_ =	shalt  }
0x7f: {  	_ =	shalt  }
0x80: {  	_ =	shalt  }
0x81: {  	_ =	shalt  }
0x82: {  	_ =	shalt  }
0x83: {  	_ =	shalt  }
0x84: {  	_ =	shalt  }
0x85: {  	_ =	shalt  }
0x86: {  	_ =	shalt  }
0x87: {  	_ =	shalt  }
.Lfunc_end0:
.L_simem_size_0:
called_computation.3_lowered:
.L_overlay_start_0:
0x88: {  	s2 =	sld [smem:$0x3FD9]  }
0x89: {  	s3 =	sld [smem:$0x3FFE];
	_ =	sdelay $0x1  }
0x8a: {  	s1 =	srdreg.scid  }
0x8b: {  	s0 =	sand.u32 $0x1, s1  }
0x8c: {  	s16 =	sshll.u32 s0, $0xA;
	s2 =	sadd.s32 s3, s2  }
0x8d: {  	s2 =	sadd.s32 s2, s16  }
0x8e: {  	[smem:$0x3FB7] =	sst s2  }
0x8f: {  	_ = 	snop  }
0x90: {  	(tm) =	ssettm $0x1  }
0x91: {  	s17 =	sld [smem:$0x3FFB];
	_ =	sdelay $0x3  }
0x92: {  	_ =	strace s17  }
0x93: {  	s2 =	sld [smem:$0x3FFC];
	_ =	sdelay $0x3  }
0x94: {  	_ =	strace s2  }
0x95: {  	s2 =	sld [smem:$0x3FFD];
	_ =	sdelay $0x3  }
0x96: {  	_ =	strace s2  }
0x97: {  	_ =	strace $0x8FFFFFFF  }
0x98: {  	s18 =	sld [smem:$0x3FDB];
	_ =	sdelay $0x1  }
0x99: {  	s19 =	simm.s32 $_scs_section_size  }
0x9a: {  	s4 =	simm.s32 $_size__tile_overlayer_lowered;
	s5 =	simm.s32 $_tile_overlayer_lowered  }
0x9b: {  	s22 =	simm.s32 $0x1BFF;
	s21 =	sshll.u32 s5, $0x1;
	s2 =	sadd.s32 s19, s18  }
0x9c: {  	s6 =	simm.s32 $0x0;
	s20 =	sshll.u32 s4, $0x1;
	s4 =	sadd.s32 s21, s2  }
0x9d: {  	[timem:s6], [sflag:s22] =	dma.local [hbm:s4], s20  }
0x9e: {  	_ =	swait.ge [sflag:s22], s20  }
0x9f: {  	s3 =	ssub.s32 $0x0, s20;
	[sflag:s22] =	ssyncset.done $0x0  }
0xa0: {  	[sflag:s22] =	ssyncadd.s32 s3;
	_ =	sdelay $0x1  }
0xa1: {  	s23 =	simm.s32 $0x1B8B  }
0xa2: {  	_ =	swait.ge [sflag:s23], $0x1  }
0xa3: {  	[sflag:s23] =	ssyncset.done $0x0  }
0xa4: {  	s25 =	simm.s32 $0x1B8E;
	s24 =	sld [smem:$0x3FFE];
	[sflag:s23] =	ssyncadd.s32 $0xFFFFFFFF  }
0xa5: {  	s26 =	simm.s32 $execute0_lowered;
	[smem:$0x3FD2] =	sst s25  }
0xa6: {  	s4 =	sshll.u32 s26, $0x1;
	_ =	strace $0x8000004F;
	[dreg:$0x1] =	wrdreg $0xFFFFFFFF  }
0xa7: {  	s28 =	simm.s32 $_size_execute0_lowered;
	s2 =	sadd.s32 s2, s4;
	[dreg:$0x0] =	wrdreg $0x0  }
0xa8: {  	s4 =	sshll.u32 s28, $0x1;
	[dreg:$0x2] =	wrdreg s2  }
0xa9: {  	[dreg:$0x3] =	wrdreg s4  }
0xaa: {  	[dreg:$0x4] =	wrdreg $0xC0  }
0xab: {  	_ =	task [dreg:s6], $0x5FFFF  }
0xac: {  	[dreg:$0x1] =	wrdreg $0xFFFFFFFF  }
0xad: {  	[dreg:$0x0] =	wrdreg $0x60  }
0xae: {  	[dreg:$0x2] =	wrdreg s24  }
0xaf: {  	[dreg:$0x3] =	wrdreg $0xC3000  }
0xb0: {  	[dreg:$0x4] =	wrdreg $0x9  }
0xb1: {  	_ =	task.clear_ibuf [dreg:s6], $0x5FFFF;
	_ =	strace $0x9000004F  }
0xb2: {  	s29 =	simm.s32 $0x9;
	_ =	strace $0x80000051  }
0xb3: {  	_ =	swait.ge [sflag:s29], $0x1  }
0xb4: {  	[sflag:s29] =	ssyncadd.s32 $0xFFFFFFFF  }
0xb5: {  	_ =	strace $0x90000051  }
0xb6: {  	_ =	sfence  }
0xb7: {  	s30 =	sld [smem:$0x0];
	_ =	sdelay $0x2  }
0xb8: {  	s31 =	sshll.u32 s1, $0xD;
	s1 =	sshrl.u32 s1, $0x2  }
0xb9: {  	s3 =	sand.u32 $0x4000, s31;
	s1 =	sadd.s32 s1, s30  }
0xba: {  	s0 =	sor.u32 s3, s0;
	s1 =	sshll.u32 s1, $0x11  }
0xbb: {  	s0 =	sor.u32 s1, s0  }
0xbc: {  	s0 =	sadd.s32 $0x8F2B, s0  }
0xbd: {  	[sflag:s0] =	ssyncadd.remote.s32 $0x1  }
0xbe: {  	_ =	sfence.sel $0xFFFF  }
0xbf: {  	[dreg:$0x0] =	wrdreg $0xFFFFFFFF;
	(pc) =	sbr.abs _section_cstart, $3  }
0xc0: {  	[dreg:$0x1] =	wrdreg $0xFFFFFFFF  }
0xc1: {  	_ =	task.clear_ibuf [dreg:s6], $0x2FFFF;
	_ =	strace $0x9FFFFFFF  }
0xc2: {  	(tm) =	ssettm $0x7FFFFFFF  }
0xc3: {  	_ =	shalt  }
tec
execute0_lowered:
.L_overlay_start_1:
0x0: {  	(tag) =	ssettag $0x1  }
0x1: {  	s0 =	rddreg [dreg:$0x0]  }
0x2: {  	s1 =	rddreg [dreg:$0x1];
	s2 =	simm.s32 $0x0  }
0x3: {  	s3 =	srdreg.scid;
	s13 =	stileid.u32;
	s28 =	simm.s32 $0x7  }
0x4: {  	s29 =	simm.s32 $0x80;
	s30 =	simm.s32 $0x100;
	s31 =	simm.s32 $0x4100  }
0x5: {  	[smem:$0x7FF] =	sst s2;
	s3 =	sand.u32 $0x1, s3;
	s8 =	smul.u32 $0x4F000, s13  }
0x6: {  	s4 =	sadd.s32 $0x17800, s0;
	s5 =	sadd.s32 $0x3C00, s0;
	s11 =	smul.u32 $0x2780, s13  }
0x7: {  	s12 =	sadd.s32 $0x3EA00, s0;
	s17 =	smul.u32 $0x2710, s13;
	p0 =	seq.s32 s13, $0xF  }
0x8: {  	_ =	strace $0x80000050;
	s6 =	sshll.u32 s3, $0x4;
	s14 =	smul.u32 $0x27100, s3  }
0x9: {  	s9 =	ssub.s32 $0x2, s3;
	s3 =	smul.u32 $0x138800, s3;
	s7 =	sor.u32 s13, s6  }
0xa: {  	s6 =	sadd.s32 $0xDA00, s0;
	s10 =	sshrl.u32 s9, $0x1;
	s8 =	sshrl.u32 s8, $0x2  }
0xb: {  	s22 =	sadd.s32 s4, s11;
	s0 =	sadd.s32 $0x3C880, s0;
	s13 =	simm.s32 $0x5  }
0xc: {  	s7 =	smul.u32 $0x2710, s7;
	s9 =	ssub.s32 s9, s10;
	[dreg:$0x4] =	wrdreg s22  }
0xd: {  	s8 =	sadd.s32 s8, s1;
	[dreg:$0x5] =	wrdreg s0;
	s20 =	sadd.s32 s11, s14  }
0xe: {  	s19 =	sshrl.u32 s3, $0x3;
	[dreg:$0x3] =	wrdreg s8;
	s3 =	sadd.s32 s12, s20  }
0xf: {  	s22 =	smax.u32 s9, $0x1;
	s23 =	sshrl.u32 s7, $0x3;
	[dreg:$0xe] =	wrdreg s3  }
0x10: {  	s11 =	simm.s32 $0x8300;
	[dreg:$0x10] =	wrdreg s22;
	s7 =	sadd.s32 s5, s23  }
0x11: {  	s24 =	sadd.s32 s6, s23;
	s25 =	sadd.s32 $0x10, s23;
	[dreg:$0x6] =	wrdreg s7  }
0x12: {  	s8 =	simm.s32 $0x8280;
	[dreg:$0x7] =	wrdreg s24;
	s26 =	sadd.s32 s5, s25  }
0x13: {  	s10 =	sadd.s32 $0x20, s23;
	s7 =	sadd.s32 s6, s25;
	[dreg:$0x8] =	wrdreg s26  }
0x14: {  	s9 =	simm.s32 $0x1;
	s15 =	sadd.s32 s5, s10;
	[dreg:$0x9] =	wrdreg s7  }
0x15: {  	s0 =	sadd.s32 $0x4E0, s23;
	s16 =	sadd.s32 s6, s10;
	[dreg:$0xa] =	wrdreg s15  }
0x16: {  	s3 =	simm.s32 $0x4200;
	s18 =	sadd.s32 s5, s0;
	[dreg:$0xb] =	wrdreg s16  }
0x17: {  	s0 =	sadd.s32 s6, s0;
	s10 =	simm.s32 $0x6;
	[dreg:$0xc] =	wrdreg s18  }
0x18: {  	[dreg:$0xd] =	wrdreg s0;
	s0 =	sadd.s32 s12, s19;
	s7 =	sadd.s32 s17, s14  }
0x19: {  	s26 =	sadd.s32 $0x128400, s1;
	s12 =	simm.s32 $0x3;
	s17 =	simm.s32 $0x2  }
0x1a: {  	s18 =	simm.s32 $0x4;
	s19 =	simm.s32 $0x0;
	s0 =	sadd.s32 $0x25080, s0  }
.Ltmp0:
0x1b: {  	s21 =	sadd.s32 $0x280, s7;
	s23 =	sadd.s32 $0x200, s7;
	(pc) =	sbr.rel .LBB2_1-.Ltmp0, $4  }
0x1c: {  	s25 =	sadd.s32 $0x180, s7;
	[dreg:$0x12] =	wrdreg s26;
	s7 =	simm.s32 $0x8200  }
0x1d: {  	[dreg:$0xf] =	wrdreg s0;
	s0 =	sshrl.u32 s21, $0x3;
	s24 =	sshrl.u32 s23, $0x3  }
0x1e: {  	[dreg:$0x11] =	wrdreg s25;
	s21 =	sadd.s32 s0, s6;
	s22 =	sadd.s32 s0, s5  }
0x1f: {  	s23 =	sadd.s32 s24, s6;
	s24 =	sadd.s32 s24, s5;
	s0 =	simm.s32 $0x4180  }
.LBB2_4:
0x20: {  	_ =	swait.ge [sflag:s13], $0x4000  }
0x21: {  	[sflag:s13] =	ssyncset.done $0x0  }
0x22: {  	[sflag:s13] =	ssyncadd.s32 $0xFFFFC000  }
0x23: {  	[spmem:s1] =	stream.indirect.scatter.add.f32 [tilespmem:s11], [sflag:$0x7], $0x80, s8, s29, $0xb8;
	[tilespmem:$0x1FC80] =	vst v63  }
0x24: {  	_ =	swait.ge [sflag:s28], $0x4000  }
0x25: {  	[sflag:s28] =	ssyncset.done $0x0  }
0x26: {  	s15 =	simm.s32 $0x1FB80;
	s14 =	rddreg [dreg:$0xc];
	[sflag:s28] =	ssyncadd.s32 $0xFFFFC000  }
0x27: {  	[tilespmem:s15], [sflag:$0x7] =	stream.linear.gather [hbm4b:s14+s2], $0x10, $0x38;
	[tilespmem:$0x1FC80] =	vst v63  }
0x28: {  	_ =	swait.ge [sflag:s28], $0x10  }
0x29: {  	[sflag:s28] =	ssyncset.done $0x0  }
0x2a: {  	s16 =	simm.s32 $0x1FC00;
	s20 =	rddreg [dreg:$0xd];
	[sflag:s28] =	ssyncadd.s32 $0xFFFFFFF0  }
0x2b: {  	[tilespmem:s16], [sflag:$0x7] =	stream.linear.gather [hbm4b:s20+s2], $0x10, $0x38;
	[tilespmem:$0x1FC80] =	vst v63  }
0x2c: {  	_ =	swait.ge [sflag:s28], $0x10  }
0x2d: {  	[sflag:s28] =	ssyncset.done $0x0  }
0x2e: {  	s25 =	simm.s32 $0x10;
	[sflag:s28] =	ssyncadd.s32 $0xFFFFFFF0  }
0x2f: {  	[tilespmem:s30], [sflag:$0x1] =	stream.indirect.gather [hbm4b:s4+s25], $0x80, s15, s25, $0xb8;
	[tilespmem:$0x1FC80] =	vst v63  }
0x30: {  	_ =	swait.ge [sflag:s9], $0x800  }
0x31: {  	[sflag:s9] =	ssyncset.done $0x0  }
0x32: {  	[sflag:s9] =	ssyncadd.s32 $0xFFFFF800  }
0x33: {  	[spmem:s1] =	stream.indirect.scatter.add.f32 [tilespmem:s30], [sflag:$0x7], $0x80, s16, s25, $0xb8;
	[tilespmem:$0x1FC80] =	vst v63  }
0x34: {  	_ =	swait.ge [sflag:s28], $0x800  }
0x35: {  	[sflag:s28] =	ssyncset.done $0x0  }
0x36: {  	[sflag:s28] =	ssyncadd.s32 $0xFFFFF800  }
0x37: {  	[bflag:$0x0] =	sbarrier.arrive $0xFFFF  }
0x38: {  	s15 =	rddreg [dreg:$0xf]  }
0x39: {  	s14 =	simm.s32 @p0 $0x1FC7;
	s16 =	rddreg [dreg:$0x13]  }
0x3a: {  	[hbm:s15], [sflag:s14] =	dma.local @p0 [spmem:s16], $0x2080  }
0x3b: {  	s14 =	simm.s32 @p0 $0x7  }
0x3c: {  	_ =	swait.ge @p0 [sflag:s14], $0x2080  }
0x3d: {  	[sflag:s14] =	ssyncset.done @p0 $0x0;
	s15 =	rddreg [dreg:$0x14]  }
0x3e: {  	[sflag:s14] =	ssyncadd.s32 @p0 $0xFFFFDF80;
	s14 =	rddreg [dreg:$0xe]  }
0x3f: {  	[hbm:s14], [sflag:s15] =	dma.local @!p0 [spmem:s26], $0x2780  }
0x40: {  	s14 =	simm.s32 @!p0 $0x7  }
0x41: {  	_ =	swait.ge @!p0 [sflag:s14], $0x2780  }
0x42: {  	s19 =	sadd.s32 $0x1, s19;
	s26 =	rddreg [dreg:$0x10]  }
0x43: {  	p1 =	sne.s32 s19, s26  }
.Ltmp1:
0x44: {  	_ = 	snop;
	(pc) =	sbr.rel @!p1 .LBB2_5-.Ltmp1, $3  }
0x45: {  	_ =	sdelay $0x1  }
0x46: {  	[sflag:s14] =	ssyncset.done @!p0 $0x0  }
0x47: {  	[sflag:s14] =	ssyncadd.s32 @!p0 $0xFFFFD880  }
.LBB2_1:
0x48: {  	s14 =	rddreg [dreg:$0x12]  }
0x49: {  	s15 =	rddreg [dreg:$0x5];
	s16 =	sshrl.u32 @p0 s14, $0x3  }
0x4a: {  	s14 =	simm.s32 @p0 $0x1FC7;
	[dreg:$0x13] =	wrdreg s16  }
0x4b: {  	[spmem:s16], [sflag:s14] =	dma.local @p0 [hbm:s15], $0x2080  }
0x4c: {  	s14 =	simm.s32 @p0 $0x7  }
0x4d: {  	s15 =	stileid.u32;
	_ =	swait.ge @p0 [sflag:s14], $0x2080  }
0x4e: {  	s15 =	sshll.u32 @!p0 s15, $0x6;
	[sflag:s14] =	ssyncset.done @p0 $0x0  }
0x4f: {  	s15 =	sor.u32 @!p0 $0x1C07, s15;
	[sflag:s14] =	ssyncadd.s32 @p0 $0xFFFFDF80;
	s14 =	rddreg [dreg:$0x3]  }
0x50: {  	[dreg:$0x14] =	wrdreg s15  }
0x51: {  	s26 =	sshrl.u32 @!p0 s14, $0x3;
	s14 =	rddreg [dreg:$0x4]  }
0x52: {  	[spmem:s26], [sflag:s15] =	dma.local @!p0 [hbm:s14], $0x2780  }
0x53: {  	s14 =	simm.s32 @!p0 $0x7  }
0x54: {  	_ =	swait.ge @!p0 [sflag:s14], $0x2780  }
0x55: {  	[sflag:s14] =	ssyncset.done @!p0 $0x0  }
0x56: {  	[sflag:s14] =	ssyncadd.s32 @!p0 $0xFFFFD880  }
0x57: {  	[bflag:$0x0] =	sbarrier.arrive $0xFFFF  }
0x58: {  	s20 =	rddreg [dreg:$0x6]  }
0x59: {  	[tilespmem:s2], [sflag:$0x7] =	stream.linear.gather [hbm4b:s20+s2], $0x80, $0x38;
	[tilespmem:$0x1FC80] =	vst v63  }
0x5a: {  	_ =	swait.ge [sflag:s28], $0x80  }
0x5b: {  	[sflag:s28] =	ssyncset.done $0x0  }
0x5c: {  	s25 =	rddreg [dreg:$0x7];
	[sflag:s28] =	ssyncadd.s32 $0xFFFFFF80  }
0x5d: {  	[tilespmem:s29], [sflag:$0x7] =	stream.linear.gather [hbm4b:s25+s2], $0x80, $0x38;
	[tilespmem:$0x1FC80] =	vst v63  }
0x5e: {  	_ =	swait.ge [sflag:s28], $0x80  }
0x5f: {  	[sflag:s28] =	ssyncset.done $0x0  }
0x60: {  	[sflag:s28] =	ssyncadd.s32 $0xFFFFFF80  }
0x61: {  	[tilespmem:s30], [sflag:$0x1] =	stream.indirect.gather [hbm4b:s4+s29], $0x80, s2, s29, $0xb8;
	[tilespmem:$0x1FC80] =	vst v63  }
0x62: {  	s15 =	rddreg [dreg:$0x8]  }
0x63: {  	[tilespmem:s31], [sflag:$0x7] =	stream.linear.gather [hbm4b:s15+s2], $0x80, $0x38;
	[tilespmem:$0x1FC80] =	vst v63  }
0x64: {  	_ =	swait.ge [sflag:s28], $0x80  }
0x65: {  	[sflag:s28] =	ssyncset.done $0x0  }
0x66: {  	s16 =	rddreg [dreg:$0x9];
	[sflag:s28] =	ssyncadd.s32 $0xFFFFFF80  }
0x67: {  	[tilespmem:s0], [sflag:$0x7] =	stream.linear.gather [hbm4b:s16+s2], $0x80, $0x38;
	[tilespmem:$0x1FC80] =	vst v63  }
0x68: {  	_ =	swait.ge [sflag:s28], $0x80  }
0x69: {  	[sflag:s28] =	ssyncset.done $0x0  }
0x6a: {  	s20 =	rddreg [dreg:$0xa];
	[sflag:s28] =	ssyncadd.s32 $0xFFFFFF80  }
0x6b: {  	[tilespmem:s3], [sflag:$0x3] =	stream.indirect.gather [hbm4b:s4+s29], $0x80, s31, s29, $0xb8;
	[tilespmem:$0x1FC80] =	vst v63  }
0x6c: {  	s25 =	rddreg [dreg:$0xb]  }
0x6d: {  	[tilespmem:s7], [sflag:$0x6] =	stream.linear.gather [hbm4b:s20+s2], $0x80, $0x38;
	[tilespmem:$0x1FC80] =	vst v63  }
0x6e: {  	s15 =	simm.s32 $0x0;
	s14 =	rddreg [dreg:$0x11]  }
0x6f: {  	[tilespmem:s8], [sflag:$0x6] =	stream.linear.gather [hbm4b:s25+s2], $0x80, $0x38;
	[tilespmem:$0x1FC80] =	vst v63  }
.LBB2_2:
0x70: {  	_ =	swait.ge [sflag:s9], $0x4000  }
0x71: {  	[sflag:s9] =	ssyncset.done $0x0  }
0x72: {  	[sflag:s9] =	ssyncadd.s32 $0xFFFFC000  }
0x73: {  	[spmem:s1] =	stream.indirect.scatter.add.f32 [tilespmem:s30], [sflag:$0x7], $0x80, s29, s29, $0xb8;
	[tilespmem:$0x1FC80] =	vst v63  }
0x74: {  	p1 =	seq.s32 s15, $0x4B0;
	_ =	swait.ge [sflag:s28], $0x4000  }
0x75: {  	s16 =	sshrl.u32 @!p1 s14, $0x3;
	[sflag:s28] =	ssyncset.done $0x0  }
0x76: {  	s25 =	simm.s32 @!p1 $0x0;
	s20 =	sadd.s32 @!p1 s5, s16;
	[sflag:s28] =	ssyncadd.s32 $0xFFFFC000  }
0x77: {  	[tilespmem:s25], [sflag:$0x2] =	stream.linear.gather @!p1 [hbm4b:s20+s25], $0x80, $0x38;
	[tilespmem:$0x1FC80] =	vst v63  }
0x78: {  	s16 =	sadd.s32 @!p1 s6, s16;
	s20 =	simm.s32 @!p1 $0x80  }
0x79: {  	[tilespmem:s20], [sflag:$0x2] =	stream.linear.gather @!p1 [hbm4b:s16+s25], $0x80, $0x38;
	[tilespmem:$0x1FC80] =	vst v63  }
0x7a: {  	_ =	swait.ge [sflag:s10], $0x80  }
0x7b: {  	[sflag:s10] =	ssyncset.done $0x0  }
0x7c: {  	[sflag:s10] =	ssyncadd.s32 $0xFFFFFF80  }
0x7d: {  	_ =	swait.ge [sflag:s10], $0x80  }
0x7e: {  	[sflag:s10] =	ssyncset.done $0x0  }
0x7f: {  	[sflag:s10] =	ssyncadd.s32 $0xFFFFFF80  }
0x80: {  	[tilespmem:s11], [sflag:$0x5] =	stream.indirect.gather [hbm4b:s4+s29], $0x80, s7, s29, $0xb8;
	[tilespmem:$0x1FC80] =	vst v63  }
0x81: {  	_ =	swait.ge [sflag:s12], $0x4000  }
0x82: {  	[sflag:s12] =	ssyncset.done $0x0  }
.Ltmp2:
0x83: {  	[sflag:s12] =	ssyncadd.s32 $0xFFFFC000;
	(pc) =	sbr.rel @p1 .LBB2_4-.Ltmp2, $4  }
0x84: {  	[spmem:s1] =	stream.indirect.scatter.add.f32 [tilespmem:s3], [sflag:$0x7], $0x80, s0, s29, $0xb8;
	[tilespmem:$0x1FC80] =	vst v63  }
0x85: {  	_ =	swait.ge [sflag:s28], $0x4000  }
0x86: {  	[sflag:s28] =	ssyncset.done $0x0  }
0x87: {  	[sflag:s28] =	ssyncadd.s32 $0xFFFFC000  }
0x88: {  	s16 =	sadd.s32 s15, s24  }
0x89: {  	[tilespmem:s31], [sflag:$0x4] =	stream.linear.gather [hbm4b:s16+s2], $0x80, $0x38;
	[tilespmem:$0x1FC80] =	vst v63  }
0x8a: {  	s25 =	sadd.s32 s15, s23  }
0x8b: {  	[tilespmem:s0], [sflag:$0x4] =	stream.linear.gather [hbm4b:s25+s2], $0x80, $0x38;
	[tilespmem:$0x1FC80] =	vst v63  }
0x8c: {  	_ =	swait.ge [sflag:s17], $0x80  }
0x8d: {  	[sflag:s17] =	ssyncset.done $0x0  }
0x8e: {  	[sflag:s17] =	ssyncadd.s32 $0xFFFFFF80  }
0x8f: {  	_ =	swait.ge [sflag:s17], $0x80  }
0x90: {  	[sflag:s17] =	ssyncset.done $0x0  }
0x91: {  	[sflag:s17] =	ssyncadd.s32 $0xFFFFFF80  }
0x92: {  	[tilespmem:s30], [sflag:$0x1] =	stream.indirect.gather [hbm4b:s4+s29], $0x80, s2, s29, $0xb8;
	[tilespmem:$0x1FC80] =	vst v63  }
0x93: {  	_ =	swait.ge [sflag:s13], $0x4000  }
0x94: {  	[sflag:s13] =	ssyncset.done $0x0  }
0x95: {  	[sflag:s13] =	ssyncadd.s32 $0xFFFFC000  }
0x96: {  	[spmem:s1] =	stream.indirect.scatter.add.f32 [tilespmem:s11], [sflag:$0x7], $0x80, s8, s29, $0xb8;
	[tilespmem:$0x1FC80] =	vst v63  }
0x97: {  	_ =	swait.ge [sflag:s28], $0x4000  }
0x98: {  	[sflag:s28] =	ssyncset.done $0x0  }
0x99: {  	s20 =	sadd.s32 s15, s22;
	[sflag:s28] =	ssyncadd.s32 $0xFFFFC000  }
0x9a: {  	[tilespmem:s7], [sflag:$0x6] =	stream.linear.gather [hbm4b:s20+s2], $0x80, $0x38;
	[tilespmem:$0x1FC80] =	vst v63  }
0x9b: {  	s25 =	sadd.s32 s15, s21  }
0x9c: {  	[tilespmem:s8], [sflag:$0x6] =	stream.linear.gather [hbm4b:s25+s2], $0x80, $0x38;
	[tilespmem:$0x1FC80] =	vst v63  }
0x9d: {  	_ =	swait.ge [sflag:s18], $0x80  }
0x9e: {  	[sflag:s18] =	ssyncset.done $0x0  }
.Ltmp3:
0x9f: {  	[sflag:s18] =	ssyncadd.s32 $0xFFFFFF80;
	(pc) =	sbr.rel .LBB2_2-.Ltmp3, $4  }
0xa0: {  	_ =	swait.ge [sflag:s18], $0x80  }
0xa1: {  	[sflag:s18] =	ssyncset.done $0x0  }
0xa2: {  	s14 =	sadd.s32 $0x180, s14;
	s15 =	sadd.s32 $0x30, s15;
	[sflag:s18] =	ssyncadd.s32 $0xFFFFFF80  }
0xa3: {  	[tilespmem:s3], [sflag:$0x3] =	stream.indirect.gather [hbm4b:s4+s29], $0x80, s31, s29, $0xb8;
	[tilespmem:$0x1FC80] =	vst v63  }
.LBB2_5:
0xa4: {  	_ =	sfence.sel $0x180000  }
0xa5: {  	[bflag:$0x0] =	sbarrier.arrive $0xFFFF  }
0xa6: {  	_ =	strace $0x90000050  }
0xa7: {  	s0 =	stileid.u32;
	[bflag:$0x2] =	sbarrier.arrive $0xFFFF  }
0xa8: {  	p0 =	sne.s32 s0, $0x0;
	s0 =	rddreg [dreg:$0x2]  }
0xa9: {  	s0 =	sadd.s32 @!p0 $0x100000, s0  }
0xaa: {  	[sflag:s0] =	ssyncadd.tile.s32 @!p0 $0x1;
	_ =	shalt  }
.Lfunc_end2:
_tile_overlayer_lowered:
.L_overlay_start_2:
0xab: {  	(tag) =	ssettag $0x2  }
0xac: {  	s0 =	rddreg [dreg:$0x0];
	s2 =	stileid.u32  }
0xad: {  	s1 =	rddreg [dreg:$0x1];
	p0 =	sne.s32 s2, $0x0  }
0xae: {  	s3 =	rddreg [dreg:$0x2];
	[bflag:$0x3] =	sbarrier.arrive $0xFFFF;
	s2 =	simm.s32 @!p0 $0x1C07  }
0xaf: {  	[timem:s3], [sflag:s2] =	dma.local @!p0 [hbm:s0], s1  }
0xb0: {  	s0 =	simm.s32 @!p0 $0x7  }
0xb1: {  	_ =	swait.ge @!p0 [sflag:s0], s1  }
0xb2: {  	s1 =	ssub.s32 @!p0 $0x0, s1;
	[sflag:s0] =	ssyncset.done @!p0 $0x0  }
0xb3: {  	[sflag:s0] =	ssyncadd.s32 @!p0 s1  }
0xb4: {  	[bflag:$0x3] =	sbarrier.arrive $0xFFFF  }
0xb5: {  	_ =	shalt  }

</sc_bundles>
